<compile_context>
chip_gen: v7x
topology: tpu7x:2x2x1
jax: 0.10.2.dev20260603
libtpu: 0.0.44.dev20260713+nightly
codegen_flags: <defaults>
</compile_context>

<pallas_src>
import functools

import jax
import jax.numpy as jnp
from jax import lax
from jax.experimental import pallas as pl
from jax.experimental.pallas import tpu as pltpu
from jax.experimental.pallas import tpu_sc as plsc

NC = 2
NS = 16
NW = NC * NS

CL = 512
NBUF = 2
SEG = 2048
IDXC = 8192


def _make_k1(B, V, D):
    LP = ((V + 127) // 128) * 128
    QTOT = LP // 128
    QW = -(-QTOT // NW)
    LW = QW * 128
    NCH = -(-QW * 128 // CL)
    mesh = plsc.VectorSubcoreMesh(core_axis_name="c", subcore_axis_name="s")

    @functools.partial(
        pl.kernel,
        mesh=mesh,
        out_type=jax.ShapeDtypeStruct((B + 128, 128), jnp.float32),
        scratch_types=[
            pltpu.VMEM((NBUF, D, CL), jnp.float32),
            pltpu.VMEM((IDXC,), jnp.int32),
            pltpu.VMEM((B + 16,), jnp.int32),
            pltpu.VMEM((B + 16,), jnp.int32),
            pltpu.VMEM((SEG + 16,), jnp.int32),
            pltpu.VMEM((SEG + 16,), jnp.int32),
            pltpu.VMEM((128, 128), jnp.float32),
            pltpu.VMEM((1, 128), jnp.int32),
            pltpu.SemaphoreType.DMA,
            pltpu.SemaphoreType.DMA,
            pltpu.SemaphoreType.DMA,
            pltpu.SemaphoreType.DMA,
            pltpu.SemaphoreType.DMA,
        ],
        compiler_params=pltpu.CompilerParams(
            use_tc_tiling_on_sc=True, needs_layout_passes=False
        ),
    )
    def k1(idx_hbm, table_hbm, out_hbm,
           stage_v, idxb_v, il_v, bl_v, cil_v, cbl_v, ob_v, idx1_v,
           sem0, sem1, sem2, sem3, semsc):

        def flush_block(n_valid):
            zero = jnp.broadcast_to(jnp.int32(0), (16,))
            c64 = jnp.broadcast_to(jnp.int32(64), (16,))
            for g in range(8):
                lanes = g * 16 + lax.iota(jnp.int32, 16)
                bf = plsc.load_gather(ob_v, [lanes, c64])
                bi = plsc.bitcast(bf, jnp.int32)
                sel = jnp.where(lanes < n_valid, bi, B + lanes)
                plsc.store_scatter(idx1_v, [zero, lanes], sel)
            pltpu.async_copy(ob_v, out_hbm.at[idx1_v.at[0]], semsc).wait()
        iota16 = lax.iota(jnp.int32, 16)
        wid = lax.axis_index("s") * NC + lax.axis_index("c")
        lo = wid * LW
        hi = jnp.minimum(lo + LW, V)
        sems = (sem0, sem1, sem2, sem3)

        def st_off(c):
            return jnp.minimum(lo + CL * c, LP - CL)

        for b in range(NBUF):
            pltpu.async_copy(table_hbm.at[:, pl.ds(st_off(b), CL)],
                             stage_v.at[b], sems[b])

        def passa_t(t, off):
            pltpu.sync_copy(idx_hbm.at[pl.ds(t * IDXC, IDXC)], idxb_v)

            def passa_u(u, off):
                v = idxb_v[pl.ds(u * 16, 16)]
                m = (v >= lo) & (v < hi)
                mi = m.astype(jnp.int32)
                cs = plsc.cumsum(mi)
                pos = off + cs - mi
                plsc.store_scatter(il_v, [pos], v, mask=m)
                bvec = t * IDXC + u * 16 + iota16
                plsc.store_scatter(bl_v, [pos], bvec, mask=m)
                return off + plsc.all_reduce_population_count(m)[0]

            return lax.fori_loop(0, IDXC // 16, passa_u, off)

        n_w = lax.fori_loop(0, B // IDXC, passa_t, jnp.int32(0))

        NCH_E = -(-NCH // NBUF) * NBUF

        def do_chunk(c, par, slot):
            pltpu.make_async_copy(
                table_hbm.at[:, pl.ds(st_off(0), CL)],
                stage_v.at[par], sems[par]).wait()
            lane0 = lo + CL * c
            soff = st_off(c)
            chunk_hi = jnp.minimum(lane0 + CL, hi)

            def seg_body(s, slot):
                seg_n = jnp.minimum(jnp.int32(SEG), n_w - s * SEG)

                def rescan(u, moff):
                    e0 = s * SEG + u * 16
                    iv = il_v[pl.ds(e0, 16)]
                    bv = bl_v[pl.ds(e0, 16)]
                    ev = (e0 + iota16) < n_w
                    m = (iv >= lane0) & (iv < chunk_hi) & ev
                    mi = m.astype(jnp.int32)
                    cs = plsc.cumsum(mi)
                    pos = moff + cs - mi
                    plsc.store_scatter(cil_v, [pos], iv, mask=m)
                    plsc.store_scatter(cbl_v, [pos], bv, mask=m)
                    return moff + plsc.all_reduce_population_count(m)[0]

                m_cnt = lax.fori_loop(
                    0, (seg_n + 15) // 16, rescan, jnp.int32(0))

                def entry(e, slot):
                    i_s = cil_v[pl.ds(e, 16)][0]
                    b_s = cbl_v[pl.ds(e, 16)][0]
                    cloc = i_s - soff
                    lanes = jnp.broadcast_to(cloc, (16,))
                    pars = jnp.broadcast_to(jnp.int32(par), (16,))
                    srow = lax.rem(slot, 128)
                    rowv = jnp.broadcast_to(srow, (16,))
                    for g in range(D // 16):
                        rows = g * 16 + iota16
                        vals = plsc.load_gather(stage_v, [pars, rows, lanes])
                        plsc.store_scatter(ob_v, [rowv, rows], vals)
                    bvecf = plsc.bitcast(
                        jnp.broadcast_to(b_s, (16,)), jnp.float32)
                    plsc.store_scatter(ob_v, [rowv, 64 + iota16], bvecf)

                    @pl.when(srow == 127)
                    def _():
                        flush_block(jnp.int32(128))

                    return slot + 1

                return lax.fori_loop(0, m_cnt, entry, slot)

            slot = lax.fori_loop(0, (n_w + SEG - 1) // SEG, seg_body, slot)

            @pl.when(c + NBUF < NCH_E)
            def _():
                pltpu.async_copy(
                    table_hbm.at[:, pl.ds(st_off(c + NBUF), CL)],
                    stage_v.at[par], sems[par])

            return slot

        def ring_body(p, slot):
            for b in range(NBUF):
                slot = do_chunk(NBUF * p + b, b, slot)
            return slot

        slot = lax.fori_loop(0, NCH_E // NBUF, ring_body, jnp.int32(0))

        @pl.when(lax.rem(slot, 128) != 0)
        def _():
            flush_block(lax.rem(slot, 128))

    return k1


def kernel(cond, embedding_table):
    B, = cond.shape
    V, D = embedding_table.shape
    idx = cond.astype(jnp.int32)
    out_pad = _make_k1(B, V, D)(idx, embedding_table.T)
    return out_pad[:B, :D]

# --- scband reference (transcript-rebuilt; emitter-appended) ---
"""Pipeline reference for scband-integer-embedder-20899310862450 (READ-ONLY COPY).

The authoritative reference and input builder live on the scoring server;
editing this copy changes nothing except your own understanding.
"""

import jax, jax.numpy as jnp
import numpy as np

NUM_EMBEDDING = 1000000
DIM_EMBEDDING = 64
BATCH = 16384
# dropout=0.1 > 0 -> null embedding row exists; table has NUM_EMBEDDING+1 rows.
# Module is evaluated in eval mode (training=False) with force_drop_ids=None,
# so token_drop is an identity: drop_ids are all False and cond passes through.

def setup_inputs(seed: int = 0) -> dict:
    key = jax.random.key(seed)
    k_cond, k_tab = jax.random.split(key)
    cond = jax.random.randint(k_cond, (BATCH,), 0, NUM_EMBEDDING, dtype=jnp.int64 if jax.config.jax_enable_x64 else jnp.int32)
    embedding_table = jax.random.normal(k_tab, (NUM_EMBEDDING + 1, DIM_EMBEDDING), dtype=jnp.float32)
    return {"cond": cond, "embedding_table": embedding_table}

def reference(cond, embedding_table):
    # quantize=False -> skip quantizer
    # use_dropout=True but eval mode + no force_drop_ids -> identity token_drop
    drop_ids = jnp.zeros(cond.shape[0], dtype=bool)
    null_idx = jnp.full((cond.shape[0],), NUM_EMBEDDING, dtype=cond.dtype)
    idx = jnp.where(drop_ids, null_idx, cond)
    embeddings = jnp.take(embedding_table, idx, axis=0)
    return embeddings

if __name__ == "__main__":
    import jax
    _d = setup_inputs()
    print(jax.jit(kernel)(*tuple(_d.values())))

</pallas_src>

<mosaic_0001>
#map = affine_map<(d0, d1) -> (0)>
#map1 = affine_map<(d0, d1) -> (0, 0)>
module attributes {stable_mosaic.version = 14 : i64} {
  func.func @k1(%arg0: i32, %arg1: i32, %arg2: memref<16384xi32, #tpu.memory_space<hbm>>, %arg3: memref<64x1000001xf32, #tpu.memory_space<hbm>>, %arg4: memref<16512x128xf32, #tpu.memory_space<hbm>>, %arg5: memref<2x64x512xf32, #tpu.memory_space<vmem>>, %arg6: memref<8192xi32, #tpu.memory_space<vmem>>, %arg7: memref<16400xi32, #tpu.memory_space<vmem>>, %arg8: memref<16400xi32, #tpu.memory_space<vmem>>, %arg9: memref<2064xi32, #tpu.memory_space<vmem>>, %arg10: memref<2064xi32, #tpu.memory_space<vmem>>, %arg11: memref<128x128xf32, #tpu.memory_space<vmem>>, %arg12: memref<1x128xi32, #tpu.memory_space<vmem>>, %arg13: memref<!tpu.dma_semaphore, #tpu.memory_space<semaphore_mem>>, %arg14: memref<!tpu.dma_semaphore, #tpu.memory_space<semaphore_mem>>, %arg15: memref<!tpu.dma_semaphore, #tpu.memory_space<semaphore_mem>>, %arg16: memref<!tpu.dma_semaphore, #tpu.memory_space<semaphore_mem>>, %arg17: memref<!tpu.dma_semaphore, #tpu.memory_space<semaphore_mem>>) attributes {dimension_semantics = [#tpu.dimension_semantics<core_parallel>, #tpu.dimension_semantics<subcore_parallel>], iteration_bounds = array<i64: 2, 16>, scalar_prefetch = 0 : i64, scratch_operands = 13 : i64, tpu.core_type = #tpu.core_type<sc_vector_subcore>, window_params = [{transform_indices = #map}, {transform_indices = #map1}, {transform_indices = #map1}]} {
    %iota3A = tpu.iota {dimensions = array<i32: 0>} : vector<16xi32>
    %mul3A = arith.constant 2 : i32
    %mul3A_0 = arith.muli %arg1, %mul3A : i32
    %add3A = arith.addi %mul3A_0, %arg0 : i32
    %mul3A_1 = arith.constant 31360 : i32
    %mul3A_2 = arith.muli %add3A, %mul3A_1 : i32
    %add3A_3 = arith.constant 31360 : i32
    %add3A_4 = arith.addi %mul3A_2, %add3A_3 : i32
    %min3A = arith.constant 1000001 : i32
    %min3A_5 = arith.minsi %add3A_4, %min3A : i32
    %add3A_6 = arith.constant 0 : i32
    %add3A_7 = arith.addi %mul3A_2, %add3A_6 : i32
    %min3A_8 = arith.constant 999552 : i32
    %min3A_9 = arith.minsi %add3A_7, %min3A_8 : i32
    %dma_start3A = arith.constant 0 : i32
    %dma_start3A_10 = arith.constant 0 : i32
    %dma_start3A_11 = arith.constant 0 : i32
    %dma_start3A_12 = tpu.memref_slice %arg5[%dma_start3A, %dma_start3A_10, %dma_start3A_11] : memref<2x64x512xf32, #tpu.memory_space<vmem>> -> memref<1x64x512xf32, #tpu.memory_space<vmem>>
    %dma_start3A_13 = tpu.memref_squeeze %dma_start3A_12 : memref<1x64x512xf32, #tpu.memory_space<vmem>> -> memref<64x512xf32, #tpu.memory_space<vmem>>
    %dma_start3A_14 = arith.constant 0 : i32
    %dma_start3A_15 = tpu.memref_slice %arg3[%dma_start3A_14, %min3A_9] : memref<64x1000001xf32, #tpu.memory_space<hbm>> -> memref<64x512xf32, #tpu.memory_space<hbm>>
    %dma_start3A_16 = arith.constant 0 : i32
    %dma_start3A_17 = arith.constant 0 : i32
    %dma_start3A_18 = tpu.memref_slice %arg5[%dma_start3A, %dma_start3A_16, %dma_start3A_17] : memref<2x64x512xf32, #tpu.memory_space<vmem>> -> memref<1x64x512xf32, #tpu.memory_space<vmem>>
    %dma_start3A_19 = tpu.memref_squeeze %dma_start3A_18 : memref<1x64x512xf32, #tpu.memory_space<vmem>> -> memref<64x512xf32, #tpu.memory_space<vmem>>
    %dma_start3A_20 = arith.constant 0 : i32
    %dma_start3A_21 = tpu.memref_slice %arg3[%dma_start3A_20, %min3A_9] : memref<64x1000001xf32, #tpu.memory_space<hbm>> -> memref<64x512xf32, #tpu.memory_space<hbm>>
    tpu.enqueue_dma source(%dma_start3A_21 : memref<64x512xf32, #tpu.memory_space<hbm>>) target(%dma_start3A_19 : memref<64x512xf32, #tpu.memory_space<vmem>>) target_semaphore(%arg13 : memref<!tpu.dma_semaphore, #tpu.memory_space<semaphore_mem>>)
    %add3A_22 = arith.constant 512 : i32
    %add3A_23 = arith.addi %mul3A_2, %add3A_22 : i32
    %min3A_24 = arith.constant 999552 : i32
    %min3A_25 = arith.minsi %add3A_23, %min3A_24 : i32
    %dma_start3A_26 = arith.constant 1 : i32
    %dma_start3A_27 = arith.constant 0 : i32
    %dma_start3A_28 = arith.constant 0 : i32
    %dma_start3A_29 = tpu.memref_slice %arg5[%dma_start3A_26, %dma_start3A_27, %dma_start3A_28] : memref<2x64x512xf32, #tpu.memory_space<vmem>> -> memref<1x64x512xf32, #tpu.memory_space<vmem>>
    %dma_start3A_30 = tpu.memref_squeeze %dma_start3A_29 : memref<1x64x512xf32, #tpu.memory_space<vmem>> -> memref<64x512xf32, #tpu.memory_space<vmem>>
    %dma_start3A_31 = arith.constant 0 : i32
    %dma_start3A_32 = tpu.memref_slice %arg3[%dma_start3A_31, %min3A_25] : memref<64x1000001xf32, #tpu.memory_space<hbm>> -> memref<64x512xf32, #tpu.memory_space<hbm>>
    %dma_start3A_33 = arith.constant 0 : i32
    %dma_start3A_34 = arith.constant 0 : i32
    %dma_start3A_35 = tpu.memref_slice %arg5[%dma_start3A_26, %dma_start3A_33, %dma_start3A_34] : memref<2x64x512xf32, #tpu.memory_space<vmem>> -> memref<1x64x512xf32, #tpu.memory_space<vmem>>
    %dma_start3A_36 = tpu.memref_squeeze %dma_start3A_35 : memref<1x64x512xf32, #tpu.memory_space<vmem>> -> memref<64x512xf32, #tpu.memory_space<vmem>>
    %dma_start3A_37 = arith.constant 0 : i32
    %dma_start3A_38 = tpu.memref_slice %arg3[%dma_start3A_37, %min3A_25] : memref<64x1000001xf32, #tpu.memory_space<hbm>> -> memref<64x512xf32, #tpu.memory_space<hbm>>
    tpu.enqueue_dma source(%dma_start3A_38 : memref<64x512xf32, #tpu.memory_space<hbm>>) target(%dma_start3A_36 : memref<64x512xf32, #tpu.memory_space<vmem>>) target_semaphore(%arg14 : memref<!tpu.dma_semaphore, #tpu.memory_space<semaphore_mem>>)
    %scan3A = arith.constant 0 : i32
    %scan3A_39 = arith.constant 0 : i32
    %scan3A_40 = arith.constant 2 : i32
    %scan3A_41 = arith.addi %scan3A_39, %scan3A_40 : i32
    %scan3A_42 = arith.constant 1 : i32
    %scan3A_43 = scf.for %scan3A_55 = %scan3A_39 to %scan3A_41 step %scan3A_42 iter_args(%scan3A_56 = %scan3A) -> (i32)  : i32 {
      %mul3A_57 = arith.constant 8192 : i32
      %mul3A_58 = arith.muli %scan3A_55, %mul3A_57 : i32
      "tpu.region"() ({
        %run_scoped3A = tpu.sem_alloc : memref<!tpu.dma_semaphore, #tpu.memory_space<semaphore_mem>>
        %dma_start3A_65 = tpu.memref_slice %arg2[%mul3A_58] : memref<16384xi32, #tpu.memory_space<hbm>> -> memref<8192xi32, #tpu.memory_space<hbm>>
        %dma_start3A_66 = tpu.memref_slice %arg2[%mul3A_58] : memref<16384xi32, #tpu.memory_space<hbm>> -> memref<8192xi32, #tpu.memory_space<hbm>>
        tpu.enqueue_dma source(%dma_start3A_66 : memref<8192xi32, #tpu.memory_space<hbm>>) target(%arg6 : memref<8192xi32, #tpu.memory_space<vmem>>) target_semaphore(%run_scoped3A : memref<!tpu.dma_semaphore, #tpu.memory_space<semaphore_mem>>)
        %dma_wait3A = tpu.memref_slice %arg2[%mul3A_58] : memref<16384xi32, #tpu.memory_space<hbm>> -> memref<8192xi32, #tpu.memory_space<hbm>>
        %dma_wait3A_67 = tpu.memref_slice %arg2[%mul3A_58] : memref<16384xi32, #tpu.memory_space<hbm>> -> memref<8192xi32, #tpu.memory_space<hbm>>
        tpu.wait_dma2 semaphore(%run_scoped3A : memref<!tpu.dma_semaphore, #tpu.memory_space<semaphore_mem>>) src(%dma_wait3A_67 : memref<8192xi32, #tpu.memory_space<hbm>>) dst(%arg6 : memref<8192xi32, #tpu.memory_space<vmem>>)
        tpu.yield
      }) : () -> ()
      %scan3A_59 = arith.constant 0 : i32
      %scan3A_60 = arith.constant 512 : i32
      %scan3A_61 = arith.addi %scan3A_59, %scan3A_60 : i32
      %scan3A_62 = arith.constant 1 : i32
      %scan3A_63 = scf.for %scan3A_65 = %scan3A_59 to %scan3A_61 step %scan3A_62 iter_args(%scan3A_66 = %scan3A_56) -> (i32)  : i32 {
        %mul3A_67 = arith.constant 16 : i32
        %mul3A_68 = arith.muli %scan3A_65, %mul3A_67 : i32
        %get3A = arith.index_cast %mul3A_68 : i32 to index
        %get3A_69 = tpu.vector_load %arg6[%get3A] {strides = array<i32>} : memref<8192xi32, #tpu.memory_space<vmem>>, vector<16xi32>,
        %ge3A = vector.broadcast %mul3A_2 : i32 to vector<16xi32>
        %ge3A_70 = arith.cmpi sge, %get3A_69, %ge3A : vector<16xi32>
        %lt3A = vector.broadcast %min3A_5 : i32 to vector<16xi32>
        %lt3A_71 = arith.cmpi slt, %get3A_69, %lt3A : vector<16xi32>
        %and3A = arith.andi %ge3A_70, %lt3A_71 : vector<16xi1>
        %convert_element_type3A_72 = arith.extui %and3A : vector<16xi1> to vector<16xi32>
        %broadcast_in_dim3A = arith.constant true
        %broadcast_in_dim3A_73 = vector.broadcast %broadcast_in_dim3A : i1 to vector<16xi1>
        %masked_cumsum3A = tpu.scan <sum>, %convert_element_type3A_72 masked %broadcast_in_dim3A_73 : vector<16xi32>, vector<16xi1> -> vector<16xi32>
        %add3A_74 = vector.broadcast %scan3A_66 : i32 to vector<16xi32>
        %add3A_75 = arith.addi %add3A_74, %masked_cumsum3A : vector<16xi32>
        %sub3A = arith.subi %add3A_75, %convert_element_type3A_72 : vector<16xi32>
        tpu.vector_store_idx %arg7[%sub3A], %get3A_69 masked %and3A : memref<16400xi32, #tpu.memory_space<vmem>>[vector<16xi32>], vector<16xi32>, vector<16xi1>
        %mul3A_76 = arith.constant 8192 : i32
        %mul3A_77 = arith.muli %scan3A_55, %mul3A_76 : i32
        %mul3A_78 = arith.constant 16 : i32
        %mul3A_79 = arith.muli %scan3A_65, %mul3A_78 : i32
        %add3A_80 = arith.addi %mul3A_77, %mul3A_79 : i32
        %add3A_81 = vector.broadcast %add3A_80 : i32 to vector<16xi32>
        %add3A_82 = arith.addi %add3A_81, %iota3A : vector<16xi32>
        tpu.vector_store_idx %arg8[%sub3A], %add3A_82 masked %and3A : memref<16400xi32, #tpu.memory_space<vmem>>[vector<16xi32>], vector<16xi32>, vector<16xi1>
        %all_reduce_population_count3A = tpu.all_reduce %and3A {dim = 0 : i64, kind = #tpu.reduction_kind<sum>} : vector<16xi1> -> vector<16xi32>
        %slice3A = vector.extract_strided_slice %all_reduce_population_count3A {offsets = [0], sizes = [1], strides = [1]} : vector<16xi32> to vector<1xi32>
        %squeeze3A = vector.extract %slice3A[0] : i32 from vector<1xi32>
        %add3A_83 = arith.addi %scan3A_66, %squeeze3A : i32
        scf.yield %add3A_83 : i32
      }
      %scan3A_64 = arith.constant 512 : i32
      scf.yield %scan3A_63 : i32
    }
    %scan3A_44 = arith.constant 2 : i32
    %scan3A_45 = arith.constant 0 : i32
    %scan3A_46 = arith.constant 0 : i32
    %scan3A_47 = arith.constant 31 : i32
    %scan3A_48 = arith.addi %scan3A_46, %scan3A_47 : i32
    %scan3A_49 = arith.constant 1 : i32
    %scan3A_50 = scf.for %scan3A_55 = %scan3A_46 to %scan3A_48 step %scan3A_49 iter_args(%scan3A_56 = %scan3A_45) -> (i32)  : i32 {
      %mul3A_57 = arith.constant 2 : i32
      %mul3A_58 = arith.muli %mul3A_57, %scan3A_55 : i32
      %add3A_59 = arith.constant 0 : i32
      %add3A_60 = arith.addi %mul3A_58, %add3A_59 : i32
      %add3A_61 = arith.constant 0 : i32
      %add3A_62 = arith.addi %mul3A_2, %add3A_61 : i32
      %min3A_63 = arith.constant 999552 : i32
      %min3A_64 = arith.minsi %add3A_62, %min3A_63 : i32
      %dma_wait3A = arith.constant 0 : i32
      %dma_wait3A_65 = arith.constant 0 : i32
      %dma_wait3A_66 = arith.constant 0 : i32
      %dma_wait3A_67 = tpu.memref_slice %arg5[%dma_wait3A, %dma_wait3A_65, %dma_wait3A_66] : memref<2x64x512xf32, #tpu.memory_space<vmem>> -> memref<1x64x512xf32, #tpu.memory_space<vmem>>
      %dma_wait3A_68 = tpu.memref_squeeze %dma_wait3A_67 : memref<1x64x512xf32, #tpu.memory_space<vmem>> -> memref<64x512xf32, #tpu.memory_space<vmem>>
      %dma_wait3A_69 = arith.constant 0 : i32
      %dma_wait3A_70 = tpu.memref_slice %arg3[%dma_wait3A_69, %min3A_64] : memref<64x1000001xf32, #tpu.memory_space<hbm>> -> memref<64x512xf32, #tpu.memory_space<hbm>>
      %dma_wait3A_71 = arith.constant 0 : i32
      %dma_wait3A_72 = arith.constant 0 : i32
      %dma_wait3A_73 = tpu.memref_slice %arg5[%dma_wait3A, %dma_wait3A_71, %dma_wait3A_72] : memref<2x64x512xf32, #tpu.memory_space<vmem>> -> memref<1x64x512xf32, #tpu.memory_space<vmem>>
      %dma_wait3A_74 = tpu.memref_squeeze %dma_wait3A_73 : memref<1x64x512xf32, #tpu.memory_space<vmem>> -> memref<64x512xf32, #tpu.memory_space<vmem>>
      %dma_wait3A_75 = arith.constant 0 : i32
      %dma_wait3A_76 = tpu.memref_slice %arg3[%dma_wait3A_75, %min3A_64] : memref<64x1000001xf32, #tpu.memory_space<hbm>> -> memref<64x512xf32, #tpu.memory_space<hbm>>
      tpu.wait_dma2 semaphore(%arg13 : memref<!tpu.dma_semaphore, #tpu.memory_space<semaphore_mem>>) src(%dma_wait3A_76 : memref<64x512xf32, #tpu.memory_space<hbm>>) dst(%dma_wait3A_74 : memref<64x512xf32, #tpu.memory_space<vmem>>)
      %mul3A_77 = arith.constant 512 : i32
      %mul3A_78 = arith.muli %mul3A_77, %add3A_60 : i32
      %add3A_79 = arith.addi %mul3A_2, %mul3A_78 : i32
      %mul3A_80 = arith.constant 512 : i32
      %mul3A_81 = arith.muli %mul3A_80, %add3A_60 : i32
      %add3A_82 = arith.addi %mul3A_2, %mul3A_81 : i32
      %min3A_83 = arith.constant 999552 : i32
      %min3A_84 = arith.minsi %add3A_82, %min3A_83 : i32
      %add3A_85 = arith.constant 512 : i32
      %add3A_86 = arith.addi %add3A_79, %add3A_85 : i32
      %min3A_87 = arith.minsi %add3A_86, %min3A_5 : i32
      %add3A_88 = arith.constant 2048 : i32
      %add3A_89 = arith.addi %scan3A_43, %add3A_88 : i32
      %sub3A = arith.constant 1 : i32
      %sub3A_90 = arith.subi %add3A_89, %sub3A : i32
      %jit3A = arith.constant 2048 : i32
      %div3A = arith.divsi %sub3A_90, %jit3A : i32
      %sign3A = arith.constant 0 : i32
      %sign3A_91 = arith.cmpi sgt, %sub3A_90, %sign3A : i32
      %sign3A_92 = arith.extui %sign3A_91 : i1 to i32
      %sign3A_93 = arith.constant 0 : i32
      %sign3A_94 = arith.cmpi slt, %sub3A_90, %sign3A_93 : i32
      %sign3A_95 = arith.extui %sign3A_94 : i1 to i32
      %sign3A_96 = arith.subi %sign3A_92, %sign3A_95 : i32
      %sign3A_97 = arith.constant 0 : i32
      %sign3A_98 = arith.cmpi sgt, %jit3A, %sign3A_97 : i32
      %sign3A_99 = arith.extui %sign3A_98 : i1 to i32
      %sign3A_100 = arith.constant 0 : i32
      %sign3A_101 = arith.cmpi slt, %jit3A, %sign3A_100 : i32
      %sign3A_102 = arith.extui %sign3A_101 : i1 to i32
      %sign3A_103 = arith.subi %sign3A_99, %sign3A_102 : i32
      %ne3A_104 = arith.cmpi ne, %sign3A_96, %sign3A_103 : i32
      %rem3A_105 = arith.remsi %sub3A_90, %jit3A : i32
      %ne3A_106 = arith.constant 0 : i32
      %ne3A_107 = arith.cmpi ne, %rem3A_105, %ne3A_106 : i32
      %and3A = arith.andi %ne3A_104, %ne3A_107 : i1
      %sub3A_108 = arith.constant 1 : i32
      %sub3A_109 = arith.subi %div3A, %sub3A_108 : i32
      %select_n3A = arith.select %and3A, %sub3A_109, %div3A : i32
      %while3A = arith.constant 0 : i32
      %while3A_110 = arith.subi %select_n3A, %while3A : i32
      %while3A_111 = arith.addi %while3A, %while3A_110 : i32
      %while3A_112 = arith.constant 1 : i32
      %while3A_113 = arith.divsi %while3A_110, %while3A_112 : i32
      %while3A_114 = arith.muli %while3A_113, %while3A_112 : i32
      %while3A_115 = arith.addi %while3A, %while3A_114 : i32
      %while3A_116 = arith.constant 1 : i32
      %while3A_117 = scf.for %while3A_204 = %while3A to %while3A_115 step %while3A_116 iter_args(%while3A_205 = %scan3A_56) -> (i32)  : i32 {
        %mul3A_206 = arith.constant 2048 : i32
        %mul3A_207 = arith.muli %while3A_204, %mul3A_206 : i32
        %sub3A_208 = arith.subi %scan3A_43, %mul3A_207 : i32
        %min3A_209 = arith.constant 2048 : i32
        %min3A_210 = arith.minsi %min3A_209, %sub3A_208 : i32
        %add3A_211 = arith.constant 15 : i32
        %add3A_212 = arith.addi %min3A_210, %add3A_211 : i32
        %jit3A_213 = arith.constant 16 : i32
        %div3A_214 = arith.divsi %add3A_212, %jit3A_213 : i32
        %sign3A_215 = arith.constant 0 : i32
        %sign3A_216 = arith.cmpi sgt, %add3A_212, %sign3A_215 : i32
        %sign3A_217 = arith.extui %sign3A_216 : i1 to i32
        %sign3A_218 = arith.constant 0 : i32
        %sign3A_219 = arith.cmpi slt, %add3A_212, %sign3A_218 : i32
        %sign3A_220 = arith.extui %sign3A_219 : i1 to i32
        %sign3A_221 = arith.subi %sign3A_217, %sign3A_220 : i32
        %sign3A_222 = arith.constant 0 : i32
        %sign3A_223 = arith.cmpi sgt, %jit3A_213, %sign3A_222 : i32
        %sign3A_224 = arith.extui %sign3A_223 : i1 to i32
        %sign3A_225 = arith.constant 0 : i32
        %sign3A_226 = arith.cmpi slt, %jit3A_213, %sign3A_225 : i32
        %sign3A_227 = arith.extui %sign3A_226 : i1 to i32
        %sign3A_228 = arith.subi %sign3A_224, %sign3A_227 : i32
        %ne3A_229 = arith.cmpi ne, %sign3A_221, %sign3A_228 : i32
        %rem3A_230 = arith.remsi %add3A_212, %jit3A_213 : i32
        %ne3A_231 = arith.constant 0 : i32
        %ne3A_232 = arith.cmpi ne, %rem3A_230, %ne3A_231 : i32
        %and3A_233 = arith.andi %ne3A_229, %ne3A_232 : i1
        %sub3A_234 = arith.constant 1 : i32
        %sub3A_235 = arith.subi %div3A_214, %sub3A_234 : i32
        %select_n3A_236 = arith.select %and3A_233, %sub3A_235, %div3A_214 : i32
        %while3A_237 = arith.constant 0 : i32
        %while3A_238 = arith.constant 0 : i32
        %while3A_239 = arith.subi %select_n3A_236, %while3A_237 : i32
        %while3A_240 = arith.addi %while3A_237, %while3A_239 : i32
        %while3A_241 = arith.constant 1 : i32
        %while3A_242 = arith.divsi %while3A_239, %while3A_241 : i32
        %while3A_243 = arith.muli %while3A_242, %while3A_241 : i32
        %while3A_244 = arith.addi %while3A_237, %while3A_243 : i32
        %while3A_245 = arith.constant 1 : i32
        %while3A_246 = scf.for %while3A_260 = %while3A_237 to %while3A_244 step %while3A_245 iter_args(%while3A_261 = %while3A_238) -> (i32)  : i32 {
          %mul3A_262 = arith.constant 2048 : i32
          %mul3A_263 = arith.muli %while3A_204, %mul3A_262 : i32
          %mul3A_264 = arith.constant 16 : i32
          %mul3A_265 = arith.muli %while3A_260, %mul3A_264 : i32
          %add3A_266 = arith.addi %mul3A_263, %mul3A_265 : i32
          %get3A = arith.index_cast %add3A_266 : i32 to index
          %get3A_267 = tpu.vector_load %arg7[%get3A] {strides = array<i32>} : memref<16400xi32, #tpu.memory_space<vmem>>, vector<16xi32>,
          %get3A_268 = arith.index_cast %add3A_266 : i32 to index
          %get3A_269 = tpu.vector_load %arg8[%get3A_268] {strides = array<i32>} : memref<16400xi32, #tpu.memory_space<vmem>>, vector<16xi32>,
          %add3A_270 = vector.broadcast %add3A_266 : i32 to vector<16xi32>
          %add3A_271 = arith.addi %add3A_270, %iota3A : vector<16xi32>
          %lt3A_272 = vector.broadcast %scan3A_43 : i32 to vector<16xi32>
          %lt3A_273 = arith.cmpi slt, %add3A_271, %lt3A_272 : vector<16xi32>
          %ge3A = vector.broadcast %add3A_79 : i32 to vector<16xi32>
          %ge3A_274 = arith.cmpi sge, %get3A_267, %ge3A : vector<16xi32>
          %lt3A_275 = vector.broadcast %min3A_87 : i32 to vector<16xi32>
          %lt3A_276 = arith.cmpi slt, %get3A_267, %lt3A_275 : vector<16xi32>
          %and3A_277 = arith.andi %ge3A_274, %lt3A_276 : vector<16xi1>
          %and3A_278 = arith.andi %and3A_277, %lt3A_273 : vector<16xi1>
          %convert_element_type3A_279 = arith.extui %and3A_278 : vector<16xi1> to vector<16xi32>
          %broadcast_in_dim3A = arith.constant true
          %broadcast_in_dim3A_280 = vector.broadcast %broadcast_in_dim3A : i1 to vector<16xi1>
          %masked_cumsum3A = tpu.scan <sum>, %convert_element_type3A_279 masked %broadcast_in_dim3A_280 : vector<16xi32>, vector<16xi1> -> vector<16xi32>
          %add3A_281 = vector.broadcast %while3A_261 : i32 to vector<16xi32>
          %add3A_282 = arith.addi %add3A_281, %masked_cumsum3A : vector<16xi32>
          %sub3A_283 = arith.subi %add3A_282, %convert_element_type3A_279 : vector<16xi32>
          tpu.vector_store_idx %arg9[%sub3A_283], %get3A_267 masked %and3A_278 : memref<2064xi32, #tpu.memory_space<vmem>>[vector<16xi32>], vector<16xi32>, vector<16xi1>
          tpu.vector_store_idx %arg10[%sub3A_283], %get3A_269 masked %and3A_278 : memref<2064xi32, #tpu.memory_space<vmem>>[vector<16xi32>], vector<16xi32>, vector<16xi1>
          %all_reduce_population_count3A = tpu.all_reduce %and3A_278 {dim = 0 : i64, kind = #tpu.reduction_kind<sum>} : vector<16xi1> -> vector<16xi32>
          %slice3A = vector.extract_strided_slice %all_reduce_population_count3A {offsets = [0], sizes = [1], strides = [1]} : vector<16xi32> to vector<1xi32>
          %squeeze3A = vector.extract %slice3A[0] : i32 from vector<1xi32>
          %add3A_284 = arith.addi %while3A_261, %squeeze3A : i32
          scf.yield %add3A_284 : i32
        }
        %while3A_247 = arith.constant 1 : i32
        %while3A_248 = scf.for %while3A_260 = %while3A_244 to %while3A_240 step %while3A_247 iter_args(%while3A_261 = %while3A_246) -> (i32)  : i32 {
          %mul3A_262 = arith.constant 2048 : i32
          %mul3A_263 = arith.muli %while3A_204, %mul3A_262 : i32
          %mul3A_264 = arith.constant 16 : i32
          %mul3A_265 = arith.muli %while3A_260, %mul3A_264 : i32
          %add3A_266 = arith.addi %mul3A_263, %mul3A_265 : i32
          %get3A = arith.index_cast %add3A_266 : i32 to index
          %get3A_267 = tpu.vector_load %arg7[%get3A] {strides = array<i32>} : memref<16400xi32, #tpu.memory_space<vmem>>, vector<16xi32>,
          %get3A_268 = arith.index_cast %add3A_266 : i32 to index
          %get3A_269 = tpu.vector_load %arg8[%get3A_268] {strides = array<i32>} : memref<16400xi32, #tpu.memory_space<vmem>>, vector<16xi32>,
          %add3A_270 = vector.broadcast %add3A_266 : i32 to vector<16xi32>
          %add3A_271 = arith.addi %add3A_270, %iota3A : vector<16xi32>
          %lt3A_272 = vector.broadcast %scan3A_43 : i32 to vector<16xi32>
          %lt3A_273 = arith.cmpi slt, %add3A_271, %lt3A_272 : vector<16xi32>
          %ge3A = vector.broadcast %add3A_79 : i32 to vector<16xi32>
          %ge3A_274 = arith.cmpi sge, %get3A_267, %ge3A : vector<16xi32>
          %lt3A_275 = vector.broadcast %min3A_87 : i32 to vector<16xi32>
          %lt3A_276 = arith.cmpi slt, %get3A_267, %lt3A_275 : vector<16xi32>
          %and3A_277 = arith.andi %ge3A_274, %lt3A_276 : vector<16xi1>
          %and3A_278 = arith.andi %and3A_277, %lt3A_273 : vector<16xi1>
          %convert_element_type3A_279 = arith.extui %and3A_278 : vector<16xi1> to vector<16xi32>
          %broadcast_in_dim3A = arith.constant true
          %broadcast_in_dim3A_280 = vector.broadcast %broadcast_in_dim3A : i1 to vector<16xi1>
          %masked_cumsum3A = tpu.scan <sum>, %convert_element_type3A_279 masked %broadcast_in_dim3A_280 : vector<16xi32>, vector<16xi1> -> vector<16xi32>
          %add3A_281 = vector.broadcast %while3A_261 : i32 to vector<16xi32>
          %add3A_282 = arith.addi %add3A_281, %masked_cumsum3A : vector<16xi32>
          %sub3A_283 = arith.subi %add3A_282, %convert_element_type3A_279 : vector<16xi32>
          tpu.vector_store_idx %arg9[%sub3A_283], %get3A_267 masked %and3A_278 : memref<2064xi32, #tpu.memory_space<vmem>>[vector<16xi32>], vector<16xi32>, vector<16xi1>
          tpu.vector_store_idx %arg10[%sub3A_283], %get3A_269 masked %and3A_278 : memref<2064xi32, #tpu.memory_space<vmem>>[vector<16xi32>], vector<16xi32>, vector<16xi1>
          %all_reduce_population_count3A = tpu.all_reduce %and3A_278 {dim = 0 : i64, kind = #tpu.reduction_kind<sum>} : vector<16xi1> -> vector<16xi32>
          %slice3A = vector.extract_strided_slice %all_reduce_population_count3A {offsets = [0], sizes = [1], strides = [1]} : vector<16xi32> to vector<1xi32>
          %squeeze3A = vector.extract %slice3A[0] : i32 from vector<1xi32>
          %add3A_284 = arith.addi %while3A_261, %squeeze3A : i32
          scf.yield %add3A_284 : i32
        }
        %while3A_249 = arith.constant 0 : i32
        %while3A_250 = arith.subi %while3A_248, %while3A_249 : i32
        %while3A_251 = arith.addi %while3A_249, %while3A_250 : i32
        %while3A_252 = arith.constant 1 : i32
        %while3A_253 = arith.divsi %while3A_250, %while3A_252 : i32
        %while3A_254 = arith.muli %while3A_253, %while3A_252 : i32
        %while3A_255 = arith.addi %while3A_249, %while3A_254 : i32
        %while3A_256 = arith.constant 1 : i32
        %while3A_257 = scf.for %while3A_260 = %while3A_249 to %while3A_255 step %while3A_256 iter_args(%while3A_261 = %while3A_205) -> (i32)  : i32 {
          %get3A = arith.index_cast %while3A_260 : i32 to index
          %get3A_262 = tpu.vector_load %arg9[%get3A] {strides = array<i32>} : memref<2064xi32, #tpu.memory_space<vmem>>, vector<16xi32>,
          %slice3A = vector.extract_strided_slice %get3A_262 {offsets = [0], sizes = [1], strides = [1]} : vector<16xi32> to vector<1xi32>
          %squeeze3A = vector.extract %slice3A[0] : i32 from vector<1xi32>
          %get3A_263 = arith.index_cast %while3A_260 : i32 to index
          %get3A_264 = tpu.vector_load %arg10[%get3A_263] {strides = array<i32>} : memref<2064xi32, #tpu.memory_space<vmem>>, vector<16xi32>,
          %slice3A_265 = vector.extract_strided_slice %get3A_264 {offsets = [0], sizes = [1], strides = [1]} : vector<16xi32> to vector<1xi32>
          %squeeze3A_266 = vector.extract %slice3A_265[0] : i32 from vector<1xi32>
          %sub3A_267 = arith.subi %squeeze3A, %min3A_84 : i32
          %broadcast_in_dim3A = vector.broadcast %sub3A_267 : i32 to vector<16xi32>
          %broadcast_in_dim3A_268 = arith.constant 0 : i32
          %broadcast_in_dim3A_269 = vector.broadcast %broadcast_in_dim3A_268 : i32 to vector<16xi32>
          %rem3A_270 = arith.constant 128 : i32
          %rem3A_271 = arith.remsi %while3A_261, %rem3A_270 : i32
          %broadcast_in_dim3A_272 = vector.broadcast %rem3A_271 : i32 to vector<16xi32>
          %add3A_273 = arith.constant 0 : i32
          %add3A_274 = vector.broadcast %add3A_273 : i32 to vector<16xi32>
          %add3A_275 = arith.addi %add3A_274, %iota3A : vector<16xi32>
          %gather3A = tpu.vector_load_idx %arg5[%broadcast_in_dim3A_269, %add3A_275, %broadcast_in_dim3A] : memref<2x64x512xf32, #tpu.memory_space<vmem>>[vector<16xi32>, vector<16xi32>, vector<16xi32>], vector<16xf32>,
          tpu.vector_store_idx %arg11[%broadcast_in_dim3A_272, %add3A_275], %gather3A : memref<128x128xf32, #tpu.memory_space<vmem>>[vector<16xi32>, vector<16xi32>], vector<16xf32>,
          %add3A_276 = arith.constant 16 : i32
          %add3A_277 = vector.broadcast %add3A_276 : i32 to vector<16xi32>
          %add3A_278 = arith.addi %add3A_277, %iota3A : vector<16xi32>
          %gather3A_279 = tpu.vector_load_idx %arg5[%broadcast_in_dim3A_269, %add3A_278, %broadcast_in_dim3A] : memref<2x64x512xf32, #tpu.memory_space<vmem>>[vector<16xi32>, vector<16xi32>, vector<16xi32>], vector<16xf32>,
          tpu.vector_store_idx %arg11[%broadcast_in_dim3A_272, %add3A_278], %gather3A_279 : memref<128x128xf32, #tpu.memory_space<vmem>>[vector<16xi32>, vector<16xi32>], vector<16xf32>,
          %add3A_280 = arith.constant 32 : i32
          %add3A_281 = vector.broadcast %add3A_280 : i32 to vector<16xi32>
          %add3A_282 = arith.addi %add3A_281, %iota3A : vector<16xi32>
          %gather3A_283 = tpu.vector_load_idx %arg5[%broadcast_in_dim3A_269, %add3A_282, %broadcast_in_dim3A] : memref<2x64x512xf32, #tpu.memory_space<vmem>>[vector<16xi32>, vector<16xi32>, vector<16xi32>], vector<16xf32>,
          tpu.vector_store_idx %arg11[%broadcast_in_dim3A_272, %add3A_282], %gather3A_283 : memref<128x128xf32, #tpu.memory_space<vmem>>[vector<16xi32>, vector<16xi32>], vector<16xf32>,
          %add3A_284 = arith.constant 48 : i32
          %add3A_285 = vector.broadcast %add3A_284 : i32 to vector<16xi32>
          %add3A_286 = arith.addi %add3A_285, %iota3A : vector<16xi32>
          %gather3A_287 = tpu.vector_load_idx %arg5[%broadcast_in_dim3A_269, %add3A_286, %broadcast_in_dim3A] : memref<2x64x512xf32, #tpu.memory_space<vmem>>[vector<16xi32>, vector<16xi32>, vector<16xi32>], vector<16xf32>,
          tpu.vector_store_idx %arg11[%broadcast_in_dim3A_272, %add3A_286], %gather3A_287 : memref<128x128xf32, #tpu.memory_space<vmem>>[vector<16xi32>, vector<16xi32>], vector<16xf32>,
          %broadcast_in_dim3A_288 = vector.broadcast %squeeze3A_266 : i32 to vector<16xi32>
          %bitcast3A = vector.bitcast %broadcast_in_dim3A_288 : vector<16xi32> to vector<16xf32>
          %add3A_289 = arith.constant 64 : i32
          %add3A_290 = vector.broadcast %add3A_289 : i32 to vector<16xi32>
          %add3A_291 = arith.addi %add3A_290, %iota3A : vector<16xi32>
          tpu.vector_store_idx %arg11[%broadcast_in_dim3A_272, %add3A_291], %bitcast3A : memref<128x128xf32, #tpu.memory_space<vmem>>[vector<16xi32>, vector<16xi32>], vector<16xf32>,
          %eq3A = arith.constant 127 : i32
          %eq3A_292 = arith.cmpi eq, %rem3A_271, %eq3A : i32
          %convert_element_type3A_293 = arith.extui %eq3A_292 : i1 to i32
          %cond3A_294 = arith.constant 0 : i32
          %cond3A_295 = arith.cmpi ne, %convert_element_type3A_293, %cond3A_294 : i32
          scf.if %cond3A_295 {
            %broadcast_in_dim3A_298 = arith.constant 0 : i32
            %broadcast_in_dim3A_299 = vector.broadcast %broadcast_in_dim3A_298 : i32 to vector<16xi32>
            %broadcast_in_dim3A_300 = arith.constant 64 : i32
            %broadcast_in_dim3A_301 = vector.broadcast %broadcast_in_dim3A_300 : i32 to vector<16xi32>
            %iota3A_302 = tpu.iota {dimensions = array<i32: 0>} : vector<16xi32>
            %add3A_303 = arith.constant 0 : i32
            %add3A_304 = vector.broadcast %add3A_303 : i32 to vector<16xi32>
            %add3A_305 = arith.addi %add3A_304, %iota3A_302 : vector<16xi32>
            %gather3A_306 = tpu.vector_load_idx %arg11[%add3A_305, %broadcast_in_dim3A_301] : memref<128x128xf32, #tpu.memory_space<vmem>>[vector<16xi32>, vector<16xi32>], vector<16xf32>,
            %bitcast3A_307 = vector.bitcast %gather3A_306 : vector<16xf32> to vector<16xi32>
            %lt3A_308 = arith.constant 128 : i32
            %lt3A_309 = vector.broadcast %lt3A_308 : i32 to vector<16xi32>
            %lt3A_310 = arith.cmpi slt, %add3A_305, %lt3A_309 : vector<16xi32>
            %add3A_311 = arith.constant 16384 : i32
            %add3A_312 = vector.broadcast %add3A_311 : i32 to vector<16xi32>
            %add3A_313 = arith.addi %add3A_312, %add3A_305 : vector<16xi32>
            %select_n3A_314 = arith.select %lt3A_310, %bitcast3A_307, %add3A_313 : vector<16xi1>, vector<16xi32>
            tpu.vector_store_idx %arg12[%broadcast_in_dim3A_299, %add3A_305], %select_n3A_314 : memref<1x128xi32, #tpu.memory_space<vmem>>[vector<16xi32>, vector<16xi32>], vector<16xi32>,
            %iota3A_315 = tpu.iota {dimensions = array<i32: 0>} : vector<16xi32>
            %add3A_316 = arith.constant 16 : i32
            %add3A_317 = vector.broadcast %add3A_316 : i32 to vector<16xi32>
            %add3A_318 = arith.addi %add3A_317, %iota3A_315 : vector<16xi32>
            %gather3A_319 = tpu.vector_load_idx %arg11[%add3A_318, %broadcast_in_dim3A_301] : memref<128x128xf32, #tpu.memory_space<vmem>>[vector<16xi32>, vector<16xi32>], vector<16xf32>,
            %bitcast3A_320 = vector.bitcast %gather3A_319 : vector<16xf32> to vector<16xi32>
            %lt3A_321 = arith.constant 128 : i32
            %lt3A_322 = vector.broadcast %lt3A_321 : i32 to vector<16xi32>
            %lt3A_323 = arith.cmpi slt, %add3A_318, %lt3A_322 : vector<16xi32>
            %add3A_324 = arith.constant 16384 : i32
            %add3A_325 = vector.broadcast %add3A_324 : i32 to vector<16xi32>
            %add3A_326 = arith.addi %add3A_325, %add3A_318 : vector<16xi32>
            %select_n3A_327 = arith.select %lt3A_323, %bitcast3A_320, %add3A_326 : vector<16xi1>, vector<16xi32>
            tpu.vector_store_idx %arg12[%broadcast_in_dim3A_299, %add3A_318], %select_n3A_327 : memref<1x128xi32, #tpu.memory_space<vmem>>[vector<16xi32>, vector<16xi32>], vector<16xi32>,
            %iota3A_328 = tpu.iota {dimensions = array<i32: 0>} : vector<16xi32>
            %add3A_329 = arith.constant 32 : i32
            %add3A_330 = vector.broadcast %add3A_329 : i32 to vector<16xi32>
            %add3A_331 = arith.addi %add3A_330, %iota3A_328 : vector<16xi32>
            %gather3A_332 = tpu.vector_load_idx %arg11[%add3A_331, %broadcast_in_dim3A_301] : memref<128x128xf32, #tpu.memory_space<vmem>>[vector<16xi32>, vector<16xi32>], vector<16xf32>,
            %bitcast3A_333 = vector.bitcast %gather3A_332 : vector<16xf32> to vector<16xi32>
            %lt3A_334 = arith.constant 128 : i32
            %lt3A_335 = vector.broadcast %lt3A_334 : i32 to vector<16xi32>
            %lt3A_336 = arith.cmpi slt, %add3A_331, %lt3A_335 : vector<16xi32>
            %add3A_337 = arith.constant 16384 : i32
            %add3A_338 = vector.broadcast %add3A_337 : i32 to vector<16xi32>
            %add3A_339 = arith.addi %add3A_338, %add3A_331 : vector<16xi32>
            %select_n3A_340 = arith.select %lt3A_336, %bitcast3A_333, %add3A_339 : vector<16xi1>, vector<16xi32>
            tpu.vector_store_idx %arg12[%broadcast_in_dim3A_299, %add3A_331], %select_n3A_340 : memref<1x128xi32, #tpu.memory_space<vmem>>[vector<16xi32>, vector<16xi32>], vector<16xi32>,
            %iota3A_341 = tpu.iota {dimensions = array<i32: 0>} : vector<16xi32>
            %add3A_342 = arith.constant 48 : i32
            %add3A_343 = vector.broadcast %add3A_342 : i32 to vector<16xi32>
            %add3A_344 = arith.addi %add3A_343, %iota3A_341 : vector<16xi32>
            %gather3A_345 = tpu.vector_load_idx %arg11[%add3A_344, %broadcast_in_dim3A_301] : memref<128x128xf32, #tpu.memory_space<vmem>>[vector<16xi32>, vector<16xi32>], vector<16xf32>,
            %bitcast3A_346 = vector.bitcast %gather3A_345 : vector<16xf32> to vector<16xi32>
            %lt3A_347 = arith.constant 128 : i32
            %lt3A_348 = vector.broadcast %lt3A_347 : i32 to vector<16xi32>
            %lt3A_349 = arith.cmpi slt, %add3A_344, %lt3A_348 : vector<16xi32>
            %add3A_350 = arith.constant 16384 : i32
            %add3A_351 = vector.broadcast %add3A_350 : i32 to vector<16xi32>
            %add3A_352 = arith.addi %add3A_351, %add3A_344 : vector<16xi32>
            %select_n3A_353 = arith.select %lt3A_349, %bitcast3A_346, %add3A_352 : vector<16xi1>, vector<16xi32>
            tpu.vector_store_idx %arg12[%broadcast_in_dim3A_299, %add3A_344], %select_n3A_353 : memref<1x128xi32, #tpu.memory_space<vmem>>[vector<16xi32>, vector<16xi32>], vector<16xi32>,
            %iota3A_354 = tpu.iota {dimensions = array<i32: 0>} : vector<16xi32>
            %add3A_355 = arith.constant 64 : i32
            %add3A_356 = vector.broadcast %add3A_355 : i32 to vector<16xi32>
            %add3A_357 = arith.addi %add3A_356, %iota3A_354 : vector<16xi32>
            %gather3A_358 = tpu.vector_load_idx %arg11[%add3A_357, %broadcast_in_dim3A_301] : memref<128x128xf32, #tpu.memory_space<vmem>>[vector<16xi32>, vector<16xi32>], vector<16xf32>,
            %bitcast3A_359 = vector.bitcast %gather3A_358 : vector<16xf32> to vector<16xi32>
            %lt3A_360 = arith.constant 128 : i32
            %lt3A_361 = vector.broadcast %lt3A_360 : i32 to vector<16xi32>
            %lt3A_362 = arith.cmpi slt, %add3A_357, %lt3A_361 : vector<16xi32>
            %add3A_363 = arith.constant 16384 : i32
            %add3A_364 = vector.broadcast %add3A_363 : i32 to vector<16xi32>
            %add3A_365 = arith.addi %add3A_364, %add3A_357 : vector<16xi32>
            %select_n3A_366 = arith.select %lt3A_362, %bitcast3A_359, %add3A_365 : vector<16xi1>, vector<16xi32>
            tpu.vector_store_idx %arg12[%broadcast_in_dim3A_299, %add3A_357], %select_n3A_366 : memref<1x128xi32, #tpu.memory_space<vmem>>[vector<16xi32>, vector<16xi32>], vector<16xi32>,
            %iota3A_367 = tpu.iota {dimensions = array<i32: 0>} : vector<16xi32>
            %add3A_368 = arith.constant 80 : i32
            %add3A_369 = vector.broadcast %add3A_368 : i32 to vector<16xi32>
            %add3A_370 = arith.addi %add3A_369, %iota3A_367 : vector<16xi32>
            %gather3A_371 = tpu.vector_load_idx %arg11[%add3A_370, %broadcast_in_dim3A_301] : memref<128x128xf32, #tpu.memory_space<vmem>>[vector<16xi32>, vector<16xi32>], vector<16xf32>,
            %bitcast3A_372 = vector.bitcast %gather3A_371 : vector<16xf32> to vector<16xi32>
            %lt3A_373 = arith.constant 128 : i32
            %lt3A_374 = vector.broadcast %lt3A_373 : i32 to vector<16xi32>
            %lt3A_375 = arith.cmpi slt, %add3A_370, %lt3A_374 : vector<16xi32>
            %add3A_376 = arith.constant 16384 : i32
            %add3A_377 = vector.broadcast %add3A_376 : i32 to vector<16xi32>
            %add3A_378 = arith.addi %add3A_377, %add3A_370 : vector<16xi32>
            %select_n3A_379 = arith.select %lt3A_375, %bitcast3A_372, %add3A_378 : vector<16xi1>, vector<16xi32>
            tpu.vector_store_idx %arg12[%broadcast_in_dim3A_299, %add3A_370], %select_n3A_379 : memref<1x128xi32, #tpu.memory_space<vmem>>[vector<16xi32>, vector<16xi32>], vector<16xi32>,
            %iota3A_380 = tpu.iota {dimensions = array<i32: 0>} : vector<16xi32>
            %add3A_381 = arith.constant 96 : i32
            %add3A_382 = vector.broadcast %add3A_381 : i32 to vector<16xi32>
            %add3A_383 = arith.addi %add3A_382, %iota3A_380 : vector<16xi32>
            %gather3A_384 = tpu.vector_load_idx %arg11[%add3A_383, %broadcast_in_dim3A_301] : memref<128x128xf32, #tpu.memory_space<vmem>>[vector<16xi32>, vector<16xi32>], vector<16xf32>,
            %bitcast3A_385 = vector.bitcast %gather3A_384 : vector<16xf32> to vector<16xi32>
            %lt3A_386 = arith.constant 128 : i32
            %lt3A_387 = vector.broadcast %lt3A_386 : i32 to vector<16xi32>
            %lt3A_388 = arith.cmpi slt, %add3A_383, %lt3A_387 : vector<16xi32>
            %add3A_389 = arith.constant 16384 : i32
            %add3A_390 = vector.broadcast %add3A_389 : i32 to vector<16xi32>
            %add3A_391 = arith.addi %add3A_390, %add3A_383 : vector<16xi32>
            %select_n3A_392 = arith.select %lt3A_388, %bitcast3A_385, %add3A_391 : vector<16xi1>, vector<16xi32>
            tpu.vector_store_idx %arg12[%broadcast_in_dim3A_299, %add3A_383], %select_n3A_392 : memref<1x128xi32, #tpu.memory_space<vmem>>[vector<16xi32>, vector<16xi32>], vector<16xi32>,
            %iota3A_393 = tpu.iota {dimensions = array<i32: 0>} : vector<16xi32>
            %add3A_394 = arith.constant 112 : i32
            %add3A_395 = vector.broadcast %add3A_394 : i32 to vector<16xi32>
            %add3A_396 = arith.addi %add3A_395, %iota3A_393 : vector<16xi32>
            %gather3A_397 = tpu.vector_load_idx %arg11[%add3A_396, %broadcast_in_dim3A_301] : memref<128x128xf32, #tpu.memory_space<vmem>>[vector<16xi32>, vector<16xi32>], vector<16xf32>,
            %bitcast3A_398 = vector.bitcast %gather3A_397 : vector<16xf32> to vector<16xi32>
            %lt3A_399 = arith.constant 128 : i32
            %lt3A_400 = vector.broadcast %lt3A_399 : i32 to vector<16xi32>
            %lt3A_401 = arith.cmpi slt, %add3A_396, %lt3A_400 : vector<16xi32>
            %add3A_402 = arith.constant 16384 : i32
            %add3A_403 = vector.broadcast %add3A_402 : i32 to vector<16xi32>
            %add3A_404 = arith.addi %add3A_403, %add3A_396 : vector<16xi32>
            %select_n3A_405 = arith.select %lt3A_401, %bitcast3A_398, %add3A_404 : vector<16xi1>, vector<16xi32>
            tpu.vector_store_idx %arg12[%broadcast_in_dim3A_299, %add3A_396], %select_n3A_405 : memref<1x128xi32, #tpu.memory_space<vmem>>[vector<16xi32>, vector<16xi32>], vector<16xi32>,
            %dma_start3A_406 = arith.constant 0 : i32
            %dma_start3A_407 = arith.constant 0 : i32
            %dma_start3A_408 = tpu.memref_slice %arg12[%dma_start3A_406, %dma_start3A_407] : memref<1x128xi32, #tpu.memory_space<vmem>> -> memref<1x128xi32, #tpu.memory_space<vmem>>
            %dma_start3A_409 = tpu.memref_squeeze %dma_start3A_408 : memref<1x128xi32, #tpu.memory_space<vmem>> -> memref<128xi32, #tpu.memory_space<vmem>>
            %dma_start3A_410 = arith.constant 0 : i32
            %dma_start3A_411 = arith.constant 0 : i32
            %dma_start3A_412 = tpu.memref_slice %arg4[%dma_start3A_410, %dma_start3A_411] : memref<16512x128xf32, #tpu.memory_space<hbm>> -> memref<16512x128xf32, #tpu.memory_space<hbm>>
            tpu.enqueue_indirect_dma source(%arg11 : memref<128x128xf32, #tpu.memory_space<vmem>>) target(%dma_start3A_412 : memref<16512x128xf32, #tpu.memory_space<hbm>>) offsets(%dma_start3A_409 : memref<128xi32, #tpu.memory_space<vmem>>) semaphore(%arg17 : memref<!tpu.dma_semaphore, #tpu.memory_space<semaphore_mem>>)
            %dma_wait3A_413 = arith.constant 0 : i32
            %dma_wait3A_414 = arith.constant 0 : i32
            %dma_wait3A_415 = tpu.memref_slice %arg12[%dma_wait3A_413, %dma_wait3A_414] : memref<1x128xi32, #tpu.memory_space<vmem>> -> memref<1x128xi32, #tpu.memory_space<vmem>>
            %dma_wait3A_416 = tpu.memref_squeeze %dma_wait3A_415 : memref<1x128xi32, #tpu.memory_space<vmem>> -> memref<128xi32, #tpu.memory_space<vmem>>
            %dma_wait3A_417 = arith.constant 0 : i32
            %dma_wait3A_418 = arith.constant 0 : i32
            %dma_wait3A_419 = tpu.memref_slice %arg4[%dma_wait3A_417, %dma_wait3A_418] : memref<16512x128xf32, #tpu.memory_space<hbm>> -> memref<16512x128xf32, #tpu.memory_space<hbm>>
            tpu.wait_indirect_dma semaphore(%arg17 : memref<!tpu.dma_semaphore, #tpu.memory_space<semaphore_mem>>) src(%arg11 : memref<128x128xf32, #tpu.memory_space<vmem>>) dst(%dma_wait3A_419 : memref<16512x128xf32, #tpu.memory_space<hbm>>)
          } else {
          }
          %add3A_296 = arith.constant 1 : i32
          %add3A_297 = arith.addi %while3A_261, %add3A_296 : i32
          scf.yield %add3A_297 : i32
        }
        %while3A_258 = arith.constant 1 : i32
        %while3A_259 = scf.for %while3A_260 = %while3A_255 to %while3A_251 step %while3A_258 iter_args(%while3A_261 = %while3A_257) -> (i32)  : i32 {
          %get3A = arith.index_cast %while3A_260 : i32 to index
          %get3A_262 = tpu.vector_load %arg9[%get3A] {strides = array<i32>} : memref<2064xi32, #tpu.memory_space<vmem>>, vector<16xi32>,
          %slice3A = vector.extract_strided_slice %get3A_262 {offsets = [0], sizes = [1], strides = [1]} : vector<16xi32> to vector<1xi32>
          %squeeze3A = vector.extract %slice3A[0] : i32 from vector<1xi32>
          %get3A_263 = arith.index_cast %while3A_260 : i32 to index
          %get3A_264 = tpu.vector_load %arg10[%get3A_263] {strides = array<i32>} : memref<2064xi32, #tpu.memory_space<vmem>>, vector<16xi32>,
          %slice3A_265 = vector.extract_strided_slice %get3A_264 {offsets = [0], sizes = [1], strides = [1]} : vector<16xi32> to vector<1xi32>
          %squeeze3A_266 = vector.extract %slice3A_265[0] : i32 from vector<1xi32>
          %sub3A_267 = arith.subi %squeeze3A, %min3A_84 : i32
          %broadcast_in_dim3A = vector.broadcast %sub3A_267 : i32 to vector<16xi32>
          %broadcast_in_dim3A_268 = arith.constant 0 : i32
          %broadcast_in_dim3A_269 = vector.broadcast %broadcast_in_dim3A_268 : i32 to vector<16xi32>
          %rem3A_270 = arith.constant 128 : i32
          %rem3A_271 = arith.remsi %while3A_261, %rem3A_270 : i32
          %broadcast_in_dim3A_272 = vector.broadcast %rem3A_271 : i32 to vector<16xi32>
          %add3A_273 = arith.constant 0 : i32
          %add3A_274 = vector.broadcast %add3A_273 : i32 to vector<16xi32>
          %add3A_275 = arith.addi %add3A_274, %iota3A : vector<16xi32>
          %gather3A = tpu.vector_load_idx %arg5[%broadcast_in_dim3A_269, %add3A_275, %broadcast_in_dim3A] : memref<2x64x512xf32, #tpu.memory_space<vmem>>[vector<16xi32>, vector<16xi32>, vector<16xi32>], vector<16xf32>,
          tpu.vector_store_idx %arg11[%broadcast_in_dim3A_272, %add3A_275], %gather3A : memref<128x128xf32, #tpu.memory_space<vmem>>[vector<16xi32>, vector<16xi32>], vector<16xf32>,
          %add3A_276 = arith.constant 16 : i32
          %add3A_277 = vector.broadcast %add3A_276 : i32 to vector<16xi32>
          %add3A_278 = arith.addi %add3A_277, %iota3A : vector<16xi32>
          %gather3A_279 = tpu.vector_load_idx %arg5[%broadcast_in_dim3A_269, %add3A_278, %broadcast_in_dim3A] : memref<2x64x512xf32, #tpu.memory_space<vmem>>[vector<16xi32>, vector<16xi32>, vector<16xi32>], vector<16xf32>,
          tpu.vector_store_idx %arg11[%broadcast_in_dim3A_272, %add3A_278], %gather3A_279 : memref<128x128xf32, #tpu.memory_space<vmem>>[vector<16xi32>, vector<16xi32>], vector<16xf32>,
          %add3A_280 = arith.constant 32 : i32
          %add3A_281 = vector.broadcast %add3A_280 : i32 to vector<16xi32>
          %add3A_282 = arith.addi %add3A_281, %iota3A : vector<16xi32>
          %gather3A_283 = tpu.vector_load_idx %arg5[%broadcast_in_dim3A_269, %add3A_282, %broadcast_in_dim3A] : memref<2x64x512xf32, #tpu.memory_space<vmem>>[vector<16xi32>, vector<16xi32>, vector<16xi32>], vector<16xf32>,
          tpu.vector_store_idx %arg11[%broadcast_in_dim3A_272, %add3A_282], %gather3A_283 : memref<128x128xf32, #tpu.memory_space<vmem>>[vector<16xi32>, vector<16xi32>], vector<16xf32>,
          %add3A_284 = arith.constant 48 : i32
          %add3A_285 = vector.broadcast %add3A_284 : i32 to vector<16xi32>
          %add3A_286 = arith.addi %add3A_285, %iota3A : vector<16xi32>
          %gather3A_287 = tpu.vector_load_idx %arg5[%broadcast_in_dim3A_269, %add3A_286, %broadcast_in_dim3A] : memref<2x64x512xf32, #tpu.memory_space<vmem>>[vector<16xi32>, vector<16xi32>, vector<16xi32>], vector<16xf32>,
          tpu.vector_store_idx %arg11[%broadcast_in_dim3A_272, %add3A_286], %gather3A_287 : memref<128x128xf32, #tpu.memory_space<vmem>>[vector<16xi32>, vector<16xi32>], vector<16xf32>,
          %broadcast_in_dim3A_288 = vector.broadcast %squeeze3A_266 : i32 to vector<16xi32>
          %bitcast3A = vector.bitcast %broadcast_in_dim3A_288 : vector<16xi32> to vector<16xf32>
          %add3A_289 = arith.constant 64 : i32
          %add3A_290 = vector.broadcast %add3A_289 : i32 to vector<16xi32>
          %add3A_291 = arith.addi %add3A_290, %iota3A : vector<16xi32>
          tpu.vector_store_idx %arg11[%broadcast_in_dim3A_272, %add3A_291], %bitcast3A : memref<128x128xf32, #tpu.memory_space<vmem>>[vector<16xi32>, vector<16xi32>], vector<16xf32>,
          %eq3A = arith.constant 127 : i32
          %eq3A_292 = arith.cmpi eq, %rem3A_271, %eq3A : i32
          %convert_element_type3A_293 = arith.extui %eq3A_292 : i1 to i32
          %cond3A_294 = arith.constant 0 : i32
          %cond3A_295 = arith.cmpi ne, %convert_element_type3A_293, %cond3A_294 : i32
          scf.if %cond3A_295 {
            %broadcast_in_dim3A_298 = arith.constant 0 : i32
            %broadcast_in_dim3A_299 = vector.broadcast %broadcast_in_dim3A_298 : i32 to vector<16xi32>
            %broadcast_in_dim3A_300 = arith.constant 64 : i32
            %broadcast_in_dim3A_301 = vector.broadcast %broadcast_in_dim3A_300 : i32 to vector<16xi32>
            %iota3A_302 = tpu.iota {dimensions = array<i32: 0>} : vector<16xi32>
            %add3A_303 = arith.constant 0 : i32
            %add3A_304 = vector.broadcast %add3A_303 : i32 to vector<16xi32>
            %add3A_305 = arith.addi %add3A_304, %iota3A_302 : vector<16xi32>
            %gather3A_306 = tpu.vector_load_idx %arg11[%add3A_305, %broadcast_in_dim3A_301] : memref<128x128xf32, #tpu.memory_space<vmem>>[vector<16xi32>, vector<16xi32>], vector<16xf32>,
            %bitcast3A_307 = vector.bitcast %gather3A_306 : vector<16xf32> to vector<16xi32>
            %lt3A_308 = arith.constant 128 : i32
            %lt3A_309 = vector.broadcast %lt3A_308 : i32 to vector<16xi32>
            %lt3A_310 = arith.cmpi slt, %add3A_305, %lt3A_309 : vector<16xi32>
            %add3A_311 = arith.constant 16384 : i32
            %add3A_312 = vector.broadcast %add3A_311 : i32 to vector<16xi32>
            %add3A_313 = arith.addi %add3A_312, %add3A_305 : vector<16xi32>
            %select_n3A_314 = arith.select %lt3A_310, %bitcast3A_307, %add3A_313 : vector<16xi1>, vector<16xi32>
            tpu.vector_store_idx %arg12[%broadcast_in_dim3A_299, %add3A_305], %select_n3A_314 : memref<1x128xi32, #tpu.memory_space<vmem>>[vector<16xi32>, vector<16xi32>], vector<16xi32>,
            %iota3A_315 = tpu.iota {dimensions = array<i32: 0>} : vector<16xi32>
            %add3A_316 = arith.constant 16 : i32
            %add3A_317 = vector.broadcast %add3A_316 : i32 to vector<16xi32>
            %add3A_318 = arith.addi %add3A_317, %iota3A_315 : vector<16xi32>
            %gather3A_319 = tpu.vector_load_idx %arg11[%add3A_318, %broadcast_in_dim3A_301] : memref<128x128xf32, #tpu.memory_space<vmem>>[vector<16xi32>, vector<16xi32>], vector<16xf32>,
            %bitcast3A_320 = vector.bitcast %gather3A_319 : vector<16xf32> to vector<16xi32>
            %lt3A_321 = arith.constant 128 : i32
            %lt3A_322 = vector.broadcast %lt3A_321 : i32 to vector<16xi32>
            %lt3A_323 = arith.cmpi slt, %add3A_318, %lt3A_322 : vector<16xi32>
            %add3A_324 = arith.constant 16384 : i32
            %add3A_325 = vector.broadcast %add3A_324 : i32 to vector<16xi32>
            %add3A_326 = arith.addi %add3A_325, %add3A_318 : vector<16xi32>
            %select_n3A_327 = arith.select %lt3A_323, %bitcast3A_320, %add3A_326 : vector<16xi1>, vector<16xi32>
            tpu.vector_store_idx %arg12[%broadcast_in_dim3A_299, %add3A_318], %select_n3A_327 : memref<1x128xi32, #tpu.memory_space<vmem>>[vector<16xi32>, vector<16xi32>], vector<16xi32>,
            %iota3A_328 = tpu.iota {dimensions = array<i32: 0>} : vector<16xi32>
            %add3A_329 = arith.constant 32 : i32
            %add3A_330 = vector.broadcast %add3A_329 : i32 to vector<16xi32>
            %add3A_331 = arith.addi %add3A_330, %iota3A_328 : vector<16xi32>
            %gather3A_332 = tpu.vector_load_idx %arg11[%add3A_331, %broadcast_in_dim3A_301] : memref<128x128xf32, #tpu.memory_space<vmem>>[vector<16xi32>, vector<16xi32>], vector<16xf32>,
            %bitcast3A_333 = vector.bitcast %gather3A_332 : vector<16xf32> to vector<16xi32>
            %lt3A_334 = arith.constant 128 : i32
            %lt3A_335 = vector.broadcast %lt3A_334 : i32 to vector<16xi32>
            %lt3A_336 = arith.cmpi slt, %add3A_331, %lt3A_335 : vector<16xi32>
            %add3A_337 = arith.constant 16384 : i32
            %add3A_338 = vector.broadcast %add3A_337 : i32 to vector<16xi32>
            %add3A_339 = arith.addi %add3A_338, %add3A_331 : vector<16xi32>
            %select_n3A_340 = arith.select %lt3A_336, %bitcast3A_333, %add3A_339 : vector<16xi1>, vector<16xi32>
            tpu.vector_store_idx %arg12[%broadcast_in_dim3A_299, %add3A_331], %select_n3A_340 : memref<1x128xi32, #tpu.memory_space<vmem>>[vector<16xi32>, vector<16xi32>], vector<16xi32>,
            %iota3A_341 = tpu.iota {dimensions = array<i32: 0>} : vector<16xi32>
            %add3A_342 = arith.constant 48 : i32
            %add3A_343 = vector.broadcast %add3A_342 : i32 to vector<16xi32>
            %add3A_344 = arith.addi %add3A_343, %iota3A_341 : vector<16xi32>
            %gather3A_345 = tpu.vector_load_idx %arg11[%add3A_344, %broadcast_in_dim3A_301] : memref<128x128xf32, #tpu.memory_space<vmem>>[vector<16xi32>, vector<16xi32>], vector<16xf32>,
            %bitcast3A_346 = vector.bitcast %gather3A_345 : vector<16xf32> to vector<16xi32>
            %lt3A_347 = arith.constant 128 : i32
            %lt3A_348 = vector.broadcast %lt3A_347 : i32 to vector<16xi32>
            %lt3A_349 = arith.cmpi slt, %add3A_344, %lt3A_348 : vector<16xi32>
            %add3A_350 = arith.constant 16384 : i32
            %add3A_351 = vector.broadcast %add3A_350 : i32 to vector<16xi32>
            %add3A_352 = arith.addi %add3A_351, %add3A_344 : vector<16xi32>
            %select_n3A_353 = arith.select %lt3A_349, %bitcast3A_346, %add3A_352 : vector<16xi1>, vector<16xi32>
            tpu.vector_store_idx %arg12[%broadcast_in_dim3A_299, %add3A_344], %select_n3A_353 : memref<1x128xi32, #tpu.memory_space<vmem>>[vector<16xi32>, vector<16xi32>], vector<16xi32>,
            %iota3A_354 = tpu.iota {dimensions = array<i32: 0>} : vector<16xi32>
            %add3A_355 = arith.constant 64 : i32
            %add3A_356 = vector.broadcast %add3A_355 : i32 to vector<16xi32>
            %add3A_357 = arith.addi %add3A_356, %iota3A_354 : vector<16xi32>
            %gather3A_358 = tpu.vector_load_idx %arg11[%add3A_357, %broadcast_in_dim3A_301] : memref<128x128xf32, #tpu.memory_space<vmem>>[vector<16xi32>, vector<16xi32>], vector<16xf32>,
            %bitcast3A_359 = vector.bitcast %gather3A_358 : vector<16xf32> to vector<16xi32>
            %lt3A_360 = arith.constant 128 : i32
            %lt3A_361 = vector.broadcast %lt3A_360 : i32 to vector<16xi32>
            %lt3A_362 = arith.cmpi slt, %add3A_357, %lt3A_361 : vector<16xi32>
            %add3A_363 = arith.constant 16384 : i32
            %add3A_364 = vector.broadcast %add3A_363 : i32 to vector<16xi32>
            %add3A_365 = arith.addi %add3A_364, %add3A_357 : vector<16xi32>
            %select_n3A_366 = arith.select %lt3A_362, %bitcast3A_359, %add3A_365 : vector<16xi1>, vector<16xi32>
            tpu.vector_store_idx %arg12[%broadcast_in_dim3A_299, %add3A_357], %select_n3A_366 : memref<1x128xi32, #tpu.memory_space<vmem>>[vector<16xi32>, vector<16xi32>], vector<16xi32>,
            %iota3A_367 = tpu.iota {dimensions = array<i32: 0>} : vector<16xi32>
            %add3A_368 = arith.constant 80 : i32
            %add3A_369 = vector.broadcast %add3A_368 : i32 to vector<16xi32>
            %add3A_370 = arith.addi %add3A_369, %iota3A_367 : vector<16xi32>
            %gather3A_371 = tpu.vector_load_idx %arg11[%add3A_370, %broadcast_in_dim3A_301] : memref<128x128xf32, #tpu.memory_space<vmem>>[vector<16xi32>, vector<16xi32>], vector<16xf32>,
            %bitcast3A_372 = vector.bitcast %gather3A_371 : vector<16xf32> to vector<16xi32>
            %lt3A_373 = arith.constant 128 : i32
            %lt3A_374 = vector.broadcast %lt3A_373 : i32 to vector<16xi32>
            %lt3A_375 = arith.cmpi slt, %add3A_370, %lt3A_374 : vector<16xi32>
            %add3A_376 = arith.constant 16384 : i32
            %add3A_377 = vector.broadcast %add3A_376 : i32 to vector<16xi32>
            %add3A_378 = arith.addi %add3A_377, %add3A_370 : vector<16xi32>
            %select_n3A_379 = arith.select %lt3A_375, %bitcast3A_372, %add3A_378 : vector<16xi1>, vector<16xi32>
            tpu.vector_store_idx %arg12[%broadcast_in_dim3A_299, %add3A_370], %select_n3A_379 : memref<1x128xi32, #tpu.memory_space<vmem>>[vector<16xi32>, vector<16xi32>], vector<16xi32>,
            %iota3A_380 = tpu.iota {dimensions = array<i32: 0>} : vector<16xi32>
            %add3A_381 = arith.constant 96 : i32
            %add3A_382 = vector.broadcast %add3A_381 : i32 to vector<16xi32>
            %add3A_383 = arith.addi %add3A_382, %iota3A_380 : vector<16xi32>
            %gather3A_384 = tpu.vector_load_idx %arg11[%add3A_383, %broadcast_in_dim3A_301] : memref<128x128xf32, #tpu.memory_space<vmem>>[vector<16xi32>, vector<16xi32>], vector<16xf32>,
            %bitcast3A_385 = vector.bitcast %gather3A_384 : vector<16xf32> to vector<16xi32>
            %lt3A_386 = arith.constant 128 : i32
            %lt3A_387 = vector.broadcast %lt3A_386 : i32 to vector<16xi32>
            %lt3A_388 = arith.cmpi slt, %add3A_383, %lt3A_387 : vector<16xi32>
            %add3A_389 = arith.constant 16384 : i32
            %add3A_390 = vector.broadcast %add3A_389 : i32 to vector<16xi32>
            %add3A_391 = arith.addi %add3A_390, %add3A_383 : vector<16xi32>
            %select_n3A_392 = arith.select %lt3A_388, %bitcast3A_385, %add3A_391 : vector<16xi1>, vector<16xi32>
            tpu.vector_store_idx %arg12[%broadcast_in_dim3A_299, %add3A_383], %select_n3A_392 : memref<1x128xi32, #tpu.memory_space<vmem>>[vector<16xi32>, vector<16xi32>], vector<16xi32>,
            %iota3A_393 = tpu.iota {dimensions = array<i32: 0>} : vector<16xi32>
            %add3A_394 = arith.constant 112 : i32
            %add3A_395 = vector.broadcast %add3A_394 : i32 to vector<16xi32>
            %add3A_396 = arith.addi %add3A_395, %iota3A_393 : vector<16xi32>
            %gather3A_397 = tpu.vector_load_idx %arg11[%add3A_396, %broadcast_in_dim3A_301] : memref<128x128xf32, #tpu.memory_space<vmem>>[vector<16xi32>, vector<16xi32>], vector<16xf32>,
            %bitcast3A_398 = vector.bitcast %gather3A_397 : vector<16xf32> to vector<16xi32>
            %lt3A_399 = arith.constant 128 : i32
            %lt3A_400 = vector.broadcast %lt3A_399 : i32 to vector<16xi32>
            %lt3A_401 = arith.cmpi slt, %add3A_396, %lt3A_400 : vector<16xi32>
            %add3A_402 = arith.constant 16384 : i32
            %add3A_403 = vector.broadcast %add3A_402 : i32 to vector<16xi32>
            %add3A_404 = arith.addi %add3A_403, %add3A_396 : vector<16xi32>
            %select_n3A_405 = arith.select %lt3A_401, %bitcast3A_398, %add3A_404 : vector<16xi1>, vector<16xi32>
            tpu.vector_store_idx %arg12[%broadcast_in_dim3A_299, %add3A_396], %select_n3A_405 : memref<1x128xi32, #tpu.memory_space<vmem>>[vector<16xi32>, vector<16xi32>], vector<16xi32>,
            %dma_start3A_406 = arith.constant 0 : i32
            %dma_start3A_407 = arith.constant 0 : i32
            %dma_start3A_408 = tpu.memref_slice %arg12[%dma_start3A_406, %dma_start3A_407] : memref<1x128xi32, #tpu.memory_space<vmem>> -> memref<1x128xi32, #tpu.memory_space<vmem>>
            %dma_start3A_409 = tpu.memref_squeeze %dma_start3A_408 : memref<1x128xi32, #tpu.memory_space<vmem>> -> memref<128xi32, #tpu.memory_space<vmem>>
            %dma_start3A_410 = arith.constant 0 : i32
            %dma_start3A_411 = arith.constant 0 : i32
            %dma_start3A_412 = tpu.memref_slice %arg4[%dma_start3A_410, %dma_start3A_411] : memref<16512x128xf32, #tpu.memory_space<hbm>> -> memref<16512x128xf32, #tpu.memory_space<hbm>>
            tpu.enqueue_indirect_dma source(%arg11 : memref<128x128xf32, #tpu.memory_space<vmem>>) target(%dma_start3A_412 : memref<16512x128xf32, #tpu.memory_space<hbm>>) offsets(%dma_start3A_409 : memref<128xi32, #tpu.memory_space<vmem>>) semaphore(%arg17 : memref<!tpu.dma_semaphore, #tpu.memory_space<semaphore_mem>>)
            %dma_wait3A_413 = arith.constant 0 : i32
            %dma_wait3A_414 = arith.constant 0 : i32
            %dma_wait3A_415 = tpu.memref_slice %arg12[%dma_wait3A_413, %dma_wait3A_414] : memref<1x128xi32, #tpu.memory_space<vmem>> -> memref<1x128xi32, #tpu.memory_space<vmem>>
            %dma_wait3A_416 = tpu.memref_squeeze %dma_wait3A_415 : memref<1x128xi32, #tpu.memory_space<vmem>> -> memref<128xi32, #tpu.memory_space<vmem>>
            %dma_wait3A_417 = arith.constant 0 : i32
            %dma_wait3A_418 = arith.constant 0 : i32
            %dma_wait3A_419 = tpu.memref_slice %arg4[%dma_wait3A_417, %dma_wait3A_418] : memref<16512x128xf32, #tpu.memory_space<hbm>> -> memref<16512x128xf32, #tpu.memory_space<hbm>>
            tpu.wait_indirect_dma semaphore(%arg17 : memref<!tpu.dma_semaphore, #tpu.memory_space<semaphore_mem>>) src(%arg11 : memref<128x128xf32, #tpu.memory_space<vmem>>) dst(%dma_wait3A_419 : memref<16512x128xf32, #tpu.memory_space<hbm>>)
          } else {
          }
          %add3A_296 = arith.constant 1 : i32
          %add3A_297 = arith.addi %while3A_261, %add3A_296 : i32
          scf.yield %add3A_297 : i32
        }
        scf.yield %while3A_259 : i32
      }
      %while3A_118 = arith.constant 1 : i32
      %while3A_119 = scf.for %while3A_204 = %while3A_115 to %while3A_111 step %while3A_118 iter_args(%while3A_205 = %while3A_117) -> (i32)  : i32 {
        %mul3A_206 = arith.constant 2048 : i32
        %mul3A_207 = arith.muli %while3A_204, %mul3A_206 : i32
        %sub3A_208 = arith.subi %scan3A_43, %mul3A_207 : i32
        %min3A_209 = arith.constant 2048 : i32
        %min3A_210 = arith.minsi %min3A_209, %sub3A_208 : i32
        %add3A_211 = arith.constant 15 : i32
        %add3A_212 = arith.addi %min3A_210, %add3A_211 : i32
        %jit3A_213 = arith.constant 16 : i32
        %div3A_214 = arith.divsi %add3A_212, %jit3A_213 : i32
        %sign3A_215 = arith.constant 0 : i32
        %sign3A_216 = arith.cmpi sgt, %add3A_212, %sign3A_215 : i32
        %sign3A_217 = arith.extui %sign3A_216 : i1 to i32
        %sign3A_218 = arith.constant 0 : i32
        %sign3A_219 = arith.cmpi slt, %add3A_212, %sign3A_218 : i32
        %sign3A_220 = arith.extui %sign3A_219 : i1 to i32
        %sign3A_221 = arith.subi %sign3A_217, %sign3A_220 : i32
        %sign3A_222 = arith.constant 0 : i32
        %sign3A_223 = arith.cmpi sgt, %jit3A_213, %sign3A_222 : i32
        %sign3A_224 = arith.extui %sign3A_223 : i1 to i32
        %sign3A_225 = arith.constant 0 : i32
        %sign3A_226 = arith.cmpi slt, %jit3A_213, %sign3A_225 : i32
        %sign3A_227 = arith.extui %sign3A_226 : i1 to i32
        %sign3A_228 = arith.subi %sign3A_224, %sign3A_227 : i32
        %ne3A_229 = arith.cmpi ne, %sign3A_221, %sign3A_228 : i32
        %rem3A_230 = arith.remsi %add3A_212, %jit3A_213 : i32
        %ne3A_231 = arith.constant 0 : i32
        %ne3A_232 = arith.cmpi ne, %rem3A_230, %ne3A_231 : i32
        %and3A_233 = arith.andi %ne3A_229, %ne3A_232 : i1
        %sub3A_234 = arith.constant 1 : i32
        %sub3A_235 = arith.subi %div3A_214, %sub3A_234 : i32
        %select_n3A_236 = arith.select %and3A_233, %sub3A_235, %div3A_214 : i32
        %while3A_237 = arith.constant 0 : i32
        %while3A_238 = arith.constant 0 : i32
        %while3A_239 = arith.subi %select_n3A_236, %while3A_237 : i32
        %while3A_240 = arith.addi %while3A_237, %while3A_239 : i32
        %while3A_241 = arith.constant 1 : i32
        %while3A_242 = arith.divsi %while3A_239, %while3A_241 : i32
        %while3A_243 = arith.muli %while3A_242, %while3A_241 : i32
        %while3A_244 = arith.addi %while3A_237, %while3A_243 : i32
        %while3A_245 = arith.constant 1 : i32
        %while3A_246 = scf.for %while3A_260 = %while3A_237 to %while3A_244 step %while3A_245 iter_args(%while3A_261 = %while3A_238) -> (i32)  : i32 {
          %mul3A_262 = arith.constant 2048 : i32
          %mul3A_263 = arith.muli %while3A_204, %mul3A_262 : i32
          %mul3A_264 = arith.constant 16 : i32
          %mul3A_265 = arith.muli %while3A_260, %mul3A_264 : i32
          %add3A_266 = arith.addi %mul3A_263, %mul3A_265 : i32
          %get3A = arith.index_cast %add3A_266 : i32 to index
          %get3A_267 = tpu.vector_load %arg7[%get3A] {strides = array<i32>} : memref<16400xi32, #tpu.memory_space<vmem>>, vector<16xi32>,
          %get3A_268 = arith.index_cast %add3A_266 : i32 to index
          %get3A_269 = tpu.vector_load %arg8[%get3A_268] {strides = array<i32>} : memref<16400xi32, #tpu.memory_space<vmem>>, vector<16xi32>,
          %add3A_270 = vector.broadcast %add3A_266 : i32 to vector<16xi32>
          %add3A_271 = arith.addi %add3A_270, %iota3A : vector<16xi32>
          %lt3A_272 = vector.broadcast %scan3A_43 : i32 to vector<16xi32>
          %lt3A_273 = arith.cmpi slt, %add3A_271, %lt3A_272 : vector<16xi32>
          %ge3A = vector.broadcast %add3A_79 : i32 to vector<16xi32>
          %ge3A_274 = arith.cmpi sge, %get3A_267, %ge3A : vector<16xi32>
          %lt3A_275 = vector.broadcast %min3A_87 : i32 to vector<16xi32>
          %lt3A_276 = arith.cmpi slt, %get3A_267, %lt3A_275 : vector<16xi32>
          %and3A_277 = arith.andi %ge3A_274, %lt3A_276 : vector<16xi1>
          %and3A_278 = arith.andi %and3A_277, %lt3A_273 : vector<16xi1>
          %convert_element_type3A_279 = arith.extui %and3A_278 : vector<16xi1> to vector<16xi32>
          %broadcast_in_dim3A = arith.constant true
          %broadcast_in_dim3A_280 = vector.broadcast %broadcast_in_dim3A : i1 to vector<16xi1>
          %masked_cumsum3A = tpu.scan <sum>, %convert_element_type3A_279 masked %broadcast_in_dim3A_280 : vector<16xi32>, vector<16xi1> -> vector<16xi32>
          %add3A_281 = vector.broadcast %while3A_261 : i32 to vector<16xi32>
          %add3A_282 = arith.addi %add3A_281, %masked_cumsum3A : vector<16xi32>
          %sub3A_283 = arith.subi %add3A_282, %convert_element_type3A_279 : vector<16xi32>
          tpu.vector_store_idx %arg9[%sub3A_283], %get3A_267 masked %and3A_278 : memref<2064xi32, #tpu.memory_space<vmem>>[vector<16xi32>], vector<16xi32>, vector<16xi1>
          tpu.vector_store_idx %arg10[%sub3A_283], %get3A_269 masked %and3A_278 : memref<2064xi32, #tpu.memory_space<vmem>>[vector<16xi32>], vector<16xi32>, vector<16xi1>
          %all_reduce_population_count3A = tpu.all_reduce %and3A_278 {dim = 0 : i64, kind = #tpu.reduction_kind<sum>} : vector<16xi1> -> vector<16xi32>
          %slice3A = vector.extract_strided_slice %all_reduce_population_count3A {offsets = [0], sizes = [1], strides = [1]} : vector<16xi32> to vector<1xi32>
          %squeeze3A = vector.extract %slice3A[0] : i32 from vector<1xi32>
          %add3A_284 = arith.addi %while3A_261, %squeeze3A : i32
          scf.yield %add3A_284 : i32
        }
        %while3A_247 = arith.constant 1 : i32
        %while3A_248 = scf.for %while3A_260 = %while3A_244 to %while3A_240 step %while3A_247 iter_args(%while3A_261 = %while3A_246) -> (i32)  : i32 {
          %mul3A_262 = arith.constant 2048 : i32
          %mul3A_263 = arith.muli %while3A_204, %mul3A_262 : i32
          %mul3A_264 = arith.constant 16 : i32
          %mul3A_265 = arith.muli %while3A_260, %mul3A_264 : i32
          %add3A_266 = arith.addi %mul3A_263, %mul3A_265 : i32
          %get3A = arith.index_cast %add3A_266 : i32 to index
          %get3A_267 = tpu.vector_load %arg7[%get3A] {strides = array<i32>} : memref<16400xi32, #tpu.memory_space<vmem>>, vector<16xi32>,
          %get3A_268 = arith.index_cast %add3A_266 : i32 to index
          %get3A_269 = tpu.vector_load %arg8[%get3A_268] {strides = array<i32>} : memref<16400xi32, #tpu.memory_space<vmem>>, vector<16xi32>,
          %add3A_270 = vector.broadcast %add3A_266 : i32 to vector<16xi32>
          %add3A_271 = arith.addi %add3A_270, %iota3A : vector<16xi32>
          %lt3A_272 = vector.broadcast %scan3A_43 : i32 to vector<16xi32>
          %lt3A_273 = arith.cmpi slt, %add3A_271, %lt3A_272 : vector<16xi32>
          %ge3A = vector.broadcast %add3A_79 : i32 to vector<16xi32>
          %ge3A_274 = arith.cmpi sge, %get3A_267, %ge3A : vector<16xi32>
          %lt3A_275 = vector.broadcast %min3A_87 : i32 to vector<16xi32>
          %lt3A_276 = arith.cmpi slt, %get3A_267, %lt3A_275 : vector<16xi32>
          %and3A_277 = arith.andi %ge3A_274, %lt3A_276 : vector<16xi1>
          %and3A_278 = arith.andi %and3A_277, %lt3A_273 : vector<16xi1>
          %convert_element_type3A_279 = arith.extui %and3A_278 : vector<16xi1> to vector<16xi32>
          %broadcast_in_dim3A = arith.constant true
          %broadcast_in_dim3A_280 = vector.broadcast %broadcast_in_dim3A : i1 to vector<16xi1>
          %masked_cumsum3A = tpu.scan <sum>, %convert_element_type3A_279 masked %broadcast_in_dim3A_280 : vector<16xi32>, vector<16xi1> -> vector<16xi32>
          %add3A_281 = vector.broadcast %while3A_261 : i32 to vector<16xi32>
          %add3A_282 = arith.addi %add3A_281, %masked_cumsum3A : vector<16xi32>
          %sub3A_283 = arith.subi %add3A_282, %convert_element_type3A_279 : vector<16xi32>
          tpu.vector_store_idx %arg9[%sub3A_283], %get3A_267 masked %and3A_278 : memref<2064xi32, #tpu.memory_space<vmem>>[vector<16xi32>], vector<16xi32>, vector<16xi1>
          tpu.vector_store_idx %arg10[%sub3A_283], %get3A_269 masked %and3A_278 : memref<2064xi32, #tpu.memory_space<vmem>>[vector<16xi32>], vector<16xi32>, vector<16xi1>
          %all_reduce_population_count3A = tpu.all_reduce %and3A_278 {dim = 0 : i64, kind = #tpu.reduction_kind<sum>} : vector<16xi1> -> vector<16xi32>
          %slice3A = vector.extract_strided_slice %all_reduce_population_count3A {offsets = [0], sizes = [1], strides = [1]} : vector<16xi32> to vector<1xi32>
          %squeeze3A = vector.extract %slice3A[0] : i32 from vector<1xi32>
          %add3A_284 = arith.addi %while3A_261, %squeeze3A : i32
          scf.yield %add3A_284 : i32
        }
        %while3A_249 = arith.constant 0 : i32
        %while3A_250 = arith.subi %while3A_248, %while3A_249 : i32
        %while3A_251 = arith.addi %while3A_249, %while3A_250 : i32
        %while3A_252 = arith.constant 1 : i32
        %while3A_253 = arith.divsi %while3A_250, %while3A_252 : i32
        %while3A_254 = arith.muli %while3A_253, %while3A_252 : i32
        %while3A_255 = arith.addi %while3A_249, %while3A_254 : i32
        %while3A_256 = arith.constant 1 : i32
        %while3A_257 = scf.for %while3A_260 = %while3A_249 to %while3A_255 step %while3A_256 iter_args(%while3A_261 = %while3A_205) -> (i32)  : i32 {
          %get3A = arith.index_cast %while3A_260 : i32 to index
          %get3A_262 = tpu.vector_load %arg9[%get3A] {strides = array<i32>} : memref<2064xi32, #tpu.memory_space<vmem>>, vector<16xi32>,
          %slice3A = vector.extract_strided_slice %get3A_262 {offsets = [0], sizes = [1], strides = [1]} : vector<16xi32> to vector<1xi32>
          %squeeze3A = vector.extract %slice3A[0] : i32 from vector<1xi32>
          %get3A_263 = arith.index_cast %while3A_260 : i32 to index
          %get3A_264 = tpu.vector_load %arg10[%get3A_263] {strides = array<i32>} : memref<2064xi32, #tpu.memory_space<vmem>>, vector<16xi32>,
          %slice3A_265 = vector.extract_strided_slice %get3A_264 {offsets = [0], sizes = [1], strides = [1]} : vector<16xi32> to vector<1xi32>
          %squeeze3A_266 = vector.extract %slice3A_265[0] : i32 from vector<1xi32>
          %sub3A_267 = arith.subi %squeeze3A, %min3A_84 : i32
          %broadcast_in_dim3A = vector.broadcast %sub3A_267 : i32 to vector<16xi32>
          %broadcast_in_dim3A_268 = arith.constant 0 : i32
          %broadcast_in_dim3A_269 = vector.broadcast %broadcast_in_dim3A_268 : i32 to vector<16xi32>
          %rem3A_270 = arith.constant 128 : i32
          %rem3A_271 = arith.remsi %while3A_261, %rem3A_270 : i32
          %broadcast_in_dim3A_272 = vector.broadcast %rem3A_271 : i32 to vector<16xi32>
          %add3A_273 = arith.constant 0 : i32
          %add3A_274 = vector.broadcast %add3A_273 : i32 to vector<16xi32>
          %add3A_275 = arith.addi %add3A_274, %iota3A : vector<16xi32>
          %gather3A = tpu.vector_load_idx %arg5[%broadcast_in_dim3A_269, %add3A_275, %broadcast_in_dim3A] : memref<2x64x512xf32, #tpu.memory_space<vmem>>[vector<16xi32>, vector<16xi32>, vector<16xi32>], vector<16xf32>,
          tpu.vector_store_idx %arg11[%broadcast_in_dim3A_272, %add3A_275], %gather3A : memref<128x128xf32, #tpu.memory_space<vmem>>[vector<16xi32>, vector<16xi32>], vector<16xf32>,
          %add3A_276 = arith.constant 16 : i32
          %add3A_277 = vector.broadcast %add3A_276 : i32 to vector<16xi32>
          %add3A_278 = arith.addi %add3A_277, %iota3A : vector<16xi32>
          %gather3A_279 = tpu.vector_load_idx %arg5[%broadcast_in_dim3A_269, %add3A_278, %broadcast_in_dim3A] : memref<2x64x512xf32, #tpu.memory_space<vmem>>[vector<16xi32>, vector<16xi32>, vector<16xi32>], vector<16xf32>,
          tpu.vector_store_idx %arg11[%broadcast_in_dim3A_272, %add3A_278], %gather3A_279 : memref<128x128xf32, #tpu.memory_space<vmem>>[vector<16xi32>, vector<16xi32>], vector<16xf32>,
          %add3A_280 = arith.constant 32 : i32
          %add3A_281 = vector.broadcast %add3A_280 : i32 to vector<16xi32>
          %add3A_282 = arith.addi %add3A_281, %iota3A : vector<16xi32>
          %gather3A_283 = tpu.vector_load_idx %arg5[%broadcast_in_dim3A_269, %add3A_282, %broadcast_in_dim3A] : memref<2x64x512xf32, #tpu.memory_space<vmem>>[vector<16xi32>, vector<16xi32>, vector<16xi32>], vector<16xf32>,
          tpu.vector_store_idx %arg11[%broadcast_in_dim3A_272, %add3A_282], %gather3A_283 : memref<128x128xf32, #tpu.memory_space<vmem>>[vector<16xi32>, vector<16xi32>], vector<16xf32>,
          %add3A_284 = arith.constant 48 : i32
          %add3A_285 = vector.broadcast %add3A_284 : i32 to vector<16xi32>
          %add3A_286 = arith.addi %add3A_285, %iota3A : vector<16xi32>
          %gather3A_287 = tpu.vector_load_idx %arg5[%broadcast_in_dim3A_269, %add3A_286, %broadcast_in_dim3A] : memref<2x64x512xf32, #tpu.memory_space<vmem>>[vector<16xi32>, vector<16xi32>, vector<16xi32>], vector<16xf32>,
          tpu.vector_store_idx %arg11[%broadcast_in_dim3A_272, %add3A_286], %gather3A_287 : memref<128x128xf32, #tpu.memory_space<vmem>>[vector<16xi32>, vector<16xi32>], vector<16xf32>,
          %broadcast_in_dim3A_288 = vector.broadcast %squeeze3A_266 : i32 to vector<16xi32>
          %bitcast3A = vector.bitcast %broadcast_in_dim3A_288 : vector<16xi32> to vector<16xf32>
          %add3A_289 = arith.constant 64 : i32
          %add3A_290 = vector.broadcast %add3A_289 : i32 to vector<16xi32>
          %add3A_291 = arith.addi %add3A_290, %iota3A : vector<16xi32>
          tpu.vector_store_idx %arg11[%broadcast_in_dim3A_272, %add3A_291], %bitcast3A : memref<128x128xf32, #tpu.memory_space<vmem>>[vector<16xi32>, vector<16xi32>], vector<16xf32>,
          %eq3A = arith.constant 127 : i32
          %eq3A_292 = arith.cmpi eq, %rem3A_271, %eq3A : i32
          %convert_element_type3A_293 = arith.extui %eq3A_292 : i1 to i32
          %cond3A_294 = arith.constant 0 : i32
          %cond3A_295 = arith.cmpi ne, %convert_element_type3A_293, %cond3A_294 : i32
          scf.if %cond3A_295 {
            %broadcast_in_dim3A_298 = arith.constant 0 : i32
            %broadcast_in_dim3A_299 = vector.broadcast %broadcast_in_dim3A_298 : i32 to vector<16xi32>
            %broadcast_in_dim3A_300 = arith.constant 64 : i32
            %broadcast_in_dim3A_301 = vector.broadcast %broadcast_in_dim3A_300 : i32 to vector<16xi32>
            %iota3A_302 = tpu.iota {dimensions = array<i32: 0>} : vector<16xi32>
            %add3A_303 = arith.constant 0 : i32
            %add3A_304 = vector.broadcast %add3A_303 : i32 to vector<16xi32>
            %add3A_305 = arith.addi %add3A_304, %iota3A_302 : vector<16xi32>
            %gather3A_306 = tpu.vector_load_idx %arg11[%add3A_305, %broadcast_in_dim3A_301] : memref<128x128xf32, #tpu.memory_space<vmem>>[vector<16xi32>, vector<16xi32>], vector<16xf32>,
            %bitcast3A_307 = vector.bitcast %gather3A_306 : vector<16xf32> to vector<16xi32>
            %lt3A_308 = arith.constant 128 : i32
            %lt3A_309 = vector.broadcast %lt3A_308 : i32 to vector<16xi32>
            %lt3A_310 = arith.cmpi slt, %add3A_305, %lt3A_309 : vector<16xi32>
            %add3A_311 = arith.constant 16384 : i32
            %add3A_312 = vector.broadcast %add3A_311 : i32 to vector<16xi32>
            %add3A_313 = arith.addi %add3A_312, %add3A_305 : vector<16xi32>
            %select_n3A_314 = arith.select %lt3A_310, %bitcast3A_307, %add3A_313 : vector<16xi1>, vector<16xi32>
            tpu.vector_store_idx %arg12[%broadcast_in_dim3A_299, %add3A_305], %select_n3A_314 : memref<1x128xi32, #tpu.memory_space<vmem>>[vector<16xi32>, vector<16xi32>], vector<16xi32>,
            %iota3A_315 = tpu.iota {dimensions = array<i32: 0>} : vector<16xi32>
            %add3A_316 = arith.constant 16 : i32
            %add3A_317 = vector.broadcast %add3A_316 : i32 to vector<16xi32>
            %add3A_318 = arith.addi %add3A_317, %iota3A_315 : vector<16xi32>
            %gather3A_319 = tpu.vector_load_idx %arg11[%add3A_318, %broadcast_in_dim3A_301] : memref<128x128xf32, #tpu.memory_space<vmem>>[vector<16xi32>, vector<16xi32>], vector<16xf32>,
            %bitcast3A_320 = vector.bitcast %gather3A_319 : vector<16xf32> to vector<16xi32>
            %lt3A_321 = arith.constant 128 : i32
            %lt3A_322 = vector.broadcast %lt3A_321 : i32 to vector<16xi32>
            %lt3A_323 = arith.cmpi slt, %add3A_318, %lt3A_322 : vector<16xi32>
            %add3A_324 = arith.constant 16384 : i32
            %add3A_325 = vector.broadcast %add3A_324 : i32 to vector<16xi32>
            %add3A_326 = arith.addi %add3A_325, %add3A_318 : vector<16xi32>
            %select_n3A_327 = arith.select %lt3A_323, %bitcast3A_320, %add3A_326 : vector<16xi1>, vector<16xi32>
            tpu.vector_store_idx %arg12[%broadcast_in_dim3A_299, %add3A_318], %select_n3A_327 : memref<1x128xi32, #tpu.memory_space<vmem>>[vector<16xi32>, vector<16xi32>], vector<16xi32>,
            %iota3A_328 = tpu.iota {dimensions = array<i32: 0>} : vector<16xi32>
            %add3A_329 = arith.constant 32 : i32
            %add3A_330 = vector.broadcast %add3A_329 : i32 to vector<16xi32>
            %add3A_331 = arith.addi %add3A_330, %iota3A_328 : vector<16xi32>
            %gather3A_332 = tpu.vector_load_idx %arg11[%add3A_331, %broadcast_in_dim3A_301] : memref<128x128xf32, #tpu.memory_space<vmem>>[vector<16xi32>, vector<16xi32>], vector<16xf32>,
            %bitcast3A_333 = vector.bitcast %gather3A_332 : vector<16xf32> to vector<16xi32>
            %lt3A_334 = arith.constant 128 : i32
            %lt3A_335 = vector.broadcast %lt3A_334 : i32 to vector<16xi32>
            %lt3A_336 = arith.cmpi slt, %add3A_331, %lt3A_335 : vector<16xi32>
            %add3A_337 = arith.constant 16384 : i32
            %add3A_338 = vector.broadcast %add3A_337 : i32 to vector<16xi32>
            %add3A_339 = arith.addi %add3A_338, %add3A_331 : vector<16xi32>
            %select_n3A_340 = arith.select %lt3A_336, %bitcast3A_333, %add3A_339 : vector<16xi1>, vector<16xi32>
            tpu.vector_store_idx %arg12[%broadcast_in_dim3A_299, %add3A_331], %select_n3A_340 : memref<1x128xi32, #tpu.memory_space<vmem>>[vector<16xi32>, vector<16xi32>], vector<16xi32>,
            %iota3A_341 = tpu.iota {dimensions = array<i32: 0>} : vector<16xi32>
            %add3A_342 = arith.constant 48 : i32
            %add3A_343 = vector.broadcast %add3A_342 : i32 to vector<16xi32>
            %add3A_344 = arith.addi %add3A_343, %iota3A_341 : vector<16xi32>
            %gather3A_345 = tpu.vector_load_idx %arg11[%add3A_344, %broadcast_in_dim3A_301] : memref<128x128xf32, #tpu.memory_space<vmem>>[vector<16xi32>, vector<16xi32>], vector<16xf32>,
            %bitcast3A_346 = vector.bitcast %gather3A_345 : vector<16xf32> to vector<16xi32>
            %lt3A_347 = arith.constant 128 : i32
            %lt3A_348 = vector.broadcast %lt3A_347 : i32 to vector<16xi32>
            %lt3A_349 = arith.cmpi slt, %add3A_344, %lt3A_348 : vector<16xi32>
            %add3A_350 = arith.constant 16384 : i32
            %add3A_351 = vector.broadcast %add3A_350 : i32 to vector<16xi32>
            %add3A_352 = arith.addi %add3A_351, %add3A_344 : vector<16xi32>
            %select_n3A_353 = arith.select %lt3A_349, %bitcast3A_346, %add3A_352 : vector<16xi1>, vector<16xi32>
            tpu.vector_store_idx %arg12[%broadcast_in_dim3A_299, %add3A_344], %select_n3A_353 : memref<1x128xi32, #tpu.memory_space<vmem>>[vector<16xi32>, vector<16xi32>], vector<16xi32>,
            %iota3A_354 = tpu.iota {dimensions = array<i32: 0>} : vector<16xi32>
            %add3A_355 = arith.constant 64 : i32
            %add3A_356 = vector.broadcast %add3A_355 : i32 to vector<16xi32>
            %add3A_357 = arith.addi %add3A_356, %iota3A_354 : vector<16xi32>
            %gather3A_358 = tpu.vector_load_idx %arg11[%add3A_357, %broadcast_in_dim3A_301] : memref<128x128xf32, #tpu.memory_space<vmem>>[vector<16xi32>, vector<16xi32>], vector<16xf32>,
            %bitcast3A_359 = vector.bitcast %gather3A_358 : vector<16xf32> to vector<16xi32>
            %lt3A_360 = arith.constant 128 : i32
            %lt3A_361 = vector.broadcast %lt3A_360 : i32 to vector<16xi32>
            %lt3A_362 = arith.cmpi slt, %add3A_357, %lt3A_361 : vector<16xi32>
            %add3A_363 = arith.constant 16384 : i32
            %add3A_364 = vector.broadcast %add3A_363 : i32 to vector<16xi32>
            %add3A_365 = arith.addi %add3A_364, %add3A_357 : vector<16xi32>
            %select_n3A_366 = arith.select %lt3A_362, %bitcast3A_359, %add3A_365 : vector<16xi1>, vector<16xi32>
            tpu.vector_store_idx %arg12[%broadcast_in_dim3A_299, %add3A_357], %select_n3A_366 : memref<1x128xi32, #tpu.memory_space<vmem>>[vector<16xi32>, vector<16xi32>], vector<16xi32>,
            %iota3A_367 = tpu.iota {dimensions = array<i32: 0>} : vector<16xi32>
            %add3A_368 = arith.constant 80 : i32
            %add3A_369 = vector.broadcast %add3A_368 : i32 to vector<16xi32>
            %add3A_370 = arith.addi %add3A_369, %iota3A_367 : vector<16xi32>
            %gather3A_371 = tpu.vector_load_idx %arg11[%add3A_370, %broadcast_in_dim3A_301] : memref<128x128xf32, #tpu.memory_space<vmem>>[vector<16xi32>, vector<16xi32>], vector<16xf32>,
            %bitcast3A_372 = vector.bitcast %gather3A_371 : vector<16xf32> to vector<16xi32>
            %lt3A_373 = arith.constant 128 : i32
            %lt3A_374 = vector.broadcast %lt3A_373 : i32 to vector<16xi32>
            %lt3A_375 = arith.cmpi slt, %add3A_370, %lt3A_374 : vector<16xi32>
            %add3A_376 = arith.constant 16384 : i32
            %add3A_377 = vector.broadcast %add3A_376 : i32 to vector<16xi32>
            %add3A_378 = arith.addi %add3A_377, %add3A_370 : vector<16xi32>
            %select_n3A_379 = arith.select %lt3A_375, %bitcast3A_372, %add3A_378 : vector<16xi1>, vector<16xi32>
            tpu.vector_store_idx %arg12[%broadcast_in_dim3A_299, %add3A_370], %select_n3A_379 : memref<1x128xi32, #tpu.memory_space<vmem>>[vector<16xi32>, vector<16xi32>], vector<16xi32>,
            %iota3A_380 = tpu.iota {dimensions = array<i32: 0>} : vector<16xi32>
            %add3A_381 = arith.constant 96 : i32
            %add3A_382 = vector.broadcast %add3A_381 : i32 to vector<16xi32>
            %add3A_383 = arith.addi %add3A_382, %iota3A_380 : vector<16xi32>
            %gather3A_384 = tpu.vector_load_idx %arg11[%add3A_383, %broadcast_in_dim3A_301] : memref<128x128xf32, #tpu.memory_space<vmem>>[vector<16xi32>, vector<16xi32>], vector<16xf32>,
            %bitcast3A_385 = vector.bitcast %gather3A_384 : vector<16xf32> to vector<16xi32>
            %lt3A_386 = arith.constant 128 : i32
            %lt3A_387 = vector.broadcast %lt3A_386 : i32 to vector<16xi32>
            %lt3A_388 = arith.cmpi slt, %add3A_383, %lt3A_387 : vector<16xi32>
            %add3A_389 = arith.constant 16384 : i32
            %add3A_390 = vector.broadcast %add3A_389 : i32 to vector<16xi32>
            %add3A_391 = arith.addi %add3A_390, %add3A_383 : vector<16xi32>
            %select_n3A_392 = arith.select %lt3A_388, %bitcast3A_385, %add3A_391 : vector<16xi1>, vector<16xi32>
            tpu.vector_store_idx %arg12[%broadcast_in_dim3A_299, %add3A_383], %select_n3A_392 : memref<1x128xi32, #tpu.memory_space<vmem>>[vector<16xi32>, vector<16xi32>], vector<16xi32>,
            %iota3A_393 = tpu.iota {dimensions = array<i32: 0>} : vector<16xi32>
            %add3A_394 = arith.constant 112 : i32
            %add3A_395 = vector.broadcast %add3A_394 : i32 to vector<16xi32>
            %add3A_396 = arith.addi %add3A_395, %iota3A_393 : vector<16xi32>
            %gather3A_397 = tpu.vector_load_idx %arg11[%add3A_396, %broadcast_in_dim3A_301] : memref<128x128xf32, #tpu.memory_space<vmem>>[vector<16xi32>, vector<16xi32>], vector<16xf32>,
            %bitcast3A_398 = vector.bitcast %gather3A_397 : vector<16xf32> to vector<16xi32>
            %lt3A_399 = arith.constant 128 : i32
            %lt3A_400 = vector.broadcast %lt3A_399 : i32 to vector<16xi32>
            %lt3A_401 = arith.cmpi slt, %add3A_396, %lt3A_400 : vector<16xi32>
            %add3A_402 = arith.constant 16384 : i32
            %add3A_403 = vector.broadcast %add3A_402 : i32 to vector<16xi32>
            %add3A_404 = arith.addi %add3A_403, %add3A_396 : vector<16xi32>
            %select_n3A_405 = arith.select %lt3A_401, %bitcast3A_398, %add3A_404 : vector<16xi1>, vector<16xi32>
            tpu.vector_store_idx %arg12[%broadcast_in_dim3A_299, %add3A_396], %select_n3A_405 : memref<1x128xi32, #tpu.memory_space<vmem>>[vector<16xi32>, vector<16xi32>], vector<16xi32>,
            %dma_start3A_406 = arith.constant 0 : i32
            %dma_start3A_407 = arith.constant 0 : i32
            %dma_start3A_408 = tpu.memref_slice %arg12[%dma_start3A_406, %dma_start3A_407] : memref<1x128xi32, #tpu.memory_space<vmem>> -> memref<1x128xi32, #tpu.memory_space<vmem>>
            %dma_start3A_409 = tpu.memref_squeeze %dma_start3A_408 : memref<1x128xi32, #tpu.memory_space<vmem>> -> memref<128xi32, #tpu.memory_space<vmem>>
            %dma_start3A_410 = arith.constant 0 : i32
            %dma_start3A_411 = arith.constant 0 : i32
            %dma_start3A_412 = tpu.memref_slice %arg4[%dma_start3A_410, %dma_start3A_411] : memref<16512x128xf32, #tpu.memory_space<hbm>> -> memref<16512x128xf32, #tpu.memory_space<hbm>>
            tpu.enqueue_indirect_dma source(%arg11 : memref<128x128xf32, #tpu.memory_space<vmem>>) target(%dma_start3A_412 : memref<16512x128xf32, #tpu.memory_space<hbm>>) offsets(%dma_start3A_409 : memref<128xi32, #tpu.memory_space<vmem>>) semaphore(%arg17 : memref<!tpu.dma_semaphore, #tpu.memory_space<semaphore_mem>>)
            %dma_wait3A_413 = arith.constant 0 : i32
            %dma_wait3A_414 = arith.constant 0 : i32
            %dma_wait3A_415 = tpu.memref_slice %arg12[%dma_wait3A_413, %dma_wait3A_414] : memref<1x128xi32, #tpu.memory_space<vmem>> -> memref<1x128xi32, #tpu.memory_space<vmem>>
            %dma_wait3A_416 = tpu.memref_squeeze %dma_wait3A_415 : memref<1x128xi32, #tpu.memory_space<vmem>> -> memref<128xi32, #tpu.memory_space<vmem>>
            %dma_wait3A_417 = arith.constant 0 : i32
            %dma_wait3A_418 = arith.constant 0 : i32
            %dma_wait3A_419 = tpu.memref_slice %arg4[%dma_wait3A_417, %dma_wait3A_418] : memref<16512x128xf32, #tpu.memory_space<hbm>> -> memref<16512x128xf32, #tpu.memory_space<hbm>>
            tpu.wait_indirect_dma semaphore(%arg17 : memref<!tpu.dma_semaphore, #tpu.memory_space<semaphore_mem>>) src(%arg11 : memref<128x128xf32, #tpu.memory_space<vmem>>) dst(%dma_wait3A_419 : memref<16512x128xf32, #tpu.memory_space<hbm>>)
          } else {
          }
          %add3A_296 = arith.constant 1 : i32
          %add3A_297 = arith.addi %while3A_261, %add3A_296 : i32
          scf.yield %add3A_297 : i32
        }
        %while3A_258 = arith.constant 1 : i32
        %while3A_259 = scf.for %while3A_260 = %while3A_255 to %while3A_251 step %while3A_258 iter_args(%while3A_261 = %while3A_257) -> (i32)  : i32 {
          %get3A = arith.index_cast %while3A_260 : i32 to index
          %get3A_262 = tpu.vector_load %arg9[%get3A] {strides = array<i32>} : memref<2064xi32, #tpu.memory_space<vmem>>, vector<16xi32>,
          %slice3A = vector.extract_strided_slice %get3A_262 {offsets = [0], sizes = [1], strides = [1]} : vector<16xi32> to vector<1xi32>
          %squeeze3A = vector.extract %slice3A[0] : i32 from vector<1xi32>
          %get3A_263 = arith.index_cast %while3A_260 : i32 to index
          %get3A_264 = tpu.vector_load %arg10[%get3A_263] {strides = array<i32>} : memref<2064xi32, #tpu.memory_space<vmem>>, vector<16xi32>,
          %slice3A_265 = vector.extract_strided_slice %get3A_264 {offsets = [0], sizes = [1], strides = [1]} : vector<16xi32> to vector<1xi32>
          %squeeze3A_266 = vector.extract %slice3A_265[0] : i32 from vector<1xi32>
          %sub3A_267 = arith.subi %squeeze3A, %min3A_84 : i32
          %broadcast_in_dim3A = vector.broadcast %sub3A_267 : i32 to vector<16xi32>
          %broadcast_in_dim3A_268 = arith.constant 0 : i32
          %broadcast_in_dim3A_269 = vector.broadcast %broadcast_in_dim3A_268 : i32 to vector<16xi32>
          %rem3A_270 = arith.constant 128 : i32
          %rem3A_271 = arith.remsi %while3A_261, %rem3A_270 : i32
          %broadcast_in_dim3A_272 = vector.broadcast %rem3A_271 : i32 to vector<16xi32>
          %add3A_273 = arith.constant 0 : i32
          %add3A_274 = vector.broadcast %add3A_273 : i32 to vector<16xi32>
          %add3A_275 = arith.addi %add3A_274, %iota3A : vector<16xi32>
          %gather3A = tpu.vector_load_idx %arg5[%broadcast_in_dim3A_269, %add3A_275, %broadcast_in_dim3A] : memref<2x64x512xf32, #tpu.memory_space<vmem>>[vector<16xi32>, vector<16xi32>, vector<16xi32>], vector<16xf32>,
          tpu.vector_store_idx %arg11[%broadcast_in_dim3A_272, %add3A_275], %gather3A : memref<128x128xf32, #tpu.memory_space<vmem>>[vector<16xi32>, vector<16xi32>], vector<16xf32>,
          %add3A_276 = arith.constant 16 : i32
          %add3A_277 = vector.broadcast %add3A_276 : i32 to vector<16xi32>
          %add3A_278 = arith.addi %add3A_277, %iota3A : vector<16xi32>
          %gather3A_279 = tpu.vector_load_idx %arg5[%broadcast_in_dim3A_269, %add3A_278, %broadcast_in_dim3A] : memref<2x64x512xf32, #tpu.memory_space<vmem>>[vector<16xi32>, vector<16xi32>, vector<16xi32>], vector<16xf32>,
          tpu.vector_store_idx %arg11[%broadcast_in_dim3A_272, %add3A_278], %gather3A_279 : memref<128x128xf32, #tpu.memory_space<vmem>>[vector<16xi32>, vector<16xi32>], vector<16xf32>,
          %add3A_280 = arith.constant 32 : i32
          %add3A_281 = vector.broadcast %add3A_280 : i32 to vector<16xi32>
          %add3A_282 = arith.addi %add3A_281, %iota3A : vector<16xi32>
          %gather3A_283 = tpu.vector_load_idx %arg5[%broadcast_in_dim3A_269, %add3A_282, %broadcast_in_dim3A] : memref<2x64x512xf32, #tpu.memory_space<vmem>>[vector<16xi32>, vector<16xi32>, vector<16xi32>], vector<16xf32>,
          tpu.vector_store_idx %arg11[%broadcast_in_dim3A_272, %add3A_282], %gather3A_283 : memref<128x128xf32, #tpu.memory_space<vmem>>[vector<16xi32>, vector<16xi32>], vector<16xf32>,
          %add3A_284 = arith.constant 48 : i32
          %add3A_285 = vector.broadcast %add3A_284 : i32 to vector<16xi32>
          %add3A_286 = arith.addi %add3A_285, %iota3A : vector<16xi32>
          %gather3A_287 = tpu.vector_load_idx %arg5[%broadcast_in_dim3A_269, %add3A_286, %broadcast_in_dim3A] : memref<2x64x512xf32, #tpu.memory_space<vmem>>[vector<16xi32>, vector<16xi32>, vector<16xi32>], vector<16xf32>,
          tpu.vector_store_idx %arg11[%broadcast_in_dim3A_272, %add3A_286], %gather3A_287 : memref<128x128xf32, #tpu.memory_space<vmem>>[vector<16xi32>, vector<16xi32>], vector<16xf32>,
          %broadcast_in_dim3A_288 = vector.broadcast %squeeze3A_266 : i32 to vector<16xi32>
          %bitcast3A = vector.bitcast %broadcast_in_dim3A_288 : vector<16xi32> to vector<16xf32>
          %add3A_289 = arith.constant 64 : i32
          %add3A_290 = vector.broadcast %add3A_289 : i32 to vector<16xi32>
          %add3A_291 = arith.addi %add3A_290, %iota3A : vector<16xi32>
          tpu.vector_store_idx %arg11[%broadcast_in_dim3A_272, %add3A_291], %bitcast3A : memref<128x128xf32, #tpu.memory_space<vmem>>[vector<16xi32>, vector<16xi32>], vector<16xf32>,
          %eq3A = arith.constant 127 : i32
          %eq3A_292 = arith.cmpi eq, %rem3A_271, %eq3A : i32
          %convert_element_type3A_293 = arith.extui %eq3A_292 : i1 to i32
          %cond3A_294 = arith.constant 0 : i32
          %cond3A_295 = arith.cmpi ne, %convert_element_type3A_293, %cond3A_294 : i32
          scf.if %cond3A_295 {
            %broadcast_in_dim3A_298 = arith.constant 0 : i32
            %broadcast_in_dim3A_299 = vector.broadcast %broadcast_in_dim3A_298 : i32 to vector<16xi32>
            %broadcast_in_dim3A_300 = arith.constant 64 : i32
            %broadcast_in_dim3A_301 = vector.broadcast %broadcast_in_dim3A_300 : i32 to vector<16xi32>
            %iota3A_302 = tpu.iota {dimensions = array<i32: 0>} : vector<16xi32>
            %add3A_303 = arith.constant 0 : i32
            %add3A_304 = vector.broadcast %add3A_303 : i32 to vector<16xi32>
            %add3A_305 = arith.addi %add3A_304, %iota3A_302 : vector<16xi32>
            %gather3A_306 = tpu.vector_load_idx %arg11[%add3A_305, %broadcast_in_dim3A_301] : memref<128x128xf32, #tpu.memory_space<vmem>>[vector<16xi32>, vector<16xi32>], vector<16xf32>,
            %bitcast3A_307 = vector.bitcast %gather3A_306 : vector<16xf32> to vector<16xi32>
            %lt3A_308 = arith.constant 128 : i32
            %lt3A_309 = vector.broadcast %lt3A_308 : i32 to vector<16xi32>
            %lt3A_310 = arith.cmpi slt, %add3A_305, %lt3A_309 : vector<16xi32>
            %add3A_311 = arith.constant 16384 : i32
            %add3A_312 = vector.broadcast %add3A_311 : i32 to vector<16xi32>
            %add3A_313 = arith.addi %add3A_312, %add3A_305 : vector<16xi32>
            %select_n3A_314 = arith.select %lt3A_310, %bitcast3A_307, %add3A_313 : vector<16xi1>, vector<16xi32>
            tpu.vector_store_idx %arg12[%broadcast_in_dim3A_299, %add3A_305], %select_n3A_314 : memref<1x128xi32, #tpu.memory_space<vmem>>[vector<16xi32>, vector<16xi32>], vector<16xi32>,
            %iota3A_315 = tpu.iota {dimensions = array<i32: 0>} : vector<16xi32>
            %add3A_316 = arith.constant 16 : i32
            %add3A_317 = vector.broadcast %add3A_316 : i32 to vector<16xi32>
            %add3A_318 = arith.addi %add3A_317, %iota3A_315 : vector<16xi32>
            %gather3A_319 = tpu.vector_load_idx %arg11[%add3A_318, %broadcast_in_dim3A_301] : memref<128x128xf32, #tpu.memory_space<vmem>>[vector<16xi32>, vector<16xi32>], vector<16xf32>,
            %bitcast3A_320 = vector.bitcast %gather3A_319 : vector<16xf32> to vector<16xi32>
            %lt3A_321 = arith.constant 128 : i32
            %lt3A_322 = vector.broadcast %lt3A_321 : i32 to vector<16xi32>
            %lt3A_323 = arith.cmpi slt, %add3A_318, %lt3A_322 : vector<16xi32>
            %add3A_324 = arith.constant 16384 : i32
            %add3A_325 = vector.broadcast %add3A_324 : i32 to vector<16xi32>
            %add3A_326 = arith.addi %add3A_325, %add3A_318 : vector<16xi32>
            %select_n3A_327 = arith.select %lt3A_323, %bitcast3A_320, %add3A_326 : vector<16xi1>, vector<16xi32>
            tpu.vector_store_idx %arg12[%broadcast_in_dim3A_299, %add3A_318], %select_n3A_327 : memref<1x128xi32, #tpu.memory_space<vmem>>[vector<16xi32>, vector<16xi32>], vector<16xi32>,
            %iota3A_328 = tpu.iota {dimensions = array<i32: 0>} : vector<16xi32>
            %add3A_329 = arith.constant 32 : i32
            %add3A_330 = vector.broadcast %add3A_329 : i32 to vector<16xi32>
            %add3A_331 = arith.addi %add3A_330, %iota3A_328 : vector<16xi32>
            %gather3A_332 = tpu.vector_load_idx %arg11[%add3A_331, %broadcast_in_dim3A_301] : memref<128x128xf32, #tpu.memory_space<vmem>>[vector<16xi32>, vector<16xi32>], vector<16xf32>,
            %bitcast3A_333 = vector.bitcast %gather3A_332 : vector<16xf32> to vector<16xi32>
            %lt3A_334 = arith.constant 128 : i32
            %lt3A_335 = vector.broadcast %lt3A_334 : i32 to vector<16xi32>
            %lt3A_336 = arith.cmpi slt, %add3A_331, %lt3A_335 : vector<16xi32>
            %add3A_337 = arith.constant 16384 : i32
            %add3A_338 = vector.broadcast %add3A_337 : i32 to vector<16xi32>
            %add3A_339 = arith.addi %add3A_338, %add3A_331 : vector<16xi32>
            %select_n3A_340 = arith.select %lt3A_336, %bitcast3A_333, %add3A_339 : vector<16xi1>, vector<16xi32>
            tpu.vector_store_idx %arg12[%broadcast_in_dim3A_299, %add3A_331], %select_n3A_340 : memref<1x128xi32, #tpu.memory_space<vmem>>[vector<16xi32>, vector<16xi32>], vector<16xi32>,
            %iota3A_341 = tpu.iota {dimensions = array<i32: 0>} : vector<16xi32>
            %add3A_342 = arith.constant 48 : i32
            %add3A_343 = vector.broadcast %add3A_342 : i32 to vector<16xi32>
            %add3A_344 = arith.addi %add3A_343, %iota3A_341 : vector<16xi32>
            %gather3A_345 = tpu.vector_load_idx %arg11[%add3A_344, %broadcast_in_dim3A_301] : memref<128x128xf32, #tpu.memory_space<vmem>>[vector<16xi32>, vector<16xi32>], vector<16xf32>,
            %bitcast3A_346 = vector.bitcast %gather3A_345 : vector<16xf32> to vector<16xi32>
            %lt3A_347 = arith.constant 128 : i32
            %lt3A_348 = vector.broadcast %lt3A_347 : i32 to vector<16xi32>
            %lt3A_349 = arith.cmpi slt, %add3A_344, %lt3A_348 : vector<16xi32>
            %add3A_350 = arith.constant 16384 : i32
            %add3A_351 = vector.broadcast %add3A_350 : i32 to vector<16xi32>
            %add3A_352 = arith.addi %add3A_351, %add3A_344 : vector<16xi32>
            %select_n3A_353 = arith.select %lt3A_349, %bitcast3A_346, %add3A_352 : vector<16xi1>, vector<16xi32>
            tpu.vector_store_idx %arg12[%broadcast_in_dim3A_299, %add3A_344], %select_n3A_353 : memref<1x128xi32, #tpu.memory_space<vmem>>[vector<16xi32>, vector<16xi32>], vector<16xi32>,
            %iota3A_354 = tpu.iota {dimensions = array<i32: 0>} : vector<16xi32>
            %add3A_355 = arith.constant 64 : i32
            %add3A_356 = vector.broadcast %add3A_355 : i32 to vector<16xi32>
            %add3A_357 = arith.addi %add3A_356, %iota3A_354 : vector<16xi32>
            %gather3A_358 = tpu.vector_load_idx %arg11[%add3A_357, %broadcast_in_dim3A_301] : memref<128x128xf32, #tpu.memory_space<vmem>>[vector<16xi32>, vector<16xi32>], vector<16xf32>,
            %bitcast3A_359 = vector.bitcast %gather3A_358 : vector<16xf32> to vector<16xi32>
            %lt3A_360 = arith.constant 128 : i32
            %lt3A_361 = vector.broadcast %lt3A_360 : i32 to vector<16xi32>
            %lt3A_362 = arith.cmpi slt, %add3A_357, %lt3A_361 : vector<16xi32>
            %add3A_363 = arith.constant 16384 : i32
            %add3A_364 = vector.broadcast %add3A_363 : i32 to vector<16xi32>
            %add3A_365 = arith.addi %add3A_364, %add3A_357 : vector<16xi32>
            %select_n3A_366 = arith.select %lt3A_362, %bitcast3A_359, %add3A_365 : vector<16xi1>, vector<16xi32>
            tpu.vector_store_idx %arg12[%broadcast_in_dim3A_299, %add3A_357], %select_n3A_366 : memref<1x128xi32, #tpu.memory_space<vmem>>[vector<16xi32>, vector<16xi32>], vector<16xi32>,
            %iota3A_367 = tpu.iota {dimensions = array<i32: 0>} : vector<16xi32>
            %add3A_368 = arith.constant 80 : i32
            %add3A_369 = vector.broadcast %add3A_368 : i32 to vector<16xi32>
            %add3A_370 = arith.addi %add3A_369, %iota3A_367 : vector<16xi32>
            %gather3A_371 = tpu.vector_load_idx %arg11[%add3A_370, %broadcast_in_dim3A_301] : memref<128x128xf32, #tpu.memory_space<vmem>>[vector<16xi32>, vector<16xi32>], vector<16xf32>,
            %bitcast3A_372 = vector.bitcast %gather3A_371 : vector<16xf32> to vector<16xi32>
            %lt3A_373 = arith.constant 128 : i32
            %lt3A_374 = vector.broadcast %lt3A_373 : i32 to vector<16xi32>
            %lt3A_375 = arith.cmpi slt, %add3A_370, %lt3A_374 : vector<16xi32>
            %add3A_376 = arith.constant 16384 : i32
            %add3A_377 = vector.broadcast %add3A_376 : i32 to vector<16xi32>
            %add3A_378 = arith.addi %add3A_377, %add3A_370 : vector<16xi32>
            %select_n3A_379 = arith.select %lt3A_375, %bitcast3A_372, %add3A_378 : vector<16xi1>, vector<16xi32>
            tpu.vector_store_idx %arg12[%broadcast_in_dim3A_299, %add3A_370], %select_n3A_379 : memref<1x128xi32, #tpu.memory_space<vmem>>[vector<16xi32>, vector<16xi32>], vector<16xi32>,
            %iota3A_380 = tpu.iota {dimensions = array<i32: 0>} : vector<16xi32>
            %add3A_381 = arith.constant 96 : i32
            %add3A_382 = vector.broadcast %add3A_381 : i32 to vector<16xi32>
            %add3A_383 = arith.addi %add3A_382, %iota3A_380 : vector<16xi32>
            %gather3A_384 = tpu.vector_load_idx %arg11[%add3A_383, %broadcast_in_dim3A_301] : memref<128x128xf32, #tpu.memory_space<vmem>>[vector<16xi32>, vector<16xi32>], vector<16xf32>,
            %bitcast3A_385 = vector.bitcast %gather3A_384 : vector<16xf32> to vector<16xi32>
            %lt3A_386 = arith.constant 128 : i32
            %lt3A_387 = vector.broadcast %lt3A_386 : i32 to vector<16xi32>
            %lt3A_388 = arith.cmpi slt, %add3A_383, %lt3A_387 : vector<16xi32>
            %add3A_389 = arith.constant 16384 : i32
            %add3A_390 = vector.broadcast %add3A_389 : i32 to vector<16xi32>
            %add3A_391 = arith.addi %add3A_390, %add3A_383 : vector<16xi32>
            %select_n3A_392 = arith.select %lt3A_388, %bitcast3A_385, %add3A_391 : vector<16xi1>, vector<16xi32>
            tpu.vector_store_idx %arg12[%broadcast_in_dim3A_299, %add3A_383], %select_n3A_392 : memref<1x128xi32, #tpu.memory_space<vmem>>[vector<16xi32>, vector<16xi32>], vector<16xi32>,
            %iota3A_393 = tpu.iota {dimensions = array<i32: 0>} : vector<16xi32>
            %add3A_394 = arith.constant 112 : i32
            %add3A_395 = vector.broadcast %add3A_394 : i32 to vector<16xi32>
            %add3A_396 = arith.addi %add3A_395, %iota3A_393 : vector<16xi32>
            %gather3A_397 = tpu.vector_load_idx %arg11[%add3A_396, %broadcast_in_dim3A_301] : memref<128x128xf32, #tpu.memory_space<vmem>>[vector<16xi32>, vector<16xi32>], vector<16xf32>,
            %bitcast3A_398 = vector.bitcast %gather3A_397 : vector<16xf32> to vector<16xi32>
            %lt3A_399 = arith.constant 128 : i32
            %lt3A_400 = vector.broadcast %lt3A_399 : i32 to vector<16xi32>
            %lt3A_401 = arith.cmpi slt, %add3A_396, %lt3A_400 : vector<16xi32>
            %add3A_402 = arith.constant 16384 : i32
            %add3A_403 = vector.broadcast %add3A_402 : i32 to vector<16xi32>
            %add3A_404 = arith.addi %add3A_403, %add3A_396 : vector<16xi32>
            %select_n3A_405 = arith.select %lt3A_401, %bitcast3A_398, %add3A_404 : vector<16xi1>, vector<16xi32>
            tpu.vector_store_idx %arg12[%broadcast_in_dim3A_299, %add3A_396], %select_n3A_405 : memref<1x128xi32, #tpu.memory_space<vmem>>[vector<16xi32>, vector<16xi32>], vector<16xi32>,
            %dma_start3A_406 = arith.constant 0 : i32
            %dma_start3A_407 = arith.constant 0 : i32
            %dma_start3A_408 = tpu.memref_slice %arg12[%dma_start3A_406, %dma_start3A_407] : memref<1x128xi32, #tpu.memory_space<vmem>> -> memref<1x128xi32, #tpu.memory_space<vmem>>
            %dma_start3A_409 = tpu.memref_squeeze %dma_start3A_408 : memref<1x128xi32, #tpu.memory_space<vmem>> -> memref<128xi32, #tpu.memory_space<vmem>>
            %dma_start3A_410 = arith.constant 0 : i32
            %dma_start3A_411 = arith.constant 0 : i32
            %dma_start3A_412 = tpu.memref_slice %arg4[%dma_start3A_410, %dma_start3A_411] : memref<16512x128xf32, #tpu.memory_space<hbm>> -> memref<16512x128xf32, #tpu.memory_space<hbm>>
            tpu.enqueue_indirect_dma source(%arg11 : memref<128x128xf32, #tpu.memory_space<vmem>>) target(%dma_start3A_412 : memref<16512x128xf32, #tpu.memory_space<hbm>>) offsets(%dma_start3A_409 : memref<128xi32, #tpu.memory_space<vmem>>) semaphore(%arg17 : memref<!tpu.dma_semaphore, #tpu.memory_space<semaphore_mem>>)
            %dma_wait3A_413 = arith.constant 0 : i32
            %dma_wait3A_414 = arith.constant 0 : i32
            %dma_wait3A_415 = tpu.memref_slice %arg12[%dma_wait3A_413, %dma_wait3A_414] : memref<1x128xi32, #tpu.memory_space<vmem>> -> memref<1x128xi32, #tpu.memory_space<vmem>>
            %dma_wait3A_416 = tpu.memref_squeeze %dma_wait3A_415 : memref<1x128xi32, #tpu.memory_space<vmem>> -> memref<128xi32, #tpu.memory_space<vmem>>
            %dma_wait3A_417 = arith.constant 0 : i32
            %dma_wait3A_418 = arith.constant 0 : i32
            %dma_wait3A_419 = tpu.memref_slice %arg4[%dma_wait3A_417, %dma_wait3A_418] : memref<16512x128xf32, #tpu.memory_space<hbm>> -> memref<16512x128xf32, #tpu.memory_space<hbm>>
            tpu.wait_indirect_dma semaphore(%arg17 : memref<!tpu.dma_semaphore, #tpu.memory_space<semaphore_mem>>) src(%arg11 : memref<128x128xf32, #tpu.memory_space<vmem>>) dst(%dma_wait3A_419 : memref<16512x128xf32, #tpu.memory_space<hbm>>)
          } else {
          }
          %add3A_296 = arith.constant 1 : i32
          %add3A_297 = arith.addi %while3A_261, %add3A_296 : i32
          scf.yield %add3A_297 : i32
        }
        scf.yield %while3A_259 : i32
      }
      %add3A_120 = arith.constant 2 : i32
      %add3A_121 = arith.addi %add3A_60, %add3A_120 : i32
      %lt3A = arith.constant 62 : i32
      %lt3A_122 = arith.cmpi slt, %add3A_121, %lt3A : i32
      %convert_element_type3A_123 = arith.extui %lt3A_122 : i1 to i32
      %cond3A_124 = arith.constant 0 : i32
      %cond3A_125 = arith.cmpi ne, %convert_element_type3A_123, %cond3A_124 : i32
      scf.if %cond3A_125 {
        %add3A_204 = arith.constant 2 : i32
        %add3A_205 = arith.addi %add3A_60, %add3A_204 : i32
        %mul3A_206 = arith.constant 512 : i32
        %mul3A_207 = arith.muli %mul3A_206, %add3A_205 : i32
        %add3A_208 = arith.addi %mul3A_2, %mul3A_207 : i32
        %min3A_209 = arith.constant 999552 : i32
        %min3A_210 = arith.minsi %add3A_208, %min3A_209 : i32
        %dma_start3A_211 = arith.constant 0 : i32
        %dma_start3A_212 = arith.constant 0 : i32
        %dma_start3A_213 = arith.constant 0 : i32
        %dma_start3A_214 = tpu.memref_slice %arg5[%dma_start3A_211, %dma_start3A_212, %dma_start3A_213] : memref<2x64x512xf32, #tpu.memory_space<vmem>> -> memref<1x64x512xf32, #tpu.memory_space<vmem>>
        %dma_start3A_215 = tpu.memref_squeeze %dma_start3A_214 : memref<1x64x512xf32, #tpu.memory_space<vmem>> -> memref<64x512xf32, #tpu.memory_space<vmem>>
        %dma_start3A_216 = arith.constant 0 : i32
        %dma_start3A_217 = tpu.memref_slice %arg3[%dma_start3A_216, %min3A_210] : memref<64x1000001xf32, #tpu.memory_space<hbm>> -> memref<64x512xf32, #tpu.memory_space<hbm>>
        %dma_start3A_218 = arith.constant 0 : i32
        %dma_start3A_219 = arith.constant 0 : i32
        %dma_start3A_220 = tpu.memref_slice %arg5[%dma_start3A_211, %dma_start3A_218, %dma_start3A_219] : memref<2x64x512xf32, #tpu.memory_space<vmem>> -> memref<1x64x512xf32, #tpu.memory_space<vmem>>
        %dma_start3A_221 = tpu.memref_squeeze %dma_start3A_220 : memref<1x64x512xf32, #tpu.memory_space<vmem>> -> memref<64x512xf32, #tpu.memory_space<vmem>>
        %dma_start3A_222 = arith.constant 0 : i32
        %dma_start3A_223 = tpu.memref_slice %arg3[%dma_start3A_222, %min3A_210] : memref<64x1000001xf32, #tpu.memory_space<hbm>> -> memref<64x512xf32, #tpu.memory_space<hbm>>
        tpu.enqueue_dma source(%dma_start3A_223 : memref<64x512xf32, #tpu.memory_space<hbm>>) target(%dma_start3A_221 : memref<64x512xf32, #tpu.memory_space<vmem>>) target_semaphore(%arg13 : memref<!tpu.dma_semaphore, #tpu.memory_space<semaphore_mem>>)
      } else {
      }
      %mul3A_126 = arith.constant 2 : i32
      %mul3A_127 = arith.muli %mul3A_126, %scan3A_55 : i32
      %add3A_128 = arith.constant 1 : i32
      %add3A_129 = arith.addi %mul3A_127, %add3A_128 : i32
      %add3A_130 = arith.constant 0 : i32
      %add3A_131 = arith.addi %mul3A_2, %add3A_130 : i32
      %min3A_132 = arith.constant 999552 : i32
      %min3A_133 = arith.minsi %add3A_131, %min3A_132 : i32
      %dma_wait3A_134 = arith.constant 1 : i32
      %dma_wait3A_135 = arith.constant 0 : i32
      %dma_wait3A_136 = arith.constant 0 : i32
      %dma_wait3A_137 = tpu.memref_slice %arg5[%dma_wait3A_134, %dma_wait3A_135, %dma_wait3A_136] : memref<2x64x512xf32, #tpu.memory_space<vmem>> -> memref<1x64x512xf32, #tpu.memory_space<vmem>>
      %dma_wait3A_138 = tpu.memref_squeeze %dma_wait3A_137 : memref<1x64x512xf32, #tpu.memory_space<vmem>> -> memref<64x512xf32, #tpu.memory_space<vmem>>
      %dma_wait3A_139 = arith.constant 0 : i32
      %dma_wait3A_140 = tpu.memref_slice %arg3[%dma_wait3A_139, %min3A_133] : memref<64x1000001xf32, #tpu.memory_space<hbm>> -> memref<64x512xf32, #tpu.memory_space<hbm>>
      %dma_wait3A_141 = arith.constant 0 : i32
      %dma_wait3A_142 = arith.constant 0 : i32
      %dma_wait3A_143 = tpu.memref_slice %arg5[%dma_wait3A_134, %dma_wait3A_141, %dma_wait3A_142] : memref<2x64x512xf32, #tpu.memory_space<vmem>> -> memref<1x64x512xf32, #tpu.memory_space<vmem>>
      %dma_wait3A_144 = tpu.memref_squeeze %dma_wait3A_143 : memref<1x64x512xf32, #tpu.memory_space<vmem>> -> memref<64x512xf32, #tpu.memory_space<vmem>>
      %dma_wait3A_145 = arith.constant 0 : i32
      %dma_wait3A_146 = tpu.memref_slice %arg3[%dma_wait3A_145, %min3A_133] : memref<64x1000001xf32, #tpu.memory_space<hbm>> -> memref<64x512xf32, #tpu.memory_space<hbm>>
      tpu.wait_dma2 semaphore(%arg14 : memref<!tpu.dma_semaphore, #tpu.memory_space<semaphore_mem>>) src(%dma_wait3A_146 : memref<64x512xf32, #tpu.memory_space<hbm>>) dst(%dma_wait3A_144 : memref<64x512xf32, #tpu.memory_space<vmem>>)
      %mul3A_147 = arith.constant 512 : i32
      %mul3A_148 = arith.muli %mul3A_147, %add3A_129 : i32
      %add3A_149 = arith.addi %mul3A_2, %mul3A_148 : i32
      %mul3A_150 = arith.constant 512 : i32
      %mul3A_151 = arith.muli %mul3A_150, %add3A_129 : i32
      %add3A_152 = arith.addi %mul3A_2, %mul3A_151 : i32
      %min3A_153 = arith.constant 999552 : i32
      %min3A_154 = arith.minsi %add3A_152, %min3A_153 : i32
      %add3A_155 = arith.constant 512 : i32
      %add3A_156 = arith.addi %add3A_149, %add3A_155 : i32
      %min3A_157 = arith.minsi %add3A_156, %min3A_5 : i32
      %add3A_158 = arith.constant 2048 : i32
      %add3A_159 = arith.addi %scan3A_43, %add3A_158 : i32
      %sub3A_160 = arith.constant 1 : i32
      %sub3A_161 = arith.subi %add3A_159, %sub3A_160 : i32
      %jit3A_162 = arith.constant 2048 : i32
      %div3A_163 = arith.divsi %sub3A_161, %jit3A_162 : i32
      %sign3A_164 = arith.constant 0 : i32
      %sign3A_165 = arith.cmpi sgt, %sub3A_161, %sign3A_164 : i32
      %sign3A_166 = arith.extui %sign3A_165 : i1 to i32
      %sign3A_167 = arith.constant 0 : i32
      %sign3A_168 = arith.cmpi slt, %sub3A_161, %sign3A_167 : i32
      %sign3A_169 = arith.extui %sign3A_168 : i1 to i32
      %sign3A_170 = arith.subi %sign3A_166, %sign3A_169 : i32
      %sign3A_171 = arith.constant 0 : i32
      %sign3A_172 = arith.cmpi sgt, %jit3A_162, %sign3A_171 : i32
      %sign3A_173 = arith.extui %sign3A_172 : i1 to i32
      %sign3A_174 = arith.constant 0 : i32
      %sign3A_175 = arith.cmpi slt, %jit3A_162, %sign3A_174 : i32
      %sign3A_176 = arith.extui %sign3A_175 : i1 to i32
      %sign3A_177 = arith.subi %sign3A_173, %sign3A_176 : i32
      %ne3A_178 = arith.cmpi ne, %sign3A_170, %sign3A_177 : i32
      %rem3A_179 = arith.remsi %sub3A_161, %jit3A_162 : i32
      %ne3A_180 = arith.constant 0 : i32
      %ne3A_181 = arith.cmpi ne, %rem3A_179, %ne3A_180 : i32
      %and3A_182 = arith.andi %ne3A_178, %ne3A_181 : i1
      %sub3A_183 = arith.constant 1 : i32
      %sub3A_184 = arith.subi %div3A_163, %sub3A_183 : i32
      %select_n3A_185 = arith.select %and3A_182, %sub3A_184, %div3A_163 : i32
      %while3A_186 = arith.constant 0 : i32
      %while3A_187 = arith.subi %select_n3A_185, %while3A_186 : i32
      %while3A_188 = arith.addi %while3A_186, %while3A_187 : i32
      %while3A_189 = arith.constant 1 : i32
      %while3A_190 = arith.divsi %while3A_187, %while3A_189 : i32
      %while3A_191 = arith.muli %while3A_190, %while3A_189 : i32
      %while3A_192 = arith.addi %while3A_186, %while3A_191 : i32
      %while3A_193 = arith.constant 1 : i32
      %while3A_194 = scf.for %while3A_204 = %while3A_186 to %while3A_192 step %while3A_193 iter_args(%while3A_205 = %while3A_119) -> (i32)  : i32 {
        %mul3A_206 = arith.constant 2048 : i32
        %mul3A_207 = arith.muli %while3A_204, %mul3A_206 : i32
        %sub3A_208 = arith.subi %scan3A_43, %mul3A_207 : i32
        %min3A_209 = arith.constant 2048 : i32
        %min3A_210 = arith.minsi %min3A_209, %sub3A_208 : i32
        %add3A_211 = arith.constant 15 : i32
        %add3A_212 = arith.addi %min3A_210, %add3A_211 : i32
        %jit3A_213 = arith.constant 16 : i32
        %div3A_214 = arith.divsi %add3A_212, %jit3A_213 : i32
        %sign3A_215 = arith.constant 0 : i32
        %sign3A_216 = arith.cmpi sgt, %add3A_212, %sign3A_215 : i32
        %sign3A_217 = arith.extui %sign3A_216 : i1 to i32
        %sign3A_218 = arith.constant 0 : i32
        %sign3A_219 = arith.cmpi slt, %add3A_212, %sign3A_218 : i32
        %sign3A_220 = arith.extui %sign3A_219 : i1 to i32
        %sign3A_221 = arith.subi %sign3A_217, %sign3A_220 : i32
        %sign3A_222 = arith.constant 0 : i32
        %sign3A_223 = arith.cmpi sgt, %jit3A_213, %sign3A_222 : i32
        %sign3A_224 = arith.extui %sign3A_223 : i1 to i32
        %sign3A_225 = arith.constant 0 : i32
        %sign3A_226 = arith.cmpi slt, %jit3A_213, %sign3A_225 : i32
        %sign3A_227 = arith.extui %sign3A_226 : i1 to i32
        %sign3A_228 = arith.subi %sign3A_224, %sign3A_227 : i32
        %ne3A_229 = arith.cmpi ne, %sign3A_221, %sign3A_228 : i32
        %rem3A_230 = arith.remsi %add3A_212, %jit3A_213 : i32
        %ne3A_231 = arith.constant 0 : i32
        %ne3A_232 = arith.cmpi ne, %rem3A_230, %ne3A_231 : i32
        %and3A_233 = arith.andi %ne3A_229, %ne3A_232 : i1
        %sub3A_234 = arith.constant 1 : i32
        %sub3A_235 = arith.subi %div3A_214, %sub3A_234 : i32
        %select_n3A_236 = arith.select %and3A_233, %sub3A_235, %div3A_214 : i32
        %while3A_237 = arith.constant 0 : i32
        %while3A_238 = arith.constant 0 : i32
        %while3A_239 = arith.subi %select_n3A_236, %while3A_237 : i32
        %while3A_240 = arith.addi %while3A_237, %while3A_239 : i32
        %while3A_241 = arith.constant 1 : i32
        %while3A_242 = arith.divsi %while3A_239, %while3A_241 : i32
        %while3A_243 = arith.muli %while3A_242, %while3A_241 : i32
        %while3A_244 = arith.addi %while3A_237, %while3A_243 : i32
        %while3A_245 = arith.constant 1 : i32
        %while3A_246 = scf.for %while3A_260 = %while3A_237 to %while3A_244 step %while3A_245 iter_args(%while3A_261 = %while3A_238) -> (i32)  : i32 {
          %mul3A_262 = arith.constant 2048 : i32
          %mul3A_263 = arith.muli %while3A_204, %mul3A_262 : i32
          %mul3A_264 = arith.constant 16 : i32
          %mul3A_265 = arith.muli %while3A_260, %mul3A_264 : i32
          %add3A_266 = arith.addi %mul3A_263, %mul3A_265 : i32
          %get3A = arith.index_cast %add3A_266 : i32 to index
          %get3A_267 = tpu.vector_load %arg7[%get3A] {strides = array<i32>} : memref<16400xi32, #tpu.memory_space<vmem>>, vector<16xi32>,
          %get3A_268 = arith.index_cast %add3A_266 : i32 to index
          %get3A_269 = tpu.vector_load %arg8[%get3A_268] {strides = array<i32>} : memref<16400xi32, #tpu.memory_space<vmem>>, vector<16xi32>,
          %add3A_270 = vector.broadcast %add3A_266 : i32 to vector<16xi32>
          %add3A_271 = arith.addi %add3A_270, %iota3A : vector<16xi32>
          %lt3A_272 = vector.broadcast %scan3A_43 : i32 to vector<16xi32>
          %lt3A_273 = arith.cmpi slt, %add3A_271, %lt3A_272 : vector<16xi32>
          %ge3A = vector.broadcast %add3A_149 : i32 to vector<16xi32>
          %ge3A_274 = arith.cmpi sge, %get3A_267, %ge3A : vector<16xi32>
          %lt3A_275 = vector.broadcast %min3A_157 : i32 to vector<16xi32>
          %lt3A_276 = arith.cmpi slt, %get3A_267, %lt3A_275 : vector<16xi32>
          %and3A_277 = arith.andi %ge3A_274, %lt3A_276 : vector<16xi1>
          %and3A_278 = arith.andi %and3A_277, %lt3A_273 : vector<16xi1>
          %convert_element_type3A_279 = arith.extui %and3A_278 : vector<16xi1> to vector<16xi32>
          %broadcast_in_dim3A = arith.constant true
          %broadcast_in_dim3A_280 = vector.broadcast %broadcast_in_dim3A : i1 to vector<16xi1>
          %masked_cumsum3A = tpu.scan <sum>, %convert_element_type3A_279 masked %broadcast_in_dim3A_280 : vector<16xi32>, vector<16xi1> -> vector<16xi32>
          %add3A_281 = vector.broadcast %while3A_261 : i32 to vector<16xi32>
          %add3A_282 = arith.addi %add3A_281, %masked_cumsum3A : vector<16xi32>
          %sub3A_283 = arith.subi %add3A_282, %convert_element_type3A_279 : vector<16xi32>
          tpu.vector_store_idx %arg9[%sub3A_283], %get3A_267 masked %and3A_278 : memref<2064xi32, #tpu.memory_space<vmem>>[vector<16xi32>], vector<16xi32>, vector<16xi1>
          tpu.vector_store_idx %arg10[%sub3A_283], %get3A_269 masked %and3A_278 : memref<2064xi32, #tpu.memory_space<vmem>>[vector<16xi32>], vector<16xi32>, vector<16xi1>
          %all_reduce_population_count3A = tpu.all_reduce %and3A_278 {dim = 0 : i64, kind = #tpu.reduction_kind<sum>} : vector<16xi1> -> vector<16xi32>
          %slice3A = vector.extract_strided_slice %all_reduce_population_count3A {offsets = [0], sizes = [1], strides = [1]} : vector<16xi32> to vector<1xi32>
          %squeeze3A = vector.extract %slice3A[0] : i32 from vector<1xi32>
          %add3A_284 = arith.addi %while3A_261, %squeeze3A : i32
          scf.yield %add3A_284 : i32
        }
        %while3A_247 = arith.constant 1 : i32
        %while3A_248 = scf.for %while3A_260 = %while3A_244 to %while3A_240 step %while3A_247 iter_args(%while3A_261 = %while3A_246) -> (i32)  : i32 {
          %mul3A_262 = arith.constant 2048 : i32
          %mul3A_263 = arith.muli %while3A_204, %mul3A_262 : i32
          %mul3A_264 = arith.constant 16 : i32
          %mul3A_265 = arith.muli %while3A_260, %mul3A_264 : i32
          %add3A_266 = arith.addi %mul3A_263, %mul3A_265 : i32
          %get3A = arith.index_cast %add3A_266 : i32 to index
          %get3A_267 = tpu.vector_load %arg7[%get3A] {strides = array<i32>} : memref<16400xi32, #tpu.memory_space<vmem>>, vector<16xi32>,
          %get3A_268 = arith.index_cast %add3A_266 : i32 to index
          %get3A_269 = tpu.vector_load %arg8[%get3A_268] {strides = array<i32>} : memref<16400xi32, #tpu.memory_space<vmem>>, vector<16xi32>,
          %add3A_270 = vector.broadcast %add3A_266 : i32 to vector<16xi32>
          %add3A_271 = arith.addi %add3A_270, %iota3A : vector<16xi32>
          %lt3A_272 = vector.broadcast %scan3A_43 : i32 to vector<16xi32>
          %lt3A_273 = arith.cmpi slt, %add3A_271, %lt3A_272 : vector<16xi32>
          %ge3A = vector.broadcast %add3A_149 : i32 to vector<16xi32>
          %ge3A_274 = arith.cmpi sge, %get3A_267, %ge3A : vector<16xi32>
          %lt3A_275 = vector.broadcast %min3A_157 : i32 to vector<16xi32>
          %lt3A_276 = arith.cmpi slt, %get3A_267, %lt3A_275 : vector<16xi32>
          %and3A_277 = arith.andi %ge3A_274, %lt3A_276 : vector<16xi1>
          %and3A_278 = arith.andi %and3A_277, %lt3A_273 : vector<16xi1>
          %convert_element_type3A_279 = arith.extui %and3A_278 : vector<16xi1> to vector<16xi32>
          %broadcast_in_dim3A = arith.constant true
          %broadcast_in_dim3A_280 = vector.broadcast %broadcast_in_dim3A : i1 to vector<16xi1>
          %masked_cumsum3A = tpu.scan <sum>, %convert_element_type3A_279 masked %broadcast_in_dim3A_280 : vector<16xi32>, vector<16xi1> -> vector<16xi32>
          %add3A_281 = vector.broadcast %while3A_261 : i32 to vector<16xi32>
          %add3A_282 = arith.addi %add3A_281, %masked_cumsum3A : vector<16xi32>
          %sub3A_283 = arith.subi %add3A_282, %convert_element_type3A_279 : vector<16xi32>
          tpu.vector_store_idx %arg9[%sub3A_283], %get3A_267 masked %and3A_278 : memref<2064xi32, #tpu.memory_space<vmem>>[vector<16xi32>], vector<16xi32>, vector<16xi1>
          tpu.vector_store_idx %arg10[%sub3A_283], %get3A_269 masked %and3A_278 : memref<2064xi32, #tpu.memory_space<vmem>>[vector<16xi32>], vector<16xi32>, vector<16xi1>
          %all_reduce_population_count3A = tpu.all_reduce %and3A_278 {dim = 0 : i64, kind = #tpu.reduction_kind<sum>} : vector<16xi1> -> vector<16xi32>
          %slice3A = vector.extract_strided_slice %all_reduce_population_count3A {offsets = [0], sizes = [1], strides = [1]} : vector<16xi32> to vector<1xi32>
          %squeeze3A = vector.extract %slice3A[0] : i32 from vector<1xi32>
          %add3A_284 = arith.addi %while3A_261, %squeeze3A : i32
          scf.yield %add3A_284 : i32
        }
        %while3A_249 = arith.constant 0 : i32
        %while3A_250 = arith.subi %while3A_248, %while3A_249 : i32
        %while3A_251 = arith.addi %while3A_249, %while3A_250 : i32
        %while3A_252 = arith.constant 1 : i32
        %while3A_253 = arith.divsi %while3A_250, %while3A_252 : i32
        %while3A_254 = arith.muli %while3A_253, %while3A_252 : i32
        %while3A_255 = arith.addi %while3A_249, %while3A_254 : i32
        %while3A_256 = arith.constant 1 : i32
        %while3A_257 = scf.for %while3A_260 = %while3A_249 to %while3A_255 step %while3A_256 iter_args(%while3A_261 = %while3A_205) -> (i32)  : i32 {
          %get3A = arith.index_cast %while3A_260 : i32 to index
          %get3A_262 = tpu.vector_load %arg9[%get3A] {strides = array<i32>} : memref<2064xi32, #tpu.memory_space<vmem>>, vector<16xi32>,
          %slice3A = vector.extract_strided_slice %get3A_262 {offsets = [0], sizes = [1], strides = [1]} : vector<16xi32> to vector<1xi32>
          %squeeze3A = vector.extract %slice3A[0] : i32 from vector<1xi32>
          %get3A_263 = arith.index_cast %while3A_260 : i32 to index
          %get3A_264 = tpu.vector_load %arg10[%get3A_263] {strides = array<i32>} : memref<2064xi32, #tpu.memory_space<vmem>>, vector<16xi32>,
          %slice3A_265 = vector.extract_strided_slice %get3A_264 {offsets = [0], sizes = [1], strides = [1]} : vector<16xi32> to vector<1xi32>
          %squeeze3A_266 = vector.extract %slice3A_265[0] : i32 from vector<1xi32>
          %sub3A_267 = arith.subi %squeeze3A, %min3A_154 : i32
          %broadcast_in_dim3A = vector.broadcast %sub3A_267 : i32 to vector<16xi32>
          %broadcast_in_dim3A_268 = arith.constant 1 : i32
          %broadcast_in_dim3A_269 = vector.broadcast %broadcast_in_dim3A_268 : i32 to vector<16xi32>
          %rem3A_270 = arith.constant 128 : i32
          %rem3A_271 = arith.remsi %while3A_261, %rem3A_270 : i32
          %broadcast_in_dim3A_272 = vector.broadcast %rem3A_271 : i32 to vector<16xi32>
          %add3A_273 = arith.constant 0 : i32
          %add3A_274 = vector.broadcast %add3A_273 : i32 to vector<16xi32>
          %add3A_275 = arith.addi %add3A_274, %iota3A : vector<16xi32>
          %gather3A = tpu.vector_load_idx %arg5[%broadcast_in_dim3A_269, %add3A_275, %broadcast_in_dim3A] : memref<2x64x512xf32, #tpu.memory_space<vmem>>[vector<16xi32>, vector<16xi32>, vector<16xi32>], vector<16xf32>,
          tpu.vector_store_idx %arg11[%broadcast_in_dim3A_272, %add3A_275], %gather3A : memref<128x128xf32, #tpu.memory_space<vmem>>[vector<16xi32>, vector<16xi32>], vector<16xf32>,
          %add3A_276 = arith.constant 16 : i32
          %add3A_277 = vector.broadcast %add3A_276 : i32 to vector<16xi32>
          %add3A_278 = arith.addi %add3A_277, %iota3A : vector<16xi32>
          %gather3A_279 = tpu.vector_load_idx %arg5[%broadcast_in_dim3A_269, %add3A_278, %broadcast_in_dim3A] : memref<2x64x512xf32, #tpu.memory_space<vmem>>[vector<16xi32>, vector<16xi32>, vector<16xi32>], vector<16xf32>,
          tpu.vector_store_idx %arg11[%broadcast_in_dim3A_272, %add3A_278], %gather3A_279 : memref<128x128xf32, #tpu.memory_space<vmem>>[vector<16xi32>, vector<16xi32>], vector<16xf32>,
          %add3A_280 = arith.constant 32 : i32
          %add3A_281 = vector.broadcast %add3A_280 : i32 to vector<16xi32>
          %add3A_282 = arith.addi %add3A_281, %iota3A : vector<16xi32>
          %gather3A_283 = tpu.vector_load_idx %arg5[%broadcast_in_dim3A_269, %add3A_282, %broadcast_in_dim3A] : memref<2x64x512xf32, #tpu.memory_space<vmem>>[vector<16xi32>, vector<16xi32>, vector<16xi32>], vector<16xf32>,
          tpu.vector_store_idx %arg11[%broadcast_in_dim3A_272, %add3A_282], %gather3A_283 : memref<128x128xf32, #tpu.memory_space<vmem>>[vector<16xi32>, vector<16xi32>], vector<16xf32>,
          %add3A_284 = arith.constant 48 : i32
          %add3A_285 = vector.broadcast %add3A_284 : i32 to vector<16xi32>
          %add3A_286 = arith.addi %add3A_285, %iota3A : vector<16xi32>
          %gather3A_287 = tpu.vector_load_idx %arg5[%broadcast_in_dim3A_269, %add3A_286, %broadcast_in_dim3A] : memref<2x64x512xf32, #tpu.memory_space<vmem>>[vector<16xi32>, vector<16xi32>, vector<16xi32>], vector<16xf32>,
          tpu.vector_store_idx %arg11[%broadcast_in_dim3A_272, %add3A_286], %gather3A_287 : memref<128x128xf32, #tpu.memory_space<vmem>>[vector<16xi32>, vector<16xi32>], vector<16xf32>,
          %broadcast_in_dim3A_288 = vector.broadcast %squeeze3A_266 : i32 to vector<16xi32>
          %bitcast3A = vector.bitcast %broadcast_in_dim3A_288 : vector<16xi32> to vector<16xf32>
          %add3A_289 = arith.constant 64 : i32
          %add3A_290 = vector.broadcast %add3A_289 : i32 to vector<16xi32>
          %add3A_291 = arith.addi %add3A_290, %iota3A : vector<16xi32>
          tpu.vector_store_idx %arg11[%broadcast_in_dim3A_272, %add3A_291], %bitcast3A : memref<128x128xf32, #tpu.memory_space<vmem>>[vector<16xi32>, vector<16xi32>], vector<16xf32>,
          %eq3A = arith.constant 127 : i32
          %eq3A_292 = arith.cmpi eq, %rem3A_271, %eq3A : i32
          %convert_element_type3A_293 = arith.extui %eq3A_292 : i1 to i32
          %cond3A_294 = arith.constant 0 : i32
          %cond3A_295 = arith.cmpi ne, %convert_element_type3A_293, %cond3A_294 : i32
          scf.if %cond3A_295 {
            %broadcast_in_dim3A_298 = arith.constant 0 : i32
            %broadcast_in_dim3A_299 = vector.broadcast %broadcast_in_dim3A_298 : i32 to vector<16xi32>
            %broadcast_in_dim3A_300 = arith.constant 64 : i32
            %broadcast_in_dim3A_301 = vector.broadcast %broadcast_in_dim3A_300 : i32 to vector<16xi32>
            %iota3A_302 = tpu.iota {dimensions = array<i32: 0>} : vector<16xi32>
            %add3A_303 = arith.constant 0 : i32
            %add3A_304 = vector.broadcast %add3A_303 : i32 to vector<16xi32>
            %add3A_305 = arith.addi %add3A_304, %iota3A_302 : vector<16xi32>
            %gather3A_306 = tpu.vector_load_idx %arg11[%add3A_305, %broadcast_in_dim3A_301] : memref<128x128xf32, #tpu.memory_space<vmem>>[vector<16xi32>, vector<16xi32>], vector<16xf32>,
            %bitcast3A_307 = vector.bitcast %gather3A_306 : vector<16xf32> to vector<16xi32>
            %lt3A_308 = arith.constant 128 : i32
            %lt3A_309 = vector.broadcast %lt3A_308 : i32 to vector<16xi32>
            %lt3A_310 = arith.cmpi slt, %add3A_305, %lt3A_309 : vector<16xi32>
            %add3A_311 = arith.constant 16384 : i32
            %add3A_312 = vector.broadcast %add3A_311 : i32 to vector<16xi32>
            %add3A_313 = arith.addi %add3A_312, %add3A_305 : vector<16xi32>
            %select_n3A_314 = arith.select %lt3A_310, %bitcast3A_307, %add3A_313 : vector<16xi1>, vector<16xi32>
            tpu.vector_store_idx %arg12[%broadcast_in_dim3A_299, %add3A_305], %select_n3A_314 : memref<1x128xi32, #tpu.memory_space<vmem>>[vector<16xi32>, vector<16xi32>], vector<16xi32>,
            %iota3A_315 = tpu.iota {dimensions = array<i32: 0>} : vector<16xi32>
            %add3A_316 = arith.constant 16 : i32
            %add3A_317 = vector.broadcast %add3A_316 : i32 to vector<16xi32>
            %add3A_318 = arith.addi %add3A_317, %iota3A_315 : vector<16xi32>
            %gather3A_319 = tpu.vector_load_idx %arg11[%add3A_318, %broadcast_in_dim3A_301] : memref<128x128xf32, #tpu.memory_space<vmem>>[vector<16xi32>, vector<16xi32>], vector<16xf32>,
            %bitcast3A_320 = vector.bitcast %gather3A_319 : vector<16xf32> to vector<16xi32>
            %lt3A_321 = arith.constant 128 : i32
            %lt3A_322 = vector.broadcast %lt3A_321 : i32 to vector<16xi32>
            %lt3A_323 = arith.cmpi slt, %add3A_318, %lt3A_322 : vector<16xi32>
            %add3A_324 = arith.constant 16384 : i32
            %add3A_325 = vector.broadcast %add3A_324 : i32 to vector<16xi32>
            %add3A_326 = arith.addi %add3A_325, %add3A_318 : vector<16xi32>
            %select_n3A_327 = arith.select %lt3A_323, %bitcast3A_320, %add3A_326 : vector<16xi1>, vector<16xi32>
            tpu.vector_store_idx %arg12[%broadcast_in_dim3A_299, %add3A_318], %select_n3A_327 : memref<1x128xi32, #tpu.memory_space<vmem>>[vector<16xi32>, vector<16xi32>], vector<16xi32>,
            %iota3A_328 = tpu.iota {dimensions = array<i32: 0>} : vector<16xi32>
            %add3A_329 = arith.constant 32 : i32
            %add3A_330 = vector.broadcast %add3A_329 : i32 to vector<16xi32>
            %add3A_331 = arith.addi %add3A_330, %iota3A_328 : vector<16xi32>
            %gather3A_332 = tpu.vector_load_idx %arg11[%add3A_331, %broadcast_in_dim3A_301] : memref<128x128xf32, #tpu.memory_space<vmem>>[vector<16xi32>, vector<16xi32>], vector<16xf32>,
            %bitcast3A_333 = vector.bitcast %gather3A_332 : vector<16xf32> to vector<16xi32>
            %lt3A_334 = arith.constant 128 : i32
            %lt3A_335 = vector.broadcast %lt3A_334 : i32 to vector<16xi32>
            %lt3A_336 = arith.cmpi slt, %add3A_331, %lt3A_335 : vector<16xi32>
            %add3A_337 = arith.constant 16384 : i32
            %add3A_338 = vector.broadcast %add3A_337 : i32 to vector<16xi32>
            %add3A_339 = arith.addi %add3A_338, %add3A_331 : vector<16xi32>
            %select_n3A_340 = arith.select %lt3A_336, %bitcast3A_333, %add3A_339 : vector<16xi1>, vector<16xi32>
            tpu.vector_store_idx %arg12[%broadcast_in_dim3A_299, %add3A_331], %select_n3A_340 : memref<1x128xi32, #tpu.memory_space<vmem>>[vector<16xi32>, vector<16xi32>], vector<16xi32>,
            %iota3A_341 = tpu.iota {dimensions = array<i32: 0>} : vector<16xi32>
            %add3A_342 = arith.constant 48 : i32
            %add3A_343 = vector.broadcast %add3A_342 : i32 to vector<16xi32>
            %add3A_344 = arith.addi %add3A_343, %iota3A_341 : vector<16xi32>
            %gather3A_345 = tpu.vector_load_idx %arg11[%add3A_344, %broadcast_in_dim3A_301] : memref<128x128xf32, #tpu.memory_space<vmem>>[vector<16xi32>, vector<16xi32>], vector<16xf32>,
            %bitcast3A_346 = vector.bitcast %gather3A_345 : vector<16xf32> to vector<16xi32>
            %lt3A_347 = arith.constant 128 : i32
            %lt3A_348 = vector.broadcast %lt3A_347 : i32 to vector<16xi32>
            %lt3A_349 = arith.cmpi slt, %add3A_344, %lt3A_348 : vector<16xi32>
            %add3A_350 = arith.constant 16384 : i32
            %add3A_351 = vector.broadcast %add3A_350 : i32 to vector<16xi32>
            %add3A_352 = arith.addi %add3A_351, %add3A_344 : vector<16xi32>
            %select_n3A_353 = arith.select %lt3A_349, %bitcast3A_346, %add3A_352 : vector<16xi1>, vector<16xi32>
            tpu.vector_store_idx %arg12[%broadcast_in_dim3A_299, %add3A_344], %select_n3A_353 : memref<1x128xi32, #tpu.memory_space<vmem>>[vector<16xi32>, vector<16xi32>], vector<16xi32>,
            %iota3A_354 = tpu.iota {dimensions = array<i32: 0>} : vector<16xi32>
            %add3A_355 = arith.constant 64 : i32
            %add3A_356 = vector.broadcast %add3A_355 : i32 to vector<16xi32>
            %add3A_357 = arith.addi %add3A_356, %iota3A_354 : vector<16xi32>
            %gather3A_358 = tpu.vector_load_idx %arg11[%add3A_357, %broadcast_in_dim3A_301] : memref<128x128xf32, #tpu.memory_space<vmem>>[vector<16xi32>, vector<16xi32>], vector<16xf32>,
            %bitcast3A_359 = vector.bitcast %gather3A_358 : vector<16xf32> to vector<16xi32>
            %lt3A_360 = arith.constant 128 : i32
            %lt3A_361 = vector.broadcast %lt3A_360 : i32 to vector<16xi32>
            %lt3A_362 = arith.cmpi slt, %add3A_357, %lt3A_361 : vector<16xi32>
            %add3A_363 = arith.constant 16384 : i32
            %add3A_364 = vector.broadcast %add3A_363 : i32 to vector<16xi32>
            %add3A_365 = arith.addi %add3A_364, %add3A_357 : vector<16xi32>
            %select_n3A_366 = arith.select %lt3A_362, %bitcast3A_359, %add3A_365 : vector<16xi1>, vector<16xi32>
            tpu.vector_store_idx %arg12[%broadcast_in_dim3A_299, %add3A_357], %select_n3A_366 : memref<1x128xi32, #tpu.memory_space<vmem>>[vector<16xi32>, vector<16xi32>], vector<16xi32>,
            %iota3A_367 = tpu.iota {dimensions = array<i32: 0>} : vector<16xi32>
            %add3A_368 = arith.constant 80 : i32
            %add3A_369 = vector.broadcast %add3A_368 : i32 to vector<16xi32>
            %add3A_370 = arith.addi %add3A_369, %iota3A_367 : vector<16xi32>
            %gather3A_371 = tpu.vector_load_idx %arg11[%add3A_370, %broadcast_in_dim3A_301] : memref<128x128xf32, #tpu.memory_space<vmem>>[vector<16xi32>, vector<16xi32>], vector<16xf32>,
            %bitcast3A_372 = vector.bitcast %gather3A_371 : vector<16xf32> to vector<16xi32>
            %lt3A_373 = arith.constant 128 : i32
            %lt3A_374 = vector.broadcast %lt3A_373 : i32 to vector<16xi32>
            %lt3A_375 = arith.cmpi slt, %add3A_370, %lt3A_374 : vector<16xi32>
            %add3A_376 = arith.constant 16384 : i32
            %add3A_377 = vector.broadcast %add3A_376 : i32 to vector<16xi32>
            %add3A_378 = arith.addi %add3A_377, %add3A_370 : vector<16xi32>
            %select_n3A_379 = arith.select %lt3A_375, %bitcast3A_372, %add3A_378 : vector<16xi1>, vector<16xi32>
            tpu.vector_store_idx %arg12[%broadcast_in_dim3A_299, %add3A_370], %select_n3A_379 : memref<1x128xi32, #tpu.memory_space<vmem>>[vector<16xi32>, vector<16xi32>], vector<16xi32>,
            %iota3A_380 = tpu.iota {dimensions = array<i32: 0>} : vector<16xi32>
            %add3A_381 = arith.constant 96 : i32
            %add3A_382 = vector.broadcast %add3A_381 : i32 to vector<16xi32>
            %add3A_383 = arith.addi %add3A_382, %iota3A_380 : vector<16xi32>
            %gather3A_384 = tpu.vector_load_idx %arg11[%add3A_383, %broadcast_in_dim3A_301] : memref<128x128xf32, #tpu.memory_space<vmem>>[vector<16xi32>, vector<16xi32>], vector<16xf32>,
            %bitcast3A_385 = vector.bitcast %gather3A_384 : vector<16xf32> to vector<16xi32>
            %lt3A_386 = arith.constant 128 : i32
            %lt3A_387 = vector.broadcast %lt3A_386 : i32 to vector<16xi32>
            %lt3A_388 = arith.cmpi slt, %add3A_383, %lt3A_387 : vector<16xi32>
            %add3A_389 = arith.constant 16384 : i32
            %add3A_390 = vector.broadcast %add3A_389 : i32 to vector<16xi32>
            %add3A_391 = arith.addi %add3A_390, %add3A_383 : vector<16xi32>
            %select_n3A_392 = arith.select %lt3A_388, %bitcast3A_385, %add3A_391 : vector<16xi1>, vector<16xi32>
            tpu.vector_store_idx %arg12[%broadcast_in_dim3A_299, %add3A_383], %select_n3A_392 : memref<1x128xi32, #tpu.memory_space<vmem>>[vector<16xi32>, vector<16xi32>], vector<16xi32>,
            %iota3A_393 = tpu.iota {dimensions = array<i32: 0>} : vector<16xi32>
            %add3A_394 = arith.constant 112 : i32
            %add3A_395 = vector.broadcast %add3A_394 : i32 to vector<16xi32>
            %add3A_396 = arith.addi %add3A_395, %iota3A_393 : vector<16xi32>
            %gather3A_397 = tpu.vector_load_idx %arg11[%add3A_396, %broadcast_in_dim3A_301] : memref<128x128xf32, #tpu.memory_space<vmem>>[vector<16xi32>, vector<16xi32>], vector<16xf32>,
            %bitcast3A_398 = vector.bitcast %gather3A_397 : vector<16xf32> to vector<16xi32>
            %lt3A_399 = arith.constant 128 : i32
            %lt3A_400 = vector.broadcast %lt3A_399 : i32 to vector<16xi32>
            %lt3A_401 = arith.cmpi slt, %add3A_396, %lt3A_400 : vector<16xi32>
            %add3A_402 = arith.constant 16384 : i32
            %add3A_403 = vector.broadcast %add3A_402 : i32 to vector<16xi32>
            %add3A_404 = arith.addi %add3A_403, %add3A_396 : vector<16xi32>
            %select_n3A_405 = arith.select %lt3A_401, %bitcast3A_398, %add3A_404 : vector<16xi1>, vector<16xi32>
            tpu.vector_store_idx %arg12[%broadcast_in_dim3A_299, %add3A_396], %select_n3A_405 : memref<1x128xi32, #tpu.memory_space<vmem>>[vector<16xi32>, vector<16xi32>], vector<16xi32>,
            %dma_start3A_406 = arith.constant 0 : i32
            %dma_start3A_407 = arith.constant 0 : i32
            %dma_start3A_408 = tpu.memref_slice %arg12[%dma_start3A_406, %dma_start3A_407] : memref<1x128xi32, #tpu.memory_space<vmem>> -> memref<1x128xi32, #tpu.memory_space<vmem>>
            %dma_start3A_409 = tpu.memref_squeeze %dma_start3A_408 : memref<1x128xi32, #tpu.memory_space<vmem>> -> memref<128xi32, #tpu.memory_space<vmem>>
            %dma_start3A_410 = arith.constant 0 : i32
            %dma_start3A_411 = arith.constant 0 : i32
            %dma_start3A_412 = tpu.memref_slice %arg4[%dma_start3A_410, %dma_start3A_411] : memref<16512x128xf32, #tpu.memory_space<hbm>> -> memref<16512x128xf32, #tpu.memory_space<hbm>>
            tpu.enqueue_indirect_dma source(%arg11 : memref<128x128xf32, #tpu.memory_space<vmem>>) target(%dma_start3A_412 : memref<16512x128xf32, #tpu.memory_space<hbm>>) offsets(%dma_start3A_409 : memref<128xi32, #tpu.memory_space<vmem>>) semaphore(%arg17 : memref<!tpu.dma_semaphore, #tpu.memory_space<semaphore_mem>>)
            %dma_wait3A_413 = arith.constant 0 : i32
            %dma_wait3A_414 = arith.constant 0 : i32
            %dma_wait3A_415 = tpu.memref_slice %arg12[%dma_wait3A_413, %dma_wait3A_414] : memref<1x128xi32, #tpu.memory_space<vmem>> -> memref<1x128xi32, #tpu.memory_space<vmem>>
            %dma_wait3A_416 = tpu.memref_squeeze %dma_wait3A_415 : memref<1x128xi32, #tpu.memory_space<vmem>> -> memref<128xi32, #tpu.memory_space<vmem>>
            %dma_wait3A_417 = arith.constant 0 : i32
            %dma_wait3A_418 = arith.constant 0 : i32
            %dma_wait3A_419 = tpu.memref_slice %arg4[%dma_wait3A_417, %dma_wait3A_418] : memref<16512x128xf32, #tpu.memory_space<hbm>> -> memref<16512x128xf32, #tpu.memory_space<hbm>>
            tpu.wait_indirect_dma semaphore(%arg17 : memref<!tpu.dma_semaphore, #tpu.memory_space<semaphore_mem>>) src(%arg11 : memref<128x128xf32, #tpu.memory_space<vmem>>) dst(%dma_wait3A_419 : memref<16512x128xf32, #tpu.memory_space<hbm>>)
          } else {
          }
          %add3A_296 = arith.constant 1 : i32
          %add3A_297 = arith.addi %while3A_261, %add3A_296 : i32
          scf.yield %add3A_297 : i32
        }
        %while3A_258 = arith.constant 1 : i32
        %while3A_259 = scf.for %while3A_260 = %while3A_255 to %while3A_251 step %while3A_258 iter_args(%while3A_261 = %while3A_257) -> (i32)  : i32 {
          %get3A = arith.index_cast %while3A_260 : i32 to index
          %get3A_262 = tpu.vector_load %arg9[%get3A] {strides = array<i32>} : memref<2064xi32, #tpu.memory_space<vmem>>, vector<16xi32>,
          %slice3A = vector.extract_strided_slice %get3A_262 {offsets = [0], sizes = [1], strides = [1]} : vector<16xi32> to vector<1xi32>
          %squeeze3A = vector.extract %slice3A[0] : i32 from vector<1xi32>
          %get3A_263 = arith.index_cast %while3A_260 : i32 to index
          %get3A_264 = tpu.vector_load %arg10[%get3A_263] {strides = array<i32>} : memref<2064xi32, #tpu.memory_space<vmem>>, vector<16xi32>,
          %slice3A_265 = vector.extract_strided_slice %get3A_264 {offsets = [0], sizes = [1], strides = [1]} : vector<16xi32> to vector<1xi32>
          %squeeze3A_266 = vector.extract %slice3A_265[0] : i32 from vector<1xi32>
          %sub3A_267 = arith.subi %squeeze3A, %min3A_154 : i32
          %broadcast_in_dim3A = vector.broadcast %sub3A_267 : i32 to vector<16xi32>
          %broadcast_in_dim3A_268 = arith.constant 1 : i32
          %broadcast_in_dim3A_269 = vector.broadcast %broadcast_in_dim3A_268 : i32 to vector<16xi32>
          %rem3A_270 = arith.constant 128 : i32
          %rem3A_271 = arith.remsi %while3A_261, %rem3A_270 : i32
          %broadcast_in_dim3A_272 = vector.broadcast %rem3A_271 : i32 to vector<16xi32>
          %add3A_273 = arith.constant 0 : i32
          %add3A_274 = vector.broadcast %add3A_273 : i32 to vector<16xi32>
          %add3A_275 = arith.addi %add3A_274, %iota3A : vector<16xi32>
          %gather3A = tpu.vector_load_idx %arg5[%broadcast_in_dim3A_269, %add3A_275, %broadcast_in_dim3A] : memref<2x64x512xf32, #tpu.memory_space<vmem>>[vector<16xi32>, vector<16xi32>, vector<16xi32>], vector<16xf32>,
          tpu.vector_store_idx %arg11[%broadcast_in_dim3A_272, %add3A_275], %gather3A : memref<128x128xf32, #tpu.memory_space<vmem>>[vector<16xi32>, vector<16xi32>], vector<16xf32>,
          %add3A_276 = arith.constant 16 : i32
          %add3A_277 = vector.broadcast %add3A_276 : i32 to vector<16xi32>
          %add3A_278 = arith.addi %add3A_277, %iota3A : vector<16xi32>
          %gather3A_279 = tpu.vector_load_idx %arg5[%broadcast_in_dim3A_269, %add3A_278, %broadcast_in_dim3A] : memref<2x64x512xf32, #tpu.memory_space<vmem>>[vector<16xi32>, vector<16xi32>, vector<16xi32>], vector<16xf32>,
          tpu.vector_store_idx %arg11[%broadcast_in_dim3A_272, %add3A_278], %gather3A_279 : memref<128x128xf32, #tpu.memory_space<vmem>>[vector<16xi32>, vector<16xi32>], vector<16xf32>,
          %add3A_280 = arith.constant 32 : i32
          %add3A_281 = vector.broadcast %add3A_280 : i32 to vector<16xi32>
          %add3A_282 = arith.addi %add3A_281, %iota3A : vector<16xi32>
          %gather3A_283 = tpu.vector_load_idx %arg5[%broadcast_in_dim3A_269, %add3A_282, %broadcast_in_dim3A] : memref<2x64x512xf32, #tpu.memory_space<vmem>>[vector<16xi32>, vector<16xi32>, vector<16xi32>], vector<16xf32>,
          tpu.vector_store_idx %arg11[%broadcast_in_dim3A_272, %add3A_282], %gather3A_283 : memref<128x128xf32, #tpu.memory_space<vmem>>[vector<16xi32>, vector<16xi32>], vector<16xf32>,
          %add3A_284 = arith.constant 48 : i32
          %add3A_285 = vector.broadcast %add3A_284 : i32 to vector<16xi32>
          %add3A_286 = arith.addi %add3A_285, %iota3A : vector<16xi32>
          %gather3A_287 = tpu.vector_load_idx %arg5[%broadcast_in_dim3A_269, %add3A_286, %broadcast_in_dim3A] : memref<2x64x512xf32, #tpu.memory_space<vmem>>[vector<16xi32>, vector<16xi32>, vector<16xi32>], vector<16xf32>,
          tpu.vector_store_idx %arg11[%broadcast_in_dim3A_272, %add3A_286], %gather3A_287 : memref<128x128xf32, #tpu.memory_space<vmem>>[vector<16xi32>, vector<16xi32>], vector<16xf32>,
          %broadcast_in_dim3A_288 = vector.broadcast %squeeze3A_266 : i32 to vector<16xi32>
          %bitcast3A = vector.bitcast %broadcast_in_dim3A_288 : vector<16xi32> to vector<16xf32>
          %add3A_289 = arith.constant 64 : i32
          %add3A_290 = vector.broadcast %add3A_289 : i32 to vector<16xi32>
          %add3A_291 = arith.addi %add3A_290, %iota3A : vector<16xi32>
          tpu.vector_store_idx %arg11[%broadcast_in_dim3A_272, %add3A_291], %bitcast3A : memref<128x128xf32, #tpu.memory_space<vmem>>[vector<16xi32>, vector<16xi32>], vector<16xf32>,
          %eq3A = arith.constant 127 : i32
          %eq3A_292 = arith.cmpi eq, %rem3A_271, %eq3A : i32
          %convert_element_type3A_293 = arith.extui %eq3A_292 : i1 to i32
          %cond3A_294 = arith.constant 0 : i32
          %cond3A_295 = arith.cmpi ne, %convert_element_type3A_293, %cond3A_294 : i32
          scf.if %cond3A_295 {
            %broadcast_in_dim3A_298 = arith.constant 0 : i32
            %broadcast_in_dim3A_299 = vector.broadcast %broadcast_in_dim3A_298 : i32 to vector<16xi32>
            %broadcast_in_dim3A_300 = arith.constant 64 : i32
            %broadcast_in_dim3A_301 = vector.broadcast %broadcast_in_dim3A_300 : i32 to vector<16xi32>
            %iota3A_302 = tpu.iota {dimensions = array<i32: 0>} : vector<16xi32>
            %add3A_303 = arith.constant 0 : i32
            %add3A_304 = vector.broadcast %add3A_303 : i32 to vector<16xi32>
            %add3A_305 = arith.addi %add3A_304, %iota3A_302 : vector<16xi32>
            %gather3A_306 = tpu.vector_load_idx %arg11[%add3A_305, %broadcast_in_dim3A_301] : memref<128x128xf32, #tpu.memory_space<vmem>>[vector<16xi32>, vector<16xi32>], vector<16xf32>,
            %bitcast3A_307 = vector.bitcast %gather3A_306 : vector<16xf32> to vector<16xi32>
            %lt3A_308 = arith.constant 128 : i32
            %lt3A_309 = vector.broadcast %lt3A_308 : i32 to vector<16xi32>
            %lt3A_310 = arith.cmpi slt, %add3A_305, %lt3A_309 : vector<16xi32>
            %add3A_311 = arith.constant 16384 : i32
            %add3A_312 = vector.broadcast %add3A_311 : i32 to vector<16xi32>
            %add3A_313 = arith.addi %add3A_312, %add3A_305 : vector<16xi32>
            %select_n3A_314 = arith.select %lt3A_310, %bitcast3A_307, %add3A_313 : vector<16xi1>, vector<16xi32>
            tpu.vector_store_idx %arg12[%broadcast_in_dim3A_299, %add3A_305], %select_n3A_314 : memref<1x128xi32, #tpu.memory_space<vmem>>[vector<16xi32>, vector<16xi32>], vector<16xi32>,
            %iota3A_315 = tpu.iota {dimensions = array<i32: 0>} : vector<16xi32>
            %add3A_316 = arith.constant 16 : i32
            %add3A_317 = vector.broadcast %add3A_316 : i32 to vector<16xi32>
            %add3A_318 = arith.addi %add3A_317, %iota3A_315 : vector<16xi32>
            %gather3A_319 = tpu.vector_load_idx %arg11[%add3A_318, %broadcast_in_dim3A_301] : memref<128x128xf32, #tpu.memory_space<vmem>>[vector<16xi32>, vector<16xi32>], vector<16xf32>,
            %bitcast3A_320 = vector.bitcast %gather3A_319 : vector<16xf32> to vector<16xi32>
            %lt3A_321 = arith.constant 128 : i32
            %lt3A_322 = vector.broadcast %lt3A_321 : i32 to vector<16xi32>
            %lt3A_323 = arith.cmpi slt, %add3A_318, %lt3A_322 : vector<16xi32>
            %add3A_324 = arith.constant 16384 : i32
            %add3A_325 = vector.broadcast %add3A_324 : i32 to vector<16xi32>
            %add3A_326 = arith.addi %add3A_325, %add3A_318 : vector<16xi32>
            %select_n3A_327 = arith.select %lt3A_323, %bitcast3A_320, %add3A_326 : vector<16xi1>, vector<16xi32>
            tpu.vector_store_idx %arg12[%broadcast_in_dim3A_299, %add3A_318], %select_n3A_327 : memref<1x128xi32, #tpu.memory_space<vmem>>[vector<16xi32>, vector<16xi32>], vector<16xi32>,
            %iota3A_328 = tpu.iota {dimensions = array<i32: 0>} : vector<16xi32>
            %add3A_329 = arith.constant 32 : i32
            %add3A_330 = vector.broadcast %add3A_329 : i32 to vector<16xi32>
            %add3A_331 = arith.addi %add3A_330, %iota3A_328 : vector<16xi32>
            %gather3A_332 = tpu.vector_load_idx %arg11[%add3A_331, %broadcast_in_dim3A_301] : memref<128x128xf32, #tpu.memory_space<vmem>>[vector<16xi32>, vector<16xi32>], vector<16xf32>,
            %bitcast3A_333 = vector.bitcast %gather3A_332 : vector<16xf32> to vector<16xi32>
            %lt3A_334 = arith.constant 128 : i32
            %lt3A_335 = vector.broadcast %lt3A_334 : i32 to vector<16xi32>
            %lt3A_336 = arith.cmpi slt, %add3A_331, %lt3A_335 : vector<16xi32>
            %add3A_337 = arith.constant 16384 : i32
            %add3A_338 = vector.broadcast %add3A_337 : i32 to vector<16xi32>
            %add3A_339 = arith.addi %add3A_338, %add3A_331 : vector<16xi32>
            %select_n3A_340 = arith.select %lt3A_336, %bitcast3A_333, %add3A_339 : vector<16xi1>, vector<16xi32>
            tpu.vector_store_idx %arg12[%broadcast_in_dim3A_299, %add3A_331], %select_n3A_340 : memref<1x128xi32, #tpu.memory_space<vmem>>[vector<16xi32>, vector<16xi32>], vector<16xi32>,
            %iota3A_341 = tpu.iota {dimensions = array<i32: 0>} : vector<16xi32>
            %add3A_342 = arith.constant 48 : i32
            %add3A_343 = vector.broadcast %add3A_342 : i32 to vector<16xi32>
            %add3A_344 = arith.addi %add3A_343, %iota3A_341 : vector<16xi32>
            %gather3A_345 = tpu.vector_load_idx %arg11[%add3A_344, %broadcast_in_dim3A_301] : memref<128x128xf32, #tpu.memory_space<vmem>>[vector<16xi32>, vector<16xi32>], vector<16xf32>,
            %bitcast3A_346 = vector.bitcast %gather3A_345 : vector<16xf32> to vector<16xi32>
            %lt3A_347 = arith.constant 128 : i32
            %lt3A_348 = vector.broadcast %lt3A_347 : i32 to vector<16xi32>
            %lt3A_349 = arith.cmpi slt, %add3A_344, %lt3A_348 : vector<16xi32>
            %add3A_350 = arith.constant 16384 : i32
            %add3A_351 = vector.broadcast %add3A_350 : i32 to vector<16xi32>
            %add3A_352 = arith.addi %add3A_351, %add3A_344 : vector<16xi32>
            %select_n3A_353 = arith.select %lt3A_349, %bitcast3A_346, %add3A_352 : vector<16xi1>, vector<16xi32>
            tpu.vector_store_idx %arg12[%broadcast_in_dim3A_299, %add3A_344], %select_n3A_353 : memref<1x128xi32, #tpu.memory_space<vmem>>[vector<16xi32>, vector<16xi32>], vector<16xi32>,
            %iota3A_354 = tpu.iota {dimensions = array<i32: 0>} : vector<16xi32>
            %add3A_355 = arith.constant 64 : i32
            %add3A_356 = vector.broadcast %add3A_355 : i32 to vector<16xi32>
            %add3A_357 = arith.addi %add3A_356, %iota3A_354 : vector<16xi32>
            %gather3A_358 = tpu.vector_load_idx %arg11[%add3A_357, %broadcast_in_dim3A_301] : memref<128x128xf32, #tpu.memory_space<vmem>>[vector<16xi32>, vector<16xi32>], vector<16xf32>,
            %bitcast3A_359 = vector.bitcast %gather3A_358 : vector<16xf32> to vector<16xi32>
            %lt3A_360 = arith.constant 128 : i32
            %lt3A_361 = vector.broadcast %lt3A_360 : i32 to vector<16xi32>
            %lt3A_362 = arith.cmpi slt, %add3A_357, %lt3A_361 : vector<16xi32>
            %add3A_363 = arith.constant 16384 : i32
            %add3A_364 = vector.broadcast %add3A_363 : i32 to vector<16xi32>
            %add3A_365 = arith.addi %add3A_364, %add3A_357 : vector<16xi32>
            %select_n3A_366 = arith.select %lt3A_362, %bitcast3A_359, %add3A_365 : vector<16xi1>, vector<16xi32>
            tpu.vector_store_idx %arg12[%broadcast_in_dim3A_299, %add3A_357], %select_n3A_366 : memref<1x128xi32, #tpu.memory_space<vmem>>[vector<16xi32>, vector<16xi32>], vector<16xi32>,
            %iota3A_367 = tpu.iota {dimensions = array<i32: 0>} : vector<16xi32>
            %add3A_368 = arith.constant 80 : i32
            %add3A_369 = vector.broadcast %add3A_368 : i32 to vector<16xi32>
            %add3A_370 = arith.addi %add3A_369, %iota3A_367 : vector<16xi32>
            %gather3A_371 = tpu.vector_load_idx %arg11[%add3A_370, %broadcast_in_dim3A_301] : memref<128x128xf32, #tpu.memory_space<vmem>>[vector<16xi32>, vector<16xi32>], vector<16xf32>,
            %bitcast3A_372 = vector.bitcast %gather3A_371 : vector<16xf32> to vector<16xi32>
            %lt3A_373 = arith.constant 128 : i32
            %lt3A_374 = vector.broadcast %lt3A_373 : i32 to vector<16xi32>
            %lt3A_375 = arith.cmpi slt, %add3A_370, %lt3A_374 : vector<16xi32>
            %add3A_376 = arith.constant 16384 : i32
            %add3A_377 = vector.broadcast %add3A_376 : i32 to vector<16xi32>
            %add3A_378 = arith.addi %add3A_377, %add3A_370 : vector<16xi32>
            %select_n3A_379 = arith.select %lt3A_375, %bitcast3A_372, %add3A_378 : vector<16xi1>, vector<16xi32>
            tpu.vector_store_idx %arg12[%broadcast_in_dim3A_299, %add3A_370], %select_n3A_379 : memref<1x128xi32, #tpu.memory_space<vmem>>[vector<16xi32>, vector<16xi32>], vector<16xi32>,
            %iota3A_380 = tpu.iota {dimensions = array<i32: 0>} : vector<16xi32>
            %add3A_381 = arith.constant 96 : i32
            %add3A_382 = vector.broadcast %add3A_381 : i32 to vector<16xi32>
            %add3A_383 = arith.addi %add3A_382, %iota3A_380 : vector<16xi32>
            %gather3A_384 = tpu.vector_load_idx %arg11[%add3A_383, %broadcast_in_dim3A_301] : memref<128x128xf32, #tpu.memory_space<vmem>>[vector<16xi32>, vector<16xi32>], vector<16xf32>,
            %bitcast3A_385 = vector.bitcast %gather3A_384 : vector<16xf32> to vector<16xi32>
            %lt3A_386 = arith.constant 128 : i32
            %lt3A_387 = vector.broadcast %lt3A_386 : i32 to vector<16xi32>
            %lt3A_388 = arith.cmpi slt, %add3A_383, %lt3A_387 : vector<16xi32>
            %add3A_389 = arith.constant 16384 : i32
            %add3A_390 = vector.broadcast %add3A_389 : i32 to vector<16xi32>
            %add3A_391 = arith.addi %add3A_390, %add3A_383 : vector<16xi32>
            %select_n3A_392 = arith.select %lt3A_388, %bitcast3A_385, %add3A_391 : vector<16xi1>, vector<16xi32>
            tpu.vector_store_idx %arg12[%broadcast_in_dim3A_299, %add3A_383], %select_n3A_392 : memref<1x128xi32, #tpu.memory_space<vmem>>[vector<16xi32>, vector<16xi32>], vector<16xi32>,
            %iota3A_393 = tpu.iota {dimensions = array<i32: 0>} : vector<16xi32>
            %add3A_394 = arith.constant 112 : i32
            %add3A_395 = vector.broadcast %add3A_394 : i32 to vector<16xi32>
            %add3A_396 = arith.addi %add3A_395, %iota3A_393 : vector<16xi32>
            %gather3A_397 = tpu.vector_load_idx %arg11[%add3A_396, %broadcast_in_dim3A_301] : memref<128x128xf32, #tpu.memory_space<vmem>>[vector<16xi32>, vector<16xi32>], vector<16xf32>,
            %bitcast3A_398 = vector.bitcast %gather3A_397 : vector<16xf32> to vector<16xi32>
            %lt3A_399 = arith.constant 128 : i32
            %lt3A_400 = vector.broadcast %lt3A_399 : i32 to vector<16xi32>
            %lt3A_401 = arith.cmpi slt, %add3A_396, %lt3A_400 : vector<16xi32>
            %add3A_402 = arith.constant 16384 : i32
            %add3A_403 = vector.broadcast %add3A_402 : i32 to vector<16xi32>
            %add3A_404 = arith.addi %add3A_403, %add3A_396 : vector<16xi32>
            %select_n3A_405 = arith.select %lt3A_401, %bitcast3A_398, %add3A_404 : vector<16xi1>, vector<16xi32>
            tpu.vector_store_idx %arg12[%broadcast_in_dim3A_299, %add3A_396], %select_n3A_405 : memref<1x128xi32, #tpu.memory_space<vmem>>[vector<16xi32>, vector<16xi32>], vector<16xi32>,
            %dma_start3A_406 = arith.constant 0 : i32
            %dma_start3A_407 = arith.constant 0 : i32
            %dma_start3A_408 = tpu.memref_slice %arg12[%dma_start3A_406, %dma_start3A_407] : memref<1x128xi32, #tpu.memory_space<vmem>> -> memref<1x128xi32, #tpu.memory_space<vmem>>
            %dma_start3A_409 = tpu.memref_squeeze %dma_start3A_408 : memref<1x128xi32, #tpu.memory_space<vmem>> -> memref<128xi32, #tpu.memory_space<vmem>>
            %dma_start3A_410 = arith.constant 0 : i32
            %dma_start3A_411 = arith.constant 0 : i32
            %dma_start3A_412 = tpu.memref_slice %arg4[%dma_start3A_410, %dma_start3A_411] : memref<16512x128xf32, #tpu.memory_space<hbm>> -> memref<16512x128xf32, #tpu.memory_space<hbm>>
            tpu.enqueue_indirect_dma source(%arg11 : memref<128x128xf32, #tpu.memory_space<vmem>>) target(%dma_start3A_412 : memref<16512x128xf32, #tpu.memory_space<hbm>>) offsets(%dma_start3A_409 : memref<128xi32, #tpu.memory_space<vmem>>) semaphore(%arg17 : memref<!tpu.dma_semaphore, #tpu.memory_space<semaphore_mem>>)
            %dma_wait3A_413 = arith.constant 0 : i32
            %dma_wait3A_414 = arith.constant 0 : i32
            %dma_wait3A_415 = tpu.memref_slice %arg12[%dma_wait3A_413, %dma_wait3A_414] : memref<1x128xi32, #tpu.memory_space<vmem>> -> memref<1x128xi32, #tpu.memory_space<vmem>>
            %dma_wait3A_416 = tpu.memref_squeeze %dma_wait3A_415 : memref<1x128xi32, #tpu.memory_space<vmem>> -> memref<128xi32, #tpu.memory_space<vmem>>
            %dma_wait3A_417 = arith.constant 0 : i32
            %dma_wait3A_418 = arith.constant 0 : i32
            %dma_wait3A_419 = tpu.memref_slice %arg4[%dma_wait3A_417, %dma_wait3A_418] : memref<16512x128xf32, #tpu.memory_space<hbm>> -> memref<16512x128xf32, #tpu.memory_space<hbm>>
            tpu.wait_indirect_dma semaphore(%arg17 : memref<!tpu.dma_semaphore, #tpu.memory_space<semaphore_mem>>) src(%arg11 : memref<128x128xf32, #tpu.memory_space<vmem>>) dst(%dma_wait3A_419 : memref<16512x128xf32, #tpu.memory_space<hbm>>)
          } else {
          }
          %add3A_296 = arith.constant 1 : i32
          %add3A_297 = arith.addi %while3A_261, %add3A_296 : i32
          scf.yield %add3A_297 : i32
        }
        scf.yield %while3A_259 : i32
      }
      %while3A_195 = arith.constant 1 : i32
      %while3A_196 = scf.for %while3A_204 = %while3A_192 to %while3A_188 step %while3A_195 iter_args(%while3A_205 = %while3A_194) -> (i32)  : i32 {
        %mul3A_206 = arith.constant 2048 : i32
        %mul3A_207 = arith.muli %while3A_204, %mul3A_206 : i32
        %sub3A_208 = arith.subi %scan3A_43, %mul3A_207 : i32
        %min3A_209 = arith.constant 2048 : i32
        %min3A_210 = arith.minsi %min3A_209, %sub3A_208 : i32
        %add3A_211 = arith.constant 15 : i32
        %add3A_212 = arith.addi %min3A_210, %add3A_211 : i32
        %jit3A_213 = arith.constant 16 : i32
        %div3A_214 = arith.divsi %add3A_212, %jit3A_213 : i32
        %sign3A_215 = arith.constant 0 : i32
        %sign3A_216 = arith.cmpi sgt, %add3A_212, %sign3A_215 : i32
        %sign3A_217 = arith.extui %sign3A_216 : i1 to i32
        %sign3A_218 = arith.constant 0 : i32
        %sign3A_219 = arith.cmpi slt, %add3A_212, %sign3A_218 : i32
        %sign3A_220 = arith.extui %sign3A_219 : i1 to i32
        %sign3A_221 = arith.subi %sign3A_217, %sign3A_220 : i32
        %sign3A_222 = arith.constant 0 : i32
        %sign3A_223 = arith.cmpi sgt, %jit3A_213, %sign3A_222 : i32
        %sign3A_224 = arith.extui %sign3A_223 : i1 to i32
        %sign3A_225 = arith.constant 0 : i32
        %sign3A_226 = arith.cmpi slt, %jit3A_213, %sign3A_225 : i32
        %sign3A_227 = arith.extui %sign3A_226 : i1 to i32
        %sign3A_228 = arith.subi %sign3A_224, %sign3A_227 : i32
        %ne3A_229 = arith.cmpi ne, %sign3A_221, %sign3A_228 : i32
        %rem3A_230 = arith.remsi %add3A_212, %jit3A_213 : i32
        %ne3A_231 = arith.constant 0 : i32
        %ne3A_232 = arith.cmpi ne, %rem3A_230, %ne3A_231 : i32
        %and3A_233 = arith.andi %ne3A_229, %ne3A_232 : i1
        %sub3A_234 = arith.constant 1 : i32
        %sub3A_235 = arith.subi %div3A_214, %sub3A_234 : i32
        %select_n3A_236 = arith.select %and3A_233, %sub3A_235, %div3A_214 : i32
        %while3A_237 = arith.constant 0 : i32
        %while3A_238 = arith.constant 0 : i32
        %while3A_239 = arith.subi %select_n3A_236, %while3A_237 : i32
        %while3A_240 = arith.addi %while3A_237, %while3A_239 : i32
        %while3A_241 = arith.constant 1 : i32
        %while3A_242 = arith.divsi %while3A_239, %while3A_241 : i32
        %while3A_243 = arith.muli %while3A_242, %while3A_241 : i32
        %while3A_244 = arith.addi %while3A_237, %while3A_243 : i32
        %while3A_245 = arith.constant 1 : i32
        %while3A_246 = scf.for %while3A_260 = %while3A_237 to %while3A_244 step %while3A_245 iter_args(%while3A_261 = %while3A_238) -> (i32)  : i32 {
          %mul3A_262 = arith.constant 2048 : i32
          %mul3A_263 = arith.muli %while3A_204, %mul3A_262 : i32
          %mul3A_264 = arith.constant 16 : i32
          %mul3A_265 = arith.muli %while3A_260, %mul3A_264 : i32
          %add3A_266 = arith.addi %mul3A_263, %mul3A_265 : i32
          %get3A = arith.index_cast %add3A_266 : i32 to index
          %get3A_267 = tpu.vector_load %arg7[%get3A] {strides = array<i32>} : memref<16400xi32, #tpu.memory_space<vmem>>, vector<16xi32>,
          %get3A_268 = arith.index_cast %add3A_266 : i32 to index
          %get3A_269 = tpu.vector_load %arg8[%get3A_268] {strides = array<i32>} : memref<16400xi32, #tpu.memory_space<vmem>>, vector<16xi32>,
          %add3A_270 = vector.broadcast %add3A_266 : i32 to vector<16xi32>
          %add3A_271 = arith.addi %add3A_270, %iota3A : vector<16xi32>
          %lt3A_272 = vector.broadcast %scan3A_43 : i32 to vector<16xi32>
          %lt3A_273 = arith.cmpi slt, %add3A_271, %lt3A_272 : vector<16xi32>
          %ge3A = vector.broadcast %add3A_149 : i32 to vector<16xi32>
          %ge3A_274 = arith.cmpi sge, %get3A_267, %ge3A : vector<16xi32>
          %lt3A_275 = vector.broadcast %min3A_157 : i32 to vector<16xi32>
          %lt3A_276 = arith.cmpi slt, %get3A_267, %lt3A_275 : vector<16xi32>
          %and3A_277 = arith.andi %ge3A_274, %lt3A_276 : vector<16xi1>
          %and3A_278 = arith.andi %and3A_277, %lt3A_273 : vector<16xi1>
          %convert_element_type3A_279 = arith.extui %and3A_278 : vector<16xi1> to vector<16xi32>
          %broadcast_in_dim3A = arith.constant true
          %broadcast_in_dim3A_280 = vector.broadcast %broadcast_in_dim3A : i1 to vector<16xi1>
          %masked_cumsum3A = tpu.scan <sum>, %convert_element_type3A_279 masked %broadcast_in_dim3A_280 : vector<16xi32>, vector<16xi1> -> vector<16xi32>
          %add3A_281 = vector.broadcast %while3A_261 : i32 to vector<16xi32>
          %add3A_282 = arith.addi %add3A_281, %masked_cumsum3A : vector<16xi32>
          %sub3A_283 = arith.subi %add3A_282, %convert_element_type3A_279 : vector<16xi32>
          tpu.vector_store_idx %arg9[%sub3A_283], %get3A_267 masked %and3A_278 : memref<2064xi32, #tpu.memory_space<vmem>>[vector<16xi32>], vector<16xi32>, vector<16xi1>
          tpu.vector_store_idx %arg10[%sub3A_283], %get3A_269 masked %and3A_278 : memref<2064xi32, #tpu.memory_space<vmem>>[vector<16xi32>], vector<16xi32>, vector<16xi1>
          %all_reduce_population_count3A = tpu.all_reduce %and3A_278 {dim = 0 : i64, kind = #tpu.reduction_kind<sum>} : vector<16xi1> -> vector<16xi32>
          %slice3A = vector.extract_strided_slice %all_reduce_population_count3A {offsets = [0], sizes = [1], strides = [1]} : vector<16xi32> to vector<1xi32>
          %squeeze3A = vector.extract %slice3A[0] : i32 from vector<1xi32>
          %add3A_284 = arith.addi %while3A_261, %squeeze3A : i32
          scf.yield %add3A_284 : i32
        }
        %while3A_247 = arith.constant 1 : i32
        %while3A_248 = scf.for %while3A_260 = %while3A_244 to %while3A_240 step %while3A_247 iter_args(%while3A_261 = %while3A_246) -> (i32)  : i32 {
          %mul3A_262 = arith.constant 2048 : i32
          %mul3A_263 = arith.muli %while3A_204, %mul3A_262 : i32
          %mul3A_264 = arith.constant 16 : i32
          %mul3A_265 = arith.muli %while3A_260, %mul3A_264 : i32
          %add3A_266 = arith.addi %mul3A_263, %mul3A_265 : i32
          %get3A = arith.index_cast %add3A_266 : i32 to index
          %get3A_267 = tpu.vector_load %arg7[%get3A] {strides = array<i32>} : memref<16400xi32, #tpu.memory_space<vmem>>, vector<16xi32>,
          %get3A_268 = arith.index_cast %add3A_266 : i32 to index
          %get3A_269 = tpu.vector_load %arg8[%get3A_268] {strides = array<i32>} : memref<16400xi32, #tpu.memory_space<vmem>>, vector<16xi32>,
          %add3A_270 = vector.broadcast %add3A_266 : i32 to vector<16xi32>
          %add3A_271 = arith.addi %add3A_270, %iota3A : vector<16xi32>
          %lt3A_272 = vector.broadcast %scan3A_43 : i32 to vector<16xi32>
          %lt3A_273 = arith.cmpi slt, %add3A_271, %lt3A_272 : vector<16xi32>
          %ge3A = vector.broadcast %add3A_149 : i32 to vector<16xi32>
          %ge3A_274 = arith.cmpi sge, %get3A_267, %ge3A : vector<16xi32>
          %lt3A_275 = vector.broadcast %min3A_157 : i32 to vector<16xi32>
          %lt3A_276 = arith.cmpi slt, %get3A_267, %lt3A_275 : vector<16xi32>
          %and3A_277 = arith.andi %ge3A_274, %lt3A_276 : vector<16xi1>
          %and3A_278 = arith.andi %and3A_277, %lt3A_273 : vector<16xi1>
          %convert_element_type3A_279 = arith.extui %and3A_278 : vector<16xi1> to vector<16xi32>
          %broadcast_in_dim3A = arith.constant true
          %broadcast_in_dim3A_280 = vector.broadcast %broadcast_in_dim3A : i1 to vector<16xi1>
          %masked_cumsum3A = tpu.scan <sum>, %convert_element_type3A_279 masked %broadcast_in_dim3A_280 : vector<16xi32>, vector<16xi1> -> vector<16xi32>
          %add3A_281 = vector.broadcast %while3A_261 : i32 to vector<16xi32>
          %add3A_282 = arith.addi %add3A_281, %masked_cumsum3A : vector<16xi32>
          %sub3A_283 = arith.subi %add3A_282, %convert_element_type3A_279 : vector<16xi32>
          tpu.vector_store_idx %arg9[%sub3A_283], %get3A_267 masked %and3A_278 : memref<2064xi32, #tpu.memory_space<vmem>>[vector<16xi32>], vector<16xi32>, vector<16xi1>
          tpu.vector_store_idx %arg10[%sub3A_283], %get3A_269 masked %and3A_278 : memref<2064xi32, #tpu.memory_space<vmem>>[vector<16xi32>], vector<16xi32>, vector<16xi1>
          %all_reduce_population_count3A = tpu.all_reduce %and3A_278 {dim = 0 : i64, kind = #tpu.reduction_kind<sum>} : vector<16xi1> -> vector<16xi32>
          %slice3A = vector.extract_strided_slice %all_reduce_population_count3A {offsets = [0], sizes = [1], strides = [1]} : vector<16xi32> to vector<1xi32>
          %squeeze3A = vector.extract %slice3A[0] : i32 from vector<1xi32>
          %add3A_284 = arith.addi %while3A_261, %squeeze3A : i32
          scf.yield %add3A_284 : i32
        }
        %while3A_249 = arith.constant 0 : i32
        %while3A_250 = arith.subi %while3A_248, %while3A_249 : i32
        %while3A_251 = arith.addi %while3A_249, %while3A_250 : i32
        %while3A_252 = arith.constant 1 : i32
        %while3A_253 = arith.divsi %while3A_250, %while3A_252 : i32
        %while3A_254 = arith.muli %while3A_253, %while3A_252 : i32
        %while3A_255 = arith.addi %while3A_249, %while3A_254 : i32
        %while3A_256 = arith.constant 1 : i32
        %while3A_257 = scf.for %while3A_260 = %while3A_249 to %while3A_255 step %while3A_256 iter_args(%while3A_261 = %while3A_205) -> (i32)  : i32 {
          %get3A = arith.index_cast %while3A_260 : i32 to index
          %get3A_262 = tpu.vector_load %arg9[%get3A] {strides = array<i32>} : memref<2064xi32, #tpu.memory_space<vmem>>, vector<16xi32>,
          %slice3A = vector.extract_strided_slice %get3A_262 {offsets = [0], sizes = [1], strides = [1]} : vector<16xi32> to vector<1xi32>
          %squeeze3A = vector.extract %slice3A[0] : i32 from vector<1xi32>
          %get3A_263 = arith.index_cast %while3A_260 : i32 to index
          %get3A_264 = tpu.vector_load %arg10[%get3A_263] {strides = array<i32>} : memref<2064xi32, #tpu.memory_space<vmem>>, vector<16xi32>,
          %slice3A_265 = vector.extract_strided_slice %get3A_264 {offsets = [0], sizes = [1], strides = [1]} : vector<16xi32> to vector<1xi32>
          %squeeze3A_266 = vector.extract %slice3A_265[0] : i32 from vector<1xi32>
          %sub3A_267 = arith.subi %squeeze3A, %min3A_154 : i32
          %broadcast_in_dim3A = vector.broadcast %sub3A_267 : i32 to vector<16xi32>
          %broadcast_in_dim3A_268 = arith.constant 1 : i32
          %broadcast_in_dim3A_269 = vector.broadcast %broadcast_in_dim3A_268 : i32 to vector<16xi32>
          %rem3A_270 = arith.constant 128 : i32
          %rem3A_271 = arith.remsi %while3A_261, %rem3A_270 : i32
          %broadcast_in_dim3A_272 = vector.broadcast %rem3A_271 : i32 to vector<16xi32>
          %add3A_273 = arith.constant 0 : i32
          %add3A_274 = vector.broadcast %add3A_273 : i32 to vector<16xi32>
          %add3A_275 = arith.addi %add3A_274, %iota3A : vector<16xi32>
          %gather3A = tpu.vector_load_idx %arg5[%broadcast_in_dim3A_269, %add3A_275, %broadcast_in_dim3A] : memref<2x64x512xf32, #tpu.memory_space<vmem>>[vector<16xi32>, vector<16xi32>, vector<16xi32>], vector<16xf32>,
          tpu.vector_store_idx %arg11[%broadcast_in_dim3A_272, %add3A_275], %gather3A : memref<128x128xf32, #tpu.memory_space<vmem>>[vector<16xi32>, vector<16xi32>], vector<16xf32>,
          %add3A_276 = arith.constant 16 : i32
          %add3A_277 = vector.broadcast %add3A_276 : i32 to vector<16xi32>
          %add3A_278 = arith.addi %add3A_277, %iota3A : vector<16xi32>
          %gather3A_279 = tpu.vector_load_idx %arg5[%broadcast_in_dim3A_269, %add3A_278, %broadcast_in_dim3A] : memref<2x64x512xf32, #tpu.memory_space<vmem>>[vector<16xi32>, vector<16xi32>, vector<16xi32>], vector<16xf32>,
          tpu.vector_store_idx %arg11[%broadcast_in_dim3A_272, %add3A_278], %gather3A_279 : memref<128x128xf32, #tpu.memory_space<vmem>>[vector<16xi32>, vector<16xi32>], vector<16xf32>,
          %add3A_280 = arith.constant 32 : i32
          %add3A_281 = vector.broadcast %add3A_280 : i32 to vector<16xi32>
          %add3A_282 = arith.addi %add3A_281, %iota3A : vector<16xi32>
          %gather3A_283 = tpu.vector_load_idx %arg5[%broadcast_in_dim3A_269, %add3A_282, %broadcast_in_dim3A] : memref<2x64x512xf32, #tpu.memory_space<vmem>>[vector<16xi32>, vector<16xi32>, vector<16xi32>], vector<16xf32>,
          tpu.vector_store_idx %arg11[%broadcast_in_dim3A_272, %add3A_282], %gather3A_283 : memref<128x128xf32, #tpu.memory_space<vmem>>[vector<16xi32>, vector<16xi32>], vector<16xf32>,
          %add3A_284 = arith.constant 48 : i32
          %add3A_285 = vector.broadcast %add3A_284 : i32 to vector<16xi32>
          %add3A_286 = arith.addi %add3A_285, %iota3A : vector<16xi32>
          %gather3A_287 = tpu.vector_load_idx %arg5[%broadcast_in_dim3A_269, %add3A_286, %broadcast_in_dim3A] : memref<2x64x512xf32, #tpu.memory_space<vmem>>[vector<16xi32>, vector<16xi32>, vector<16xi32>], vector<16xf32>,
          tpu.vector_store_idx %arg11[%broadcast_in_dim3A_272, %add3A_286], %gather3A_287 : memref<128x128xf32, #tpu.memory_space<vmem>>[vector<16xi32>, vector<16xi32>], vector<16xf32>,
          %broadcast_in_dim3A_288 = vector.broadcast %squeeze3A_266 : i32 to vector<16xi32>
          %bitcast3A = vector.bitcast %broadcast_in_dim3A_288 : vector<16xi32> to vector<16xf32>
          %add3A_289 = arith.constant 64 : i32
          %add3A_290 = vector.broadcast %add3A_289 : i32 to vector<16xi32>
          %add3A_291 = arith.addi %add3A_290, %iota3A : vector<16xi32>
          tpu.vector_store_idx %arg11[%broadcast_in_dim3A_272, %add3A_291], %bitcast3A : memref<128x128xf32, #tpu.memory_space<vmem>>[vector<16xi32>, vector<16xi32>], vector<16xf32>,
          %eq3A = arith.constant 127 : i32
          %eq3A_292 = arith.cmpi eq, %rem3A_271, %eq3A : i32
          %convert_element_type3A_293 = arith.extui %eq3A_292 : i1 to i32
          %cond3A_294 = arith.constant 0 : i32
          %cond3A_295 = arith.cmpi ne, %convert_element_type3A_293, %cond3A_294 : i32
          scf.if %cond3A_295 {
            %broadcast_in_dim3A_298 = arith.constant 0 : i32
            %broadcast_in_dim3A_299 = vector.broadcast %broadcast_in_dim3A_298 : i32 to vector<16xi32>
            %broadcast_in_dim3A_300 = arith.constant 64 : i32
            %broadcast_in_dim3A_301 = vector.broadcast %broadcast_in_dim3A_300 : i32 to vector<16xi32>
            %iota3A_302 = tpu.iota {dimensions = array<i32: 0>} : vector<16xi32>
            %add3A_303 = arith.constant 0 : i32
            %add3A_304 = vector.broadcast %add3A_303 : i32 to vector<16xi32>
            %add3A_305 = arith.addi %add3A_304, %iota3A_302 : vector<16xi32>
            %gather3A_306 = tpu.vector_load_idx %arg11[%add3A_305, %broadcast_in_dim3A_301] : memref<128x128xf32, #tpu.memory_space<vmem>>[vector<16xi32>, vector<16xi32>], vector<16xf32>,
            %bitcast3A_307 = vector.bitcast %gather3A_306 : vector<16xf32> to vector<16xi32>
            %lt3A_308 = arith.constant 128 : i32
            %lt3A_309 = vector.broadcast %lt3A_308 : i32 to vector<16xi32>
            %lt3A_310 = arith.cmpi slt, %add3A_305, %lt3A_309 : vector<16xi32>
            %add3A_311 = arith.constant 16384 : i32
            %add3A_312 = vector.broadcast %add3A_311 : i32 to vector<16xi32>
            %add3A_313 = arith.addi %add3A_312, %add3A_305 : vector<16xi32>
            %select_n3A_314 = arith.select %lt3A_310, %bitcast3A_307, %add3A_313 : vector<16xi1>, vector<16xi32>
            tpu.vector_store_idx %arg12[%broadcast_in_dim3A_299, %add3A_305], %select_n3A_314 : memref<1x128xi32, #tpu.memory_space<vmem>>[vector<16xi32>, vector<16xi32>], vector<16xi32>,
            %iota3A_315 = tpu.iota {dimensions = array<i32: 0>} : vector<16xi32>
            %add3A_316 = arith.constant 16 : i32
            %add3A_317 = vector.broadcast %add3A_316 : i32 to vector<16xi32>
            %add3A_318 = arith.addi %add3A_317, %iota3A_315 : vector<16xi32>
            %gather3A_319 = tpu.vector_load_idx %arg11[%add3A_318, %broadcast_in_dim3A_301] : memref<128x128xf32, #tpu.memory_space<vmem>>[vector<16xi32>, vector<16xi32>], vector<16xf32>,
            %bitcast3A_320 = vector.bitcast %gather3A_319 : vector<16xf32> to vector<16xi32>
            %lt3A_321 = arith.constant 128 : i32
            %lt3A_322 = vector.broadcast %lt3A_321 : i32 to vector<16xi32>
            %lt3A_323 = arith.cmpi slt, %add3A_318, %lt3A_322 : vector<16xi32>
            %add3A_324 = arith.constant 16384 : i32
            %add3A_325 = vector.broadcast %add3A_324 : i32 to vector<16xi32>
            %add3A_326 = arith.addi %add3A_325, %add3A_318 : vector<16xi32>
            %select_n3A_327 = arith.select %lt3A_323, %bitcast3A_320, %add3A_326 : vector<16xi1>, vector<16xi32>
            tpu.vector_store_idx %arg12[%broadcast_in_dim3A_299, %add3A_318], %select_n3A_327 : memref<1x128xi32, #tpu.memory_space<vmem>>[vector<16xi32>, vector<16xi32>], vector<16xi32>,
            %iota3A_328 = tpu.iota {dimensions = array<i32: 0>} : vector<16xi32>
            %add3A_329 = arith.constant 32 : i32
            %add3A_330 = vector.broadcast %add3A_329 : i32 to vector<16xi32>
            %add3A_331 = arith.addi %add3A_330, %iota3A_328 : vector<16xi32>
            %gather3A_332 = tpu.vector_load_idx %arg11[%add3A_331, %broadcast_in_dim3A_301] : memref<128x128xf32, #tpu.memory_space<vmem>>[vector<16xi32>, vector<16xi32>], vector<16xf32>,
            %bitcast3A_333 = vector.bitcast %gather3A_332 : vector<16xf32> to vector<16xi32>
            %lt3A_334 = arith.constant 128 : i32
            %lt3A_335 = vector.broadcast %lt3A_334 : i32 to vector<16xi32>
            %lt3A_336 = arith.cmpi slt, %add3A_331, %lt3A_335 : vector<16xi32>
            %add3A_337 = arith.constant 16384 : i32
            %add3A_338 = vector.broadcast %add3A_337 : i32 to vector<16xi32>
            %add3A_339 = arith.addi %add3A_338, %add3A_331 : vector<16xi32>
            %select_n3A_340 = arith.select %lt3A_336, %bitcast3A_333, %add3A_339 : vector<16xi1>, vector<16xi32>
            tpu.vector_store_idx %arg12[%broadcast_in_dim3A_299, %add3A_331], %select_n3A_340 : memref<1x128xi32, #tpu.memory_space<vmem>>[vector<16xi32>, vector<16xi32>], vector<16xi32>,
            %iota3A_341 = tpu.iota {dimensions = array<i32: 0>} : vector<16xi32>
            %add3A_342 = arith.constant 48 : i32
            %add3A_343 = vector.broadcast %add3A_342 : i32 to vector<16xi32>
            %add3A_344 = arith.addi %add3A_343, %iota3A_341 : vector<16xi32>
            %gather3A_345 = tpu.vector_load_idx %arg11[%add3A_344, %broadcast_in_dim3A_301] : memref<128x128xf32, #tpu.memory_space<vmem>>[vector<16xi32>, vector<16xi32>], vector<16xf32>,
            %bitcast3A_346 = vector.bitcast %gather3A_345 : vector<16xf32> to vector<16xi32>
            %lt3A_347 = arith.constant 128 : i32
            %lt3A_348 = vector.broadcast %lt3A_347 : i32 to vector<16xi32>
            %lt3A_349 = arith.cmpi slt, %add3A_344, %lt3A_348 : vector<16xi32>
            %add3A_350 = arith.constant 16384 : i32
            %add3A_351 = vector.broadcast %add3A_350 : i32 to vector<16xi32>
            %add3A_352 = arith.addi %add3A_351, %add3A_344 : vector<16xi32>
            %select_n3A_353 = arith.select %lt3A_349, %bitcast3A_346, %add3A_352 : vector<16xi1>, vector<16xi32>
            tpu.vector_store_idx %arg12[%broadcast_in_dim3A_299, %add3A_344], %select_n3A_353 : memref<1x128xi32, #tpu.memory_space<vmem>>[vector<16xi32>, vector<16xi32>], vector<16xi32>,
            %iota3A_354 = tpu.iota {dimensions = array<i32: 0>} : vector<16xi32>
            %add3A_355 = arith.constant 64 : i32
            %add3A_356 = vector.broadcast %add3A_355 : i32 to vector<16xi32>
            %add3A_357 = arith.addi %add3A_356, %iota3A_354 : vector<16xi32>
            %gather3A_358 = tpu.vector_load_idx %arg11[%add3A_357, %broadcast_in_dim3A_301] : memref<128x128xf32, #tpu.memory_space<vmem>>[vector<16xi32>, vector<16xi32>], vector<16xf32>,
            %bitcast3A_359 = vector.bitcast %gather3A_358 : vector<16xf32> to vector<16xi32>
            %lt3A_360 = arith.constant 128 : i32
            %lt3A_361 = vector.broadcast %lt3A_360 : i32 to vector<16xi32>
            %lt3A_362 = arith.cmpi slt, %add3A_357, %lt3A_361 : vector<16xi32>
            %add3A_363 = arith.constant 16384 : i32
            %add3A_364 = vector.broadcast %add3A_363 : i32 to vector<16xi32>
            %add3A_365 = arith.addi %add3A_364, %add3A_357 : vector<16xi32>
            %select_n3A_366 = arith.select %lt3A_362, %bitcast3A_359, %add3A_365 : vector<16xi1>, vector<16xi32>
            tpu.vector_store_idx %arg12[%broadcast_in_dim3A_299, %add3A_357], %select_n3A_366 : memref<1x128xi32, #tpu.memory_space<vmem>>[vector<16xi32>, vector<16xi32>], vector<16xi32>,
            %iota3A_367 = tpu.iota {dimensions = array<i32: 0>} : vector<16xi32>
            %add3A_368 = arith.constant 80 : i32
            %add3A_369 = vector.broadcast %add3A_368 : i32 to vector<16xi32>
            %add3A_370 = arith.addi %add3A_369, %iota3A_367 : vector<16xi32>
            %gather3A_371 = tpu.vector_load_idx %arg11[%add3A_370, %broadcast_in_dim3A_301] : memref<128x128xf32, #tpu.memory_space<vmem>>[vector<16xi32>, vector<16xi32>], vector<16xf32>,
            %bitcast3A_372 = vector.bitcast %gather3A_371 : vector<16xf32> to vector<16xi32>
            %lt3A_373 = arith.constant 128 : i32
            %lt3A_374 = vector.broadcast %lt3A_373 : i32 to vector<16xi32>
            %lt3A_375 = arith.cmpi slt, %add3A_370, %lt3A_374 : vector<16xi32>
            %add3A_376 = arith.constant 16384 : i32
            %add3A_377 = vector.broadcast %add3A_376 : i32 to vector<16xi32>
            %add3A_378 = arith.addi %add3A_377, %add3A_370 : vector<16xi32>
            %select_n3A_379 = arith.select %lt3A_375, %bitcast3A_372, %add3A_378 : vector<16xi1>, vector<16xi32>
            tpu.vector_store_idx %arg12[%broadcast_in_dim3A_299, %add3A_370], %select_n3A_379 : memref<1x128xi32, #tpu.memory_space<vmem>>[vector<16xi32>, vector<16xi32>], vector<16xi32>,
            %iota3A_380 = tpu.iota {dimensions = array<i32: 0>} : vector<16xi32>
            %add3A_381 = arith.constant 96 : i32
            %add3A_382 = vector.broadcast %add3A_381 : i32 to vector<16xi32>
            %add3A_383 = arith.addi %add3A_382, %iota3A_380 : vector<16xi32>
            %gather3A_384 = tpu.vector_load_idx %arg11[%add3A_383, %broadcast_in_dim3A_301] : memref<128x128xf32, #tpu.memory_space<vmem>>[vector<16xi32>, vector<16xi32>], vector<16xf32>,
            %bitcast3A_385 = vector.bitcast %gather3A_384 : vector<16xf32> to vector<16xi32>
            %lt3A_386 = arith.constant 128 : i32
            %lt3A_387 = vector.broadcast %lt3A_386 : i32 to vector<16xi32>
            %lt3A_388 = arith.cmpi slt, %add3A_383, %lt3A_387 : vector<16xi32>
            %add3A_389 = arith.constant 16384 : i32
            %add3A_390 = vector.broadcast %add3A_389 : i32 to vector<16xi32>
            %add3A_391 = arith.addi %add3A_390, %add3A_383 : vector<16xi32>
            %select_n3A_392 = arith.select %lt3A_388, %bitcast3A_385, %add3A_391 : vector<16xi1>, vector<16xi32>
            tpu.vector_store_idx %arg12[%broadcast_in_dim3A_299, %add3A_383], %select_n3A_392 : memref<1x128xi32, #tpu.memory_space<vmem>>[vector<16xi32>, vector<16xi32>], vector<16xi32>,
            %iota3A_393 = tpu.iota {dimensions = array<i32: 0>} : vector<16xi32>
            %add3A_394 = arith.constant 112 : i32
            %add3A_395 = vector.broadcast %add3A_394 : i32 to vector<16xi32>
            %add3A_396 = arith.addi %add3A_395, %iota3A_393 : vector<16xi32>
            %gather3A_397 = tpu.vector_load_idx %arg11[%add3A_396, %broadcast_in_dim3A_301] : memref<128x128xf32, #tpu.memory_space<vmem>>[vector<16xi32>, vector<16xi32>], vector<16xf32>,
            %bitcast3A_398 = vector.bitcast %gather3A_397 : vector<16xf32> to vector<16xi32>
            %lt3A_399 = arith.constant 128 : i32
            %lt3A_400 = vector.broadcast %lt3A_399 : i32 to vector<16xi32>
            %lt3A_401 = arith.cmpi slt, %add3A_396, %lt3A_400 : vector<16xi32>
            %add3A_402 = arith.constant 16384 : i32
            %add3A_403 = vector.broadcast %add3A_402 : i32 to vector<16xi32>
            %add3A_404 = arith.addi %add3A_403, %add3A_396 : vector<16xi32>
            %select_n3A_405 = arith.select %lt3A_401, %bitcast3A_398, %add3A_404 : vector<16xi1>, vector<16xi32>
            tpu.vector_store_idx %arg12[%broadcast_in_dim3A_299, %add3A_396], %select_n3A_405 : memref<1x128xi32, #tpu.memory_space<vmem>>[vector<16xi32>, vector<16xi32>], vector<16xi32>,
            %dma_start3A_406 = arith.constant 0 : i32
            %dma_start3A_407 = arith.constant 0 : i32
            %dma_start3A_408 = tpu.memref_slice %arg12[%dma_start3A_406, %dma_start3A_407] : memref<1x128xi32, #tpu.memory_space<vmem>> -> memref<1x128xi32, #tpu.memory_space<vmem>>
            %dma_start3A_409 = tpu.memref_squeeze %dma_start3A_408 : memref<1x128xi32, #tpu.memory_space<vmem>> -> memref<128xi32, #tpu.memory_space<vmem>>
            %dma_start3A_410 = arith.constant 0 : i32
            %dma_start3A_411 = arith.constant 0 : i32
            %dma_start3A_412 = tpu.memref_slice %arg4[%dma_start3A_410, %dma_start3A_411] : memref<16512x128xf32, #tpu.memory_space<hbm>> -> memref<16512x128xf32, #tpu.memory_space<hbm>>
            tpu.enqueue_indirect_dma source(%arg11 : memref<128x128xf32, #tpu.memory_space<vmem>>) target(%dma_start3A_412 : memref<16512x128xf32, #tpu.memory_space<hbm>>) offsets(%dma_start3A_409 : memref<128xi32, #tpu.memory_space<vmem>>) semaphore(%arg17 : memref<!tpu.dma_semaphore, #tpu.memory_space<semaphore_mem>>)
            %dma_wait3A_413 = arith.constant 0 : i32
            %dma_wait3A_414 = arith.constant 0 : i32
            %dma_wait3A_415 = tpu.memref_slice %arg12[%dma_wait3A_413, %dma_wait3A_414] : memref<1x128xi32, #tpu.memory_space<vmem>> -> memref<1x128xi32, #tpu.memory_space<vmem>>
            %dma_wait3A_416 = tpu.memref_squeeze %dma_wait3A_415 : memref<1x128xi32, #tpu.memory_space<vmem>> -> memref<128xi32, #tpu.memory_space<vmem>>
            %dma_wait3A_417 = arith.constant 0 : i32
            %dma_wait3A_418 = arith.constant 0 : i32
            %dma_wait3A_419 = tpu.memref_slice %arg4[%dma_wait3A_417, %dma_wait3A_418] : memref<16512x128xf32, #tpu.memory_space<hbm>> -> memref<16512x128xf32, #tpu.memory_space<hbm>>
            tpu.wait_indirect_dma semaphore(%arg17 : memref<!tpu.dma_semaphore, #tpu.memory_space<semaphore_mem>>) src(%arg11 : memref<128x128xf32, #tpu.memory_space<vmem>>) dst(%dma_wait3A_419 : memref<16512x128xf32, #tpu.memory_space<hbm>>)
          } else {
          }
          %add3A_296 = arith.constant 1 : i32
          %add3A_297 = arith.addi %while3A_261, %add3A_296 : i32
          scf.yield %add3A_297 : i32
        }
        %while3A_258 = arith.constant 1 : i32
        %while3A_259 = scf.for %while3A_260 = %while3A_255 to %while3A_251 step %while3A_258 iter_args(%while3A_261 = %while3A_257) -> (i32)  : i32 {
          %get3A = arith.index_cast %while3A_260 : i32 to index
          %get3A_262 = tpu.vector_load %arg9[%get3A] {strides = array<i32>} : memref<2064xi32, #tpu.memory_space<vmem>>, vector<16xi32>,
          %slice3A = vector.extract_strided_slice %get3A_262 {offsets = [0], sizes = [1], strides = [1]} : vector<16xi32> to vector<1xi32>
          %squeeze3A = vector.extract %slice3A[0] : i32 from vector<1xi32>
          %get3A_263 = arith.index_cast %while3A_260 : i32 to index
          %get3A_264 = tpu.vector_load %arg10[%get3A_263] {strides = array<i32>} : memref<2064xi32, #tpu.memory_space<vmem>>, vector<16xi32>,
          %slice3A_265 = vector.extract_strided_slice %get3A_264 {offsets = [0], sizes = [1], strides = [1]} : vector<16xi32> to vector<1xi32>
          %squeeze3A_266 = vector.extract %slice3A_265[0] : i32 from vector<1xi32>
          %sub3A_267 = arith.subi %squeeze3A, %min3A_154 : i32
          %broadcast_in_dim3A = vector.broadcast %sub3A_267 : i32 to vector<16xi32>
          %broadcast_in_dim3A_268 = arith.constant 1 : i32
          %broadcast_in_dim3A_269 = vector.broadcast %broadcast_in_dim3A_268 : i32 to vector<16xi32>
          %rem3A_270 = arith.constant 128 : i32
          %rem3A_271 = arith.remsi %while3A_261, %rem3A_270 : i32
          %broadcast_in_dim3A_272 = vector.broadcast %rem3A_271 : i32 to vector<16xi32>
          %add3A_273 = arith.constant 0 : i32
          %add3A_274 = vector.broadcast %add3A_273 : i32 to vector<16xi32>
          %add3A_275 = arith.addi %add3A_274, %iota3A : vector<16xi32>
          %gather3A = tpu.vector_load_idx %arg5[%broadcast_in_dim3A_269, %add3A_275, %broadcast_in_dim3A] : memref<2x64x512xf32, #tpu.memory_space<vmem>>[vector<16xi32>, vector<16xi32>, vector<16xi32>], vector<16xf32>,
          tpu.vector_store_idx %arg11[%broadcast_in_dim3A_272, %add3A_275], %gather3A : memref<128x128xf32, #tpu.memory_space<vmem>>[vector<16xi32>, vector<16xi32>], vector<16xf32>,
          %add3A_276 = arith.constant 16 : i32
          %add3A_277 = vector.broadcast %add3A_276 : i32 to vector<16xi32>
          %add3A_278 = arith.addi %add3A_277, %iota3A : vector<16xi32>
          %gather3A_279 = tpu.vector_load_idx %arg5[%broadcast_in_dim3A_269, %add3A_278, %broadcast_in_dim3A] : memref<2x64x512xf32, #tpu.memory_space<vmem>>[vector<16xi32>, vector<16xi32>, vector<16xi32>], vector<16xf32>,
          tpu.vector_store_idx %arg11[%broadcast_in_dim3A_272, %add3A_278], %gather3A_279 : memref<128x128xf32, #tpu.memory_space<vmem>>[vector<16xi32>, vector<16xi32>], vector<16xf32>,
          %add3A_280 = arith.constant 32 : i32
          %add3A_281 = vector.broadcast %add3A_280 : i32 to vector<16xi32>
          %add3A_282 = arith.addi %add3A_281, %iota3A : vector<16xi32>
          %gather3A_283 = tpu.vector_load_idx %arg5[%broadcast_in_dim3A_269, %add3A_282, %broadcast_in_dim3A] : memref<2x64x512xf32, #tpu.memory_space<vmem>>[vector<16xi32>, vector<16xi32>, vector<16xi32>], vector<16xf32>,
          tpu.vector_store_idx %arg11[%broadcast_in_dim3A_272, %add3A_282], %gather3A_283 : memref<128x128xf32, #tpu.memory_space<vmem>>[vector<16xi32>, vector<16xi32>], vector<16xf32>,
          %add3A_284 = arith.constant 48 : i32
          %add3A_285 = vector.broadcast %add3A_284 : i32 to vector<16xi32>
          %add3A_286 = arith.addi %add3A_285, %iota3A : vector<16xi32>
          %gather3A_287 = tpu.vector_load_idx %arg5[%broadcast_in_dim3A_269, %add3A_286, %broadcast_in_dim3A] : memref<2x64x512xf32, #tpu.memory_space<vmem>>[vector<16xi32>, vector<16xi32>, vector<16xi32>], vector<16xf32>,
          tpu.vector_store_idx %arg11[%broadcast_in_dim3A_272, %add3A_286], %gather3A_287 : memref<128x128xf32, #tpu.memory_space<vmem>>[vector<16xi32>, vector<16xi32>], vector<16xf32>,
          %broadcast_in_dim3A_288 = vector.broadcast %squeeze3A_266 : i32 to vector<16xi32>
          %bitcast3A = vector.bitcast %broadcast_in_dim3A_288 : vector<16xi32> to vector<16xf32>
          %add3A_289 = arith.constant 64 : i32
          %add3A_290 = vector.broadcast %add3A_289 : i32 to vector<16xi32>
          %add3A_291 = arith.addi %add3A_290, %iota3A : vector<16xi32>
          tpu.vector_store_idx %arg11[%broadcast_in_dim3A_272, %add3A_291], %bitcast3A : memref<128x128xf32, #tpu.memory_space<vmem>>[vector<16xi32>, vector<16xi32>], vector<16xf32>,
          %eq3A = arith.constant 127 : i32
          %eq3A_292 = arith.cmpi eq, %rem3A_271, %eq3A : i32
          %convert_element_type3A_293 = arith.extui %eq3A_292 : i1 to i32
          %cond3A_294 = arith.constant 0 : i32
          %cond3A_295 = arith.cmpi ne, %convert_element_type3A_293, %cond3A_294 : i32
          scf.if %cond3A_295 {
            %broadcast_in_dim3A_298 = arith.constant 0 : i32
            %broadcast_in_dim3A_299 = vector.broadcast %broadcast_in_dim3A_298 : i32 to vector<16xi32>
            %broadcast_in_dim3A_300 = arith.constant 64 : i32
            %broadcast_in_dim3A_301 = vector.broadcast %broadcast_in_dim3A_300 : i32 to vector<16xi32>
            %iota3A_302 = tpu.iota {dimensions = array<i32: 0>} : vector<16xi32>
            %add3A_303 = arith.constant 0 : i32
            %add3A_304 = vector.broadcast %add3A_303 : i32 to vector<16xi32>
            %add3A_305 = arith.addi %add3A_304, %iota3A_302 : vector<16xi32>
            %gather3A_306 = tpu.vector_load_idx %arg11[%add3A_305, %broadcast_in_dim3A_301] : memref<128x128xf32, #tpu.memory_space<vmem>>[vector<16xi32>, vector<16xi32>], vector<16xf32>,
            %bitcast3A_307 = vector.bitcast %gather3A_306 : vector<16xf32> to vector<16xi32>
            %lt3A_308 = arith.constant 128 : i32
            %lt3A_309 = vector.broadcast %lt3A_308 : i32 to vector<16xi32>
            %lt3A_310 = arith.cmpi slt, %add3A_305, %lt3A_309 : vector<16xi32>
            %add3A_311 = arith.constant 16384 : i32
            %add3A_312 = vector.broadcast %add3A_311 : i32 to vector<16xi32>
            %add3A_313 = arith.addi %add3A_312, %add3A_305 : vector<16xi32>
            %select_n3A_314 = arith.select %lt3A_310, %bitcast3A_307, %add3A_313 : vector<16xi1>, vector<16xi32>
            tpu.vector_store_idx %arg12[%broadcast_in_dim3A_299, %add3A_305], %select_n3A_314 : memref<1x128xi32, #tpu.memory_space<vmem>>[vector<16xi32>, vector<16xi32>], vector<16xi32>,
            %iota3A_315 = tpu.iota {dimensions = array<i32: 0>} : vector<16xi32>
            %add3A_316 = arith.constant 16 : i32
            %add3A_317 = vector.broadcast %add3A_316 : i32 to vector<16xi32>
            %add3A_318 = arith.addi %add3A_317, %iota3A_315 : vector<16xi32>
            %gather3A_319 = tpu.vector_load_idx %arg11[%add3A_318, %broadcast_in_dim3A_301] : memref<128x128xf32, #tpu.memory_space<vmem>>[vector<16xi32>, vector<16xi32>], vector<16xf32>,
            %bitcast3A_320 = vector.bitcast %gather3A_319 : vector<16xf32> to vector<16xi32>
            %lt3A_321 = arith.constant 128 : i32
            %lt3A_322 = vector.broadcast %lt3A_321 : i32 to vector<16xi32>
            %lt3A_323 = arith.cmpi slt, %add3A_318, %lt3A_322 : vector<16xi32>
            %add3A_324 = arith.constant 16384 : i32
            %add3A_325 = vector.broadcast %add3A_324 : i32 to vector<16xi32>
            %add3A_326 = arith.addi %add3A_325, %add3A_318 : vector<16xi32>
            %select_n3A_327 = arith.select %lt3A_323, %bitcast3A_320, %add3A_326 : vector<16xi1>, vector<16xi32>
            tpu.vector_store_idx %arg12[%broadcast_in_dim3A_299, %add3A_318], %select_n3A_327 : memref<1x128xi32, #tpu.memory_space<vmem>>[vector<16xi32>, vector<16xi32>], vector<16xi32>,
            %iota3A_328 = tpu.iota {dimensions = array<i32: 0>} : vector<16xi32>
            %add3A_329 = arith.constant 32 : i32
            %add3A_330 = vector.broadcast %add3A_329 : i32 to vector<16xi32>
            %add3A_331 = arith.addi %add3A_330, %iota3A_328 : vector<16xi32>
            %gather3A_332 = tpu.vector_load_idx %arg11[%add3A_331, %broadcast_in_dim3A_301] : memref<128x128xf32, #tpu.memory_space<vmem>>[vector<16xi32>, vector<16xi32>], vector<16xf32>,
            %bitcast3A_333 = vector.bitcast %gather3A_332 : vector<16xf32> to vector<16xi32>
            %lt3A_334 = arith.constant 128 : i32
            %lt3A_335 = vector.broadcast %lt3A_334 : i32 to vector<16xi32>
            %lt3A_336 = arith.cmpi slt, %add3A_331, %lt3A_335 : vector<16xi32>
            %add3A_337 = arith.constant 16384 : i32
            %add3A_338 = vector.broadcast %add3A_337 : i32 to vector<16xi32>
            %add3A_339 = arith.addi %add3A_338, %add3A_331 : vector<16xi32>
            %select_n3A_340 = arith.select %lt3A_336, %bitcast3A_333, %add3A_339 : vector<16xi1>, vector<16xi32>
            tpu.vector_store_idx %arg12[%broadcast_in_dim3A_299, %add3A_331], %select_n3A_340 : memref<1x128xi32, #tpu.memory_space<vmem>>[vector<16xi32>, vector<16xi32>], vector<16xi32>,
            %iota3A_341 = tpu.iota {dimensions = array<i32: 0>} : vector<16xi32>
            %add3A_342 = arith.constant 48 : i32
            %add3A_343 = vector.broadcast %add3A_342 : i32 to vector<16xi32>
            %add3A_344 = arith.addi %add3A_343, %iota3A_341 : vector<16xi32>
            %gather3A_345 = tpu.vector_load_idx %arg11[%add3A_344, %broadcast_in_dim3A_301] : memref<128x128xf32, #tpu.memory_space<vmem>>[vector<16xi32>, vector<16xi32>], vector<16xf32>,
            %bitcast3A_346 = vector.bitcast %gather3A_345 : vector<16xf32> to vector<16xi32>
            %lt3A_347 = arith.constant 128 : i32
            %lt3A_348 = vector.broadcast %lt3A_347 : i32 to vector<16xi32>
            %lt3A_349 = arith.cmpi slt, %add3A_344, %lt3A_348 : vector<16xi32>
            %add3A_350 = arith.constant 16384 : i32
            %add3A_351 = vector.broadcast %add3A_350 : i32 to vector<16xi32>
            %add3A_352 = arith.addi %add3A_351, %add3A_344 : vector<16xi32>
            %select_n3A_353 = arith.select %lt3A_349, %bitcast3A_346, %add3A_352 : vector<16xi1>, vector<16xi32>
            tpu.vector_store_idx %arg12[%broadcast_in_dim3A_299, %add3A_344], %select_n3A_353 : memref<1x128xi32, #tpu.memory_space<vmem>>[vector<16xi32>, vector<16xi32>], vector<16xi32>,
            %iota3A_354 = tpu.iota {dimensions = array<i32: 0>} : vector<16xi32>
            %add3A_355 = arith.constant 64 : i32
            %add3A_356 = vector.broadcast %add3A_355 : i32 to vector<16xi32>
            %add3A_357 = arith.addi %add3A_356, %iota3A_354 : vector<16xi32>
            %gather3A_358 = tpu.vector_load_idx %arg11[%add3A_357, %broadcast_in_dim3A_301] : memref<128x128xf32, #tpu.memory_space<vmem>>[vector<16xi32>, vector<16xi32>], vector<16xf32>,
            %bitcast3A_359 = vector.bitcast %gather3A_358 : vector<16xf32> to vector<16xi32>
            %lt3A_360 = arith.constant 128 : i32
            %lt3A_361 = vector.broadcast %lt3A_360 : i32 to vector<16xi32>
            %lt3A_362 = arith.cmpi slt, %add3A_357, %lt3A_361 : vector<16xi32>
            %add3A_363 = arith.constant 16384 : i32
            %add3A_364 = vector.broadcast %add3A_363 : i32 to vector<16xi32>
            %add3A_365 = arith.addi %add3A_364, %add3A_357 : vector<16xi32>
            %select_n3A_366 = arith.select %lt3A_362, %bitcast3A_359, %add3A_365 : vector<16xi1>, vector<16xi32>
            tpu.vector_store_idx %arg12[%broadcast_in_dim3A_299, %add3A_357], %select_n3A_366 : memref<1x128xi32, #tpu.memory_space<vmem>>[vector<16xi32>, vector<16xi32>], vector<16xi32>,
            %iota3A_367 = tpu.iota {dimensions = array<i32: 0>} : vector<16xi32>
            %add3A_368 = arith.constant 80 : i32
            %add3A_369 = vector.broadcast %add3A_368 : i32 to vector<16xi32>
            %add3A_370 = arith.addi %add3A_369, %iota3A_367 : vector<16xi32>
            %gather3A_371 = tpu.vector_load_idx %arg11[%add3A_370, %broadcast_in_dim3A_301] : memref<128x128xf32, #tpu.memory_space<vmem>>[vector<16xi32>, vector<16xi32>], vector<16xf32>,
            %bitcast3A_372 = vector.bitcast %gather3A_371 : vector<16xf32> to vector<16xi32>
            %lt3A_373 = arith.constant 128 : i32
            %lt3A_374 = vector.broadcast %lt3A_373 : i32 to vector<16xi32>
            %lt3A_375 = arith.cmpi slt, %add3A_370, %lt3A_374 : vector<16xi32>
            %add3A_376 = arith.constant 16384 : i32
            %add3A_377 = vector.broadcast %add3A_376 : i32 to vector<16xi32>
            %add3A_378 = arith.addi %add3A_377, %add3A_370 : vector<16xi32>
            %select_n3A_379 = arith.select %lt3A_375, %bitcast3A_372, %add3A_378 : vector<16xi1>, vector<16xi32>
            tpu.vector_store_idx %arg12[%broadcast_in_dim3A_299, %add3A_370], %select_n3A_379 : memref<1x128xi32, #tpu.memory_space<vmem>>[vector<16xi32>, vector<16xi32>], vector<16xi32>,
            %iota3A_380 = tpu.iota {dimensions = array<i32: 0>} : vector<16xi32>
            %add3A_381 = arith.constant 96 : i32
            %add3A_382 = vector.broadcast %add3A_381 : i32 to vector<16xi32>
            %add3A_383 = arith.addi %add3A_382, %iota3A_380 : vector<16xi32>
            %gather3A_384 = tpu.vector_load_idx %arg11[%add3A_383, %broadcast_in_dim3A_301] : memref<128x128xf32, #tpu.memory_space<vmem>>[vector<16xi32>, vector<16xi32>], vector<16xf32>,
            %bitcast3A_385 = vector.bitcast %gather3A_384 : vector<16xf32> to vector<16xi32>
            %lt3A_386 = arith.constant 128 : i32
            %lt3A_387 = vector.broadcast %lt3A_386 : i32 to vector<16xi32>
            %lt3A_388 = arith.cmpi slt, %add3A_383, %lt3A_387 : vector<16xi32>
            %add3A_389 = arith.constant 16384 : i32
            %add3A_390 = vector.broadcast %add3A_389 : i32 to vector<16xi32>
            %add3A_391 = arith.addi %add3A_390, %add3A_383 : vector<16xi32>
            %select_n3A_392 = arith.select %lt3A_388, %bitcast3A_385, %add3A_391 : vector<16xi1>, vector<16xi32>
            tpu.vector_store_idx %arg12[%broadcast_in_dim3A_299, %add3A_383], %select_n3A_392 : memref<1x128xi32, #tpu.memory_space<vmem>>[vector<16xi32>, vector<16xi32>], vector<16xi32>,
            %iota3A_393 = tpu.iota {dimensions = array<i32: 0>} : vector<16xi32>
            %add3A_394 = arith.constant 112 : i32
            %add3A_395 = vector.broadcast %add3A_394 : i32 to vector<16xi32>
            %add3A_396 = arith.addi %add3A_395, %iota3A_393 : vector<16xi32>
            %gather3A_397 = tpu.vector_load_idx %arg11[%add3A_396, %broadcast_in_dim3A_301] : memref<128x128xf32, #tpu.memory_space<vmem>>[vector<16xi32>, vector<16xi32>], vector<16xf32>,
            %bitcast3A_398 = vector.bitcast %gather3A_397 : vector<16xf32> to vector<16xi32>
            %lt3A_399 = arith.constant 128 : i32
            %lt3A_400 = vector.broadcast %lt3A_399 : i32 to vector<16xi32>
            %lt3A_401 = arith.cmpi slt, %add3A_396, %lt3A_400 : vector<16xi32>
            %add3A_402 = arith.constant 16384 : i32
            %add3A_403 = vector.broadcast %add3A_402 : i32 to vector<16xi32>
            %add3A_404 = arith.addi %add3A_403, %add3A_396 : vector<16xi32>
            %select_n3A_405 = arith.select %lt3A_401, %bitcast3A_398, %add3A_404 : vector<16xi1>, vector<16xi32>
            tpu.vector_store_idx %arg12[%broadcast_in_dim3A_299, %add3A_396], %select_n3A_405 : memref<1x128xi32, #tpu.memory_space<vmem>>[vector<16xi32>, vector<16xi32>], vector<16xi32>,
            %dma_start3A_406 = arith.constant 0 : i32
            %dma_start3A_407 = arith.constant 0 : i32
            %dma_start3A_408 = tpu.memref_slice %arg12[%dma_start3A_406, %dma_start3A_407] : memref<1x128xi32, #tpu.memory_space<vmem>> -> memref<1x128xi32, #tpu.memory_space<vmem>>
            %dma_start3A_409 = tpu.memref_squeeze %dma_start3A_408 : memref<1x128xi32, #tpu.memory_space<vmem>> -> memref<128xi32, #tpu.memory_space<vmem>>
            %dma_start3A_410 = arith.constant 0 : i32
            %dma_start3A_411 = arith.constant 0 : i32
            %dma_start3A_412 = tpu.memref_slice %arg4[%dma_start3A_410, %dma_start3A_411] : memref<16512x128xf32, #tpu.memory_space<hbm>> -> memref<16512x128xf32, #tpu.memory_space<hbm>>
            tpu.enqueue_indirect_dma source(%arg11 : memref<128x128xf32, #tpu.memory_space<vmem>>) target(%dma_start3A_412 : memref<16512x128xf32, #tpu.memory_space<hbm>>) offsets(%dma_start3A_409 : memref<128xi32, #tpu.memory_space<vmem>>) semaphore(%arg17 : memref<!tpu.dma_semaphore, #tpu.memory_space<semaphore_mem>>)
            %dma_wait3A_413 = arith.constant 0 : i32
            %dma_wait3A_414 = arith.constant 0 : i32
            %dma_wait3A_415 = tpu.memref_slice %arg12[%dma_wait3A_413, %dma_wait3A_414] : memref<1x128xi32, #tpu.memory_space<vmem>> -> memref<1x128xi32, #tpu.memory_space<vmem>>
            %dma_wait3A_416 = tpu.memref_squeeze %dma_wait3A_415 : memref<1x128xi32, #tpu.memory_space<vmem>> -> memref<128xi32, #tpu.memory_space<vmem>>
            %dma_wait3A_417 = arith.constant 0 : i32
            %dma_wait3A_418 = arith.constant 0 : i32
            %dma_wait3A_419 = tpu.memref_slice %arg4[%dma_wait3A_417, %dma_wait3A_418] : memref<16512x128xf32, #tpu.memory_space<hbm>> -> memref<16512x128xf32, #tpu.memory_space<hbm>>
            tpu.wait_indirect_dma semaphore(%arg17 : memref<!tpu.dma_semaphore, #tpu.memory_space<semaphore_mem>>) src(%arg11 : memref<128x128xf32, #tpu.memory_space<vmem>>) dst(%dma_wait3A_419 : memref<16512x128xf32, #tpu.memory_space<hbm>>)
          } else {
          }
          %add3A_296 = arith.constant 1 : i32
          %add3A_297 = arith.addi %while3A_261, %add3A_296 : i32
          scf.yield %add3A_297 : i32
        }
        scf.yield %while3A_259 : i32
      }
      %add3A_197 = arith.constant 2 : i32
      %add3A_198 = arith.addi %add3A_129, %add3A_197 : i32
      %lt3A_199 = arith.constant 62 : i32
      %lt3A_200 = arith.cmpi slt, %add3A_198, %lt3A_199 : i32
      %convert_element_type3A_201 = arith.extui %lt3A_200 : i1 to i32
      %cond3A_202 = arith.constant 0 : i32
      %cond3A_203 = arith.cmpi ne, %convert_element_type3A_201, %cond3A_202 : i32
      scf.if %cond3A_203 {
        %add3A_204 = arith.constant 2 : i32
        %add3A_205 = arith.addi %add3A_129, %add3A_204 : i32
        %mul3A_206 = arith.constant 512 : i32
        %mul3A_207 = arith.muli %mul3A_206, %add3A_205 : i32
        %add3A_208 = arith.addi %mul3A_2, %mul3A_207 : i32
        %min3A_209 = arith.constant 999552 : i32
        %min3A_210 = arith.minsi %add3A_208, %min3A_209 : i32
        %dma_start3A_211 = arith.constant 1 : i32
        %dma_start3A_212 = arith.constant 0 : i32
        %dma_start3A_213 = arith.constant 0 : i32
        %dma_start3A_214 = tpu.memref_slice %arg5[%dma_start3A_211, %dma_start3A_212, %dma_start3A_213] : memref<2x64x512xf32, #tpu.memory_space<vmem>> -> memref<1x64x512xf32, #tpu.memory_space<vmem>>
        %dma_start3A_215 = tpu.memref_squeeze %dma_start3A_214 : memref<1x64x512xf32, #tpu.memory_space<vmem>> -> memref<64x512xf32, #tpu.memory_space<vmem>>
        %dma_start3A_216 = arith.constant 0 : i32
        %dma_start3A_217 = tpu.memref_slice %arg3[%dma_start3A_216, %min3A_210] : memref<64x1000001xf32, #tpu.memory_space<hbm>> -> memref<64x512xf32, #tpu.memory_space<hbm>>
        %dma_start3A_218 = arith.constant 0 : i32
        %dma_start3A_219 = arith.constant 0 : i32
        %dma_start3A_220 = tpu.memref_slice %arg5[%dma_start3A_211, %dma_start3A_218, %dma_start3A_219] : memref<2x64x512xf32, #tpu.memory_space<vmem>> -> memref<1x64x512xf32, #tpu.memory_space<vmem>>
        %dma_start3A_221 = tpu.memref_squeeze %dma_start3A_220 : memref<1x64x512xf32, #tpu.memory_space<vmem>> -> memref<64x512xf32, #tpu.memory_space<vmem>>
        %dma_start3A_222 = arith.constant 0 : i32
        %dma_start3A_223 = tpu.memref_slice %arg3[%dma_start3A_222, %min3A_210] : memref<64x1000001xf32, #tpu.memory_space<hbm>> -> memref<64x512xf32, #tpu.memory_space<hbm>>
        tpu.enqueue_dma source(%dma_start3A_223 : memref<64x512xf32, #tpu.memory_space<hbm>>) target(%dma_start3A_221 : memref<64x512xf32, #tpu.memory_space<vmem>>) target_semaphore(%arg14 : memref<!tpu.dma_semaphore, #tpu.memory_space<semaphore_mem>>)
      } else {
      }
      scf.yield %while3A_196 : i32
    }
    %scan3A_51 = arith.constant 31 : i32
    %rem3A = arith.constant 128 : i32
    %rem3A_52 = arith.remsi %scan3A_50, %rem3A : i32
    %ne3A = arith.constant 0 : i32
    %ne3A_53 = arith.cmpi ne, %rem3A_52, %ne3A : i32
    %convert_element_type3A = arith.extui %ne3A_53 : i1 to i32
    %cond3A = arith.constant 0 : i32
    %cond3A_54 = arith.cmpi ne, %convert_element_type3A, %cond3A : i32
    scf.if %cond3A_54 {
      %rem3A_55 = arith.constant 128 : i32
      %rem3A_56 = arith.remsi %scan3A_50, %rem3A_55 : i32
      %broadcast_in_dim3A = arith.constant 0 : i32
      %broadcast_in_dim3A_57 = vector.broadcast %broadcast_in_dim3A : i32 to vector<16xi32>
      %broadcast_in_dim3A_58 = arith.constant 64 : i32
      %broadcast_in_dim3A_59 = vector.broadcast %broadcast_in_dim3A_58 : i32 to vector<16xi32>
      %iota3A_60 = tpu.iota {dimensions = array<i32: 0>} : vector<16xi32>
      %add3A_61 = arith.constant 0 : i32
      %add3A_62 = vector.broadcast %add3A_61 : i32 to vector<16xi32>
      %add3A_63 = arith.addi %add3A_62, %iota3A_60 : vector<16xi32>
      %gather3A = tpu.vector_load_idx %arg11[%add3A_63, %broadcast_in_dim3A_59] : memref<128x128xf32, #tpu.memory_space<vmem>>[vector<16xi32>, vector<16xi32>], vector<16xf32>,
      %bitcast3A = vector.bitcast %gather3A : vector<16xf32> to vector<16xi32>
      %lt3A = vector.broadcast %rem3A_56 : i32 to vector<16xi32>
      %lt3A_64 = arith.cmpi slt, %add3A_63, %lt3A : vector<16xi32>
      %add3A_65 = arith.constant 16384 : i32
      %add3A_66 = vector.broadcast %add3A_65 : i32 to vector<16xi32>
      %add3A_67 = arith.addi %add3A_66, %add3A_63 : vector<16xi32>
      %select_n3A = arith.select %lt3A_64, %bitcast3A, %add3A_67 : vector<16xi1>, vector<16xi32>
      tpu.vector_store_idx %arg12[%broadcast_in_dim3A_57, %add3A_63], %select_n3A : memref<1x128xi32, #tpu.memory_space<vmem>>[vector<16xi32>, vector<16xi32>], vector<16xi32>,
      %iota3A_68 = tpu.iota {dimensions = array<i32: 0>} : vector<16xi32>
      %add3A_69 = arith.constant 16 : i32
      %add3A_70 = vector.broadcast %add3A_69 : i32 to vector<16xi32>
      %add3A_71 = arith.addi %add3A_70, %iota3A_68 : vector<16xi32>
      %gather3A_72 = tpu.vector_load_idx %arg11[%add3A_71, %broadcast_in_dim3A_59] : memref<128x128xf32, #tpu.memory_space<vmem>>[vector<16xi32>, vector<16xi32>], vector<16xf32>,
      %bitcast3A_73 = vector.bitcast %gather3A_72 : vector<16xf32> to vector<16xi32>
      %lt3A_74 = vector.broadcast %rem3A_56 : i32 to vector<16xi32>
      %lt3A_75 = arith.cmpi slt, %add3A_71, %lt3A_74 : vector<16xi32>
      %add3A_76 = arith.constant 16384 : i32
      %add3A_77 = vector.broadcast %add3A_76 : i32 to vector<16xi32>
      %add3A_78 = arith.addi %add3A_77, %add3A_71 : vector<16xi32>
      %select_n3A_79 = arith.select %lt3A_75, %bitcast3A_73, %add3A_78 : vector<16xi1>, vector<16xi32>
      tpu.vector_store_idx %arg12[%broadcast_in_dim3A_57, %add3A_71], %select_n3A_79 : memref<1x128xi32, #tpu.memory_space<vmem>>[vector<16xi32>, vector<16xi32>], vector<16xi32>,
      %iota3A_80 = tpu.iota {dimensions = array<i32: 0>} : vector<16xi32>
      %add3A_81 = arith.constant 32 : i32
      %add3A_82 = vector.broadcast %add3A_81 : i32 to vector<16xi32>
      %add3A_83 = arith.addi %add3A_82, %iota3A_80 : vector<16xi32>
      %gather3A_84 = tpu.vector_load_idx %arg11[%add3A_83, %broadcast_in_dim3A_59] : memref<128x128xf32, #tpu.memory_space<vmem>>[vector<16xi32>, vector<16xi32>], vector<16xf32>,
      %bitcast3A_85 = vector.bitcast %gather3A_84 : vector<16xf32> to vector<16xi32>
      %lt3A_86 = vector.broadcast %rem3A_56 : i32 to vector<16xi32>
      %lt3A_87 = arith.cmpi slt, %add3A_83, %lt3A_86 : vector<16xi32>
      %add3A_88 = arith.constant 16384 : i32
      %add3A_89 = vector.broadcast %add3A_88 : i32 to vector<16xi32>
      %add3A_90 = arith.addi %add3A_89, %add3A_83 : vector<16xi32>
      %select_n3A_91 = arith.select %lt3A_87, %bitcast3A_85, %add3A_90 : vector<16xi1>, vector<16xi32>
      tpu.vector_store_idx %arg12[%broadcast_in_dim3A_57, %add3A_83], %select_n3A_91 : memref<1x128xi32, #tpu.memory_space<vmem>>[vector<16xi32>, vector<16xi32>], vector<16xi32>,
      %iota3A_92 = tpu.iota {dimensions = array<i32: 0>} : vector<16xi32>
      %add3A_93 = arith.constant 48 : i32
      %add3A_94 = vector.broadcast %add3A_93 : i32 to vector<16xi32>
      %add3A_95 = arith.addi %add3A_94, %iota3A_92 : vector<16xi32>
      %gather3A_96 = tpu.vector_load_idx %arg11[%add3A_95, %broadcast_in_dim3A_59] : memref<128x128xf32, #tpu.memory_space<vmem>>[vector<16xi32>, vector<16xi32>], vector<16xf32>,
      %bitcast3A_97 = vector.bitcast %gather3A_96 : vector<16xf32> to vector<16xi32>
      %lt3A_98 = vector.broadcast %rem3A_56 : i32 to vector<16xi32>
      %lt3A_99 = arith.cmpi slt, %add3A_95, %lt3A_98 : vector<16xi32>
      %add3A_100 = arith.constant 16384 : i32
      %add3A_101 = vector.broadcast %add3A_100 : i32 to vector<16xi32>
      %add3A_102 = arith.addi %add3A_101, %add3A_95 : vector<16xi32>
      %select_n3A_103 = arith.select %lt3A_99, %bitcast3A_97, %add3A_102 : vector<16xi1>, vector<16xi32>
      tpu.vector_store_idx %arg12[%broadcast_in_dim3A_57, %add3A_95], %select_n3A_103 : memref<1x128xi32, #tpu.memory_space<vmem>>[vector<16xi32>, vector<16xi32>], vector<16xi32>,
      %iota3A_104 = tpu.iota {dimensions = array<i32: 0>} : vector<16xi32>
      %add3A_105 = arith.constant 64 : i32
      %add3A_106 = vector.broadcast %add3A_105 : i32 to vector<16xi32>
      %add3A_107 = arith.addi %add3A_106, %iota3A_104 : vector<16xi32>
      %gather3A_108 = tpu.vector_load_idx %arg11[%add3A_107, %broadcast_in_dim3A_59] : memref<128x128xf32, #tpu.memory_space<vmem>>[vector<16xi32>, vector<16xi32>], vector<16xf32>,
      %bitcast3A_109 = vector.bitcast %gather3A_108 : vector<16xf32> to vector<16xi32>
      %lt3A_110 = vector.broadcast %rem3A_56 : i32 to vector<16xi32>
      %lt3A_111 = arith.cmpi slt, %add3A_107, %lt3A_110 : vector<16xi32>
      %add3A_112 = arith.constant 16384 : i32
      %add3A_113 = vector.broadcast %add3A_112 : i32 to vector<16xi32>
      %add3A_114 = arith.addi %add3A_113, %add3A_107 : vector<16xi32>
      %select_n3A_115 = arith.select %lt3A_111, %bitcast3A_109, %add3A_114 : vector<16xi1>, vector<16xi32>
      tpu.vector_store_idx %arg12[%broadcast_in_dim3A_57, %add3A_107], %select_n3A_115 : memref<1x128xi32, #tpu.memory_space<vmem>>[vector<16xi32>, vector<16xi32>], vector<16xi32>,
      %iota3A_116 = tpu.iota {dimensions = array<i32: 0>} : vector<16xi32>
      %add3A_117 = arith.constant 80 : i32
      %add3A_118 = vector.broadcast %add3A_117 : i32 to vector<16xi32>
      %add3A_119 = arith.addi %add3A_118, %iota3A_116 : vector<16xi32>
      %gather3A_120 = tpu.vector_load_idx %arg11[%add3A_119, %broadcast_in_dim3A_59] : memref<128x128xf32, #tpu.memory_space<vmem>>[vector<16xi32>, vector<16xi32>], vector<16xf32>,
      %bitcast3A_121 = vector.bitcast %gather3A_120 : vector<16xf32> to vector<16xi32>
      %lt3A_122 = vector.broadcast %rem3A_56 : i32 to vector<16xi32>
      %lt3A_123 = arith.cmpi slt, %add3A_119, %lt3A_122 : vector<16xi32>
      %add3A_124 = arith.constant 16384 : i32
      %add3A_125 = vector.broadcast %add3A_124 : i32 to vector<16xi32>
      %add3A_126 = arith.addi %add3A_125, %add3A_119 : vector<16xi32>
      %select_n3A_127 = arith.select %lt3A_123, %bitcast3A_121, %add3A_126 : vector<16xi1>, vector<16xi32>
      tpu.vector_store_idx %arg12[%broadcast_in_dim3A_57, %add3A_119], %select_n3A_127 : memref<1x128xi32, #tpu.memory_space<vmem>>[vector<16xi32>, vector<16xi32>], vector<16xi32>,
      %iota3A_128 = tpu.iota {dimensions = array<i32: 0>} : vector<16xi32>
      %add3A_129 = arith.constant 96 : i32
      %add3A_130 = vector.broadcast %add3A_129 : i32 to vector<16xi32>
      %add3A_131 = arith.addi %add3A_130, %iota3A_128 : vector<16xi32>
      %gather3A_132 = tpu.vector_load_idx %arg11[%add3A_131, %broadcast_in_dim3A_59] : memref<128x128xf32, #tpu.memory_space<vmem>>[vector<16xi32>, vector<16xi32>], vector<16xf32>,
      %bitcast3A_133 = vector.bitcast %gather3A_132 : vector<16xf32> to vector<16xi32>
      %lt3A_134 = vector.broadcast %rem3A_56 : i32 to vector<16xi32>
      %lt3A_135 = arith.cmpi slt, %add3A_131, %lt3A_134 : vector<16xi32>
      %add3A_136 = arith.constant 16384 : i32
      %add3A_137 = vector.broadcast %add3A_136 : i32 to vector<16xi32>
      %add3A_138 = arith.addi %add3A_137, %add3A_131 : vector<16xi32>
      %select_n3A_139 = arith.select %lt3A_135, %bitcast3A_133, %add3A_138 : vector<16xi1>, vector<16xi32>
      tpu.vector_store_idx %arg12[%broadcast_in_dim3A_57, %add3A_131], %select_n3A_139 : memref<1x128xi32, #tpu.memory_space<vmem>>[vector<16xi32>, vector<16xi32>], vector<16xi32>,
      %iota3A_140 = tpu.iota {dimensions = array<i32: 0>} : vector<16xi32>
      %add3A_141 = arith.constant 112 : i32
      %add3A_142 = vector.broadcast %add3A_141 : i32 to vector<16xi32>
      %add3A_143 = arith.addi %add3A_142, %iota3A_140 : vector<16xi32>
      %gather3A_144 = tpu.vector_load_idx %arg11[%add3A_143, %broadcast_in_dim3A_59] : memref<128x128xf32, #tpu.memory_space<vmem>>[vector<16xi32>, vector<16xi32>], vector<16xf32>,
      %bitcast3A_145 = vector.bitcast %gather3A_144 : vector<16xf32> to vector<16xi32>
      %lt3A_146 = vector.broadcast %rem3A_56 : i32 to vector<16xi32>
      %lt3A_147 = arith.cmpi slt, %add3A_143, %lt3A_146 : vector<16xi32>
      %add3A_148 = arith.constant 16384 : i32
      %add3A_149 = vector.broadcast %add3A_148 : i32 to vector<16xi32>
      %add3A_150 = arith.addi %add3A_149, %add3A_143 : vector<16xi32>
      %select_n3A_151 = arith.select %lt3A_147, %bitcast3A_145, %add3A_150 : vector<16xi1>, vector<16xi32>
      tpu.vector_store_idx %arg12[%broadcast_in_dim3A_57, %add3A_143], %select_n3A_151 : memref<1x128xi32, #tpu.memory_space<vmem>>[vector<16xi32>, vector<16xi32>], vector<16xi32>,
      %dma_start3A_152 = arith.constant 0 : i32
      %dma_start3A_153 = arith.constant 0 : i32
      %dma_start3A_154 = tpu.memref_slice %arg12[%dma_start3A_152, %dma_start3A_153] : memref<1x128xi32, #tpu.memory_space<vmem>> -> memref<1x128xi32, #tpu.memory_space<vmem>>
      %dma_start3A_155 = tpu.memref_squeeze %dma_start3A_154 : memref<1x128xi32, #tpu.memory_space<vmem>> -> memref<128xi32, #tpu.memory_space<vmem>>
      %dma_start3A_156 = arith.constant 0 : i32
      %dma_start3A_157 = arith.constant 0 : i32
      %dma_start3A_158 = tpu.memref_slice %arg4[%dma_start3A_156, %dma_start3A_157] : memref<16512x128xf32, #tpu.memory_space<hbm>> -> memref<16512x128xf32, #tpu.memory_space<hbm>>
      tpu.enqueue_indirect_dma source(%arg11 : memref<128x128xf32, #tpu.memory_space<vmem>>) target(%dma_start3A_158 : memref<16512x128xf32, #tpu.memory_space<hbm>>) offsets(%dma_start3A_155 : memref<128xi32, #tpu.memory_space<vmem>>) semaphore(%arg17 : memref<!tpu.dma_semaphore, #tpu.memory_space<semaphore_mem>>)
      %dma_wait3A = arith.constant 0 : i32
      %dma_wait3A_159 = arith.constant 0 : i32
      %dma_wait3A_160 = tpu.memref_slice %arg12[%dma_wait3A, %dma_wait3A_159] : memref<1x128xi32, #tpu.memory_space<vmem>> -> memref<1x128xi32, #tpu.memory_space<vmem>>
      %dma_wait3A_161 = tpu.memref_squeeze %dma_wait3A_160 : memref<1x128xi32, #tpu.memory_space<vmem>> -> memref<128xi32, #tpu.memory_space<vmem>>
      %dma_wait3A_162 = arith.constant 0 : i32
      %dma_wait3A_163 = arith.constant 0 : i32
      %dma_wait3A_164 = tpu.memref_slice %arg4[%dma_wait3A_162, %dma_wait3A_163] : memref<16512x128xf32, #tpu.memory_space<hbm>> -> memref<16512x128xf32, #tpu.memory_space<hbm>>
      tpu.wait_indirect_dma semaphore(%arg17 : memref<!tpu.dma_semaphore, #tpu.memory_space<semaphore_mem>>) src(%arg11 : memref<128x128xf32, #tpu.memory_space<vmem>>) dst(%dma_wait3A_164 : memref<16512x128xf32, #tpu.memory_space<hbm>>)
    } else {
    }
    return
  }
}

</mosaic_0001>

<sc_bundles>
// kernel: kernel.3.cloned.1.call-start
scs
__scs_entry_jumppad:
0x0: {  	(pc) =	sbr.rel $0x88, $3  }
0x1: {  	(tag) =	ssettag $0x0;
	lr =	simm.s32 $0x1  }
0x2: {  	[smem:$0x3F9F] =	sst lr;
	_ =	strace $0xD0000000  }
0x3: {  	_ = 	snop  }
0x4: {  	_ = 	snop  }
0x5: {  	_ = 	snop  }
0x6: {  	_ = 	snop  }
0x7: {  	_ = 	snop  }
__scs_overlays_trampoline_lowered:
0x8: {  	[smem:$0x3FAE] =	sst s0  }
0x9: {  	[smem:$0x3FAF] =	sst s1  }
0xa: {  	[smem:$0x3FB0] =	sst s2  }
0xb: {  	[smem:$0x3FB1] =	sst s3  }
0xc: {  	[smem:$0x3FB2] =	sst s4  }
0xd: {  	[smem:$0x3FB3] =	sst s5  }
0xe: {  	[smem:$0x3FB4] =	sst s6  }
0xf: {  	[smem:$0x3FB5] =	sst s7  }
0x10: {  	[smem:$0x3FB6] =	sst s8  }
0x11: {  	[smem:$0x3FB7] =	sst s9;
	s0 =	simm.s32 @!p0 $0x0  }
0x12: {  	s1 =	sld [smem:$0x3F9D];
	s0 =	simm.s32 @p0 $0x1  }
0x13: {  	[smem:$0x3FB8] =	sst s0;
	s0 =	simm.s32 @!p1 $0x0  }
0x14: {  	s2 =	sld [smem:$0x3F9C];
	s0 =	simm.s32 @p1 $0x1  }
0x15: {  	[smem:$0x3FB9] =	sst s0;
	s0 =	simm.s32 @!p2 $0x0  }
0x16: {  	s3 =	sld [smem:$0x3FDB];
	s0 =	simm.s32 @p2 $0x1  }
0x17: {  	s4 =	simm.s32 $0x1BF5;
	[smem:$0x3FBB] =	sst s0  }
0x18: {  	s0 =	sld [smem:$0x3F9E];
	_ =	swait.ge [sflag:s4], $0x0  }
0x19: {  	s7 =	sld [smem:$0x3F9F]  }
0x1a: {  	s8 =	sadd.s32 $0xFFFFE003, lr  }
0x1b: {  	s9 =	sadd.s32 $0xFFFFFEF7, lr;
	s5 =	simm.s32 $0xFFFFFFFF;
	p2 =	slt.u32 s8, $0xFFFFF086  }
0x1c: {  	p1 =	slt.u32 s9, $0xF7A;
	s5 =	simm.s32 @!p2 $0x0  }
0x1d: {  	s5 =	simm.s32 @p1 $0x1;
	p0 =	seq.s32 s7, s2  }
0x1e: {  	s7 =	smul.u32 @!p0 $0xF7A, s2;
	p2 =	seq.s32 @!p0 s5, $0x0  }
0x1f: {  	s9 =	smul.u32 $0xF7A, s1;
	s8 =	simm.s32 @!p0 $0x1BF5;
	p2 =	por !p2, p0  }
0x20: {  	[sflag:s8] =	ssyncset.s32 @!p0 $0xFFFFF086;
	s6 =	sadd.s32 @!p0 s3, s7;
	s7 =	simm.s32 @!p0 $0x108  }
0x21: {  	s3 =	sadd.s32 s3, s9;
	s6 =	sadd.s32 @!p0 $0x88, s6;
	s7 =	simm.s32 @p2 $0x1082  }
0x22: {  	[simem:s7], [sflag:s8] =	dma.local @!p0 [hbm:s6], $0xF7A  }
0x23: {  	s9 =	sor.u32 $0xD0000000, s2;
	s6 =	simm.s32 $0x108;
	_ =	swait.ge @!p0 [sflag:s8], $0x0  }
0x24: {  	s3 =	sadd.s32 $0x88, s3;
	s6 =	simm.s32 @!p1 $0x1082;
	[sflag:s4] =	ssyncset.s32 $0xFFFFF086  }
0x25: {  	[simem:s6], [sflag:s4] =	dma.local [hbm:s3], $0xF7A  }
0x26: {  	[smem:$0x3F9F] =	sst s1;
	(tag) =	ssettag s2;
	_ =	strace s9  }
0x27: {  	s1 =	sld [smem:$0x3FAF]  }
0x28: {  	s2 =	sld [smem:$0x3FB0]  }
0x29: {  	s4 =	sld [smem:$0x3FB2]  }
0x2a: {  	p0 =	seq.s32 s5, $0x0;
	s5 =	sld [smem:$0x3FB3]  }
0x2b: {  	s6 =	sld [smem:$0x3FB4]  }
0x2c: {  	s7 =	sld [smem:$0x3FB5]  }
0x2d: {  	s3 =	simm.s32 $0x108;
	s8 =	sld [smem:$0x3FB6]  }
0x2e: {  	s3 =	simm.s32 @!p0 $0x1082;
	s9 =	sld [smem:$0x3FB7]  }
0x2f: {  	lr =	sadd.s32 s0, s3;
	s0 =	sld [smem:$0x3FAE]  }
0x30: {  	s3 =	sld [smem:$0x3FB1]  }
0x31: {  	[smem:$0x3FBA] =	sst s10  }
0x32: {  	s10 =	sld [smem:$0x3FB8];
	_ =	sdelay $0x3  }
0x33: {  	p0 =	seq.s32 s10, $0x1;
	s10 =	sld [smem:$0x3FBA];
	_ =	sdelay $0x3  }
0x34: {  	[smem:$0x3FBA] =	sst s10  }
0x35: {  	s10 =	sld [smem:$0x3FB9];
	_ =	sdelay $0x3  }
0x36: {  	p1 =	seq.s32 s10, $0x1;
	s10 =	sld [smem:$0x3FBA];
	_ =	sdelay $0x3  }
0x37: {  	[smem:$0x3FBA] =	sst s10  }
0x38: {  	s10 =	sld [smem:$0x3FBB]  }
0x39: {  	_ = 	snop;
	(pc) =	sbr.ind lr, $3  }
0x3a: {  	_ = 	snop  }
0x3b: {  	_ = 	snop  }
0x3c: {  	p2 =	seq.s32 s10, $0x1;
	s10 =	sld [smem:$0x3FBA]  }
0x3d: {  	_ =	shalt  }
0x3e: {  	_ =	shalt  }
0x3f: {  	_ =	shalt  }
0x40: {  	_ =	shalt  }
0x41: {  	_ =	shalt  }
0x42: {  	_ =	shalt  }
0x43: {  	_ =	shalt  }
0x44: {  	_ =	shalt  }
0x45: {  	_ =	shalt  }
0x46: {  	_ =	shalt  }
0x47: {  	_ =	shalt  }
0x48: {  	_ =	shalt  }
0x49: {  	_ =	shalt  }
0x4a: {  	_ =	shalt  }
0x4b: {  	_ =	shalt  }
0x4c: {  	_ =	shalt  }
0x4d: {  	_ =	shalt  }
0x4e: {  	_ =	shalt  }
0x4f: {  	_ =	shalt  }
0x50: {  	_ =	shalt  }
0x51: {  	_ =	shalt  }
0x52: {  	_ =	shalt  }
0x53: {  	_ =	shalt  }
0x54: {  	_ =	shalt  }
0x55: {  	_ =	shalt  }
0x56: {  	_ =	shalt  }
0x57: {  	_ =	shalt  }
0x58: {  	_ =	shalt  }
0x59: {  	_ =	shalt  }
0x5a: {  	_ =	shalt  }
0x5b: {  	_ =	shalt  }
0x5c: {  	_ =	shalt  }
0x5d: {  	_ =	shalt  }
0x5e: {  	_ =	shalt  }
0x5f: {  	_ =	shalt  }
0x60: {  	_ =	shalt  }
0x61: {  	_ =	shalt  }
0x62: {  	_ =	shalt  }
0x63: {  	_ =	shalt  }
0x64: {  	_ =	shalt  }
0x65: {  	_ =	shalt  }
0x66: {  	_ =	shalt  }
0x67: {  	_ =	shalt  }
0x68: {  	_ =	shalt  }
0x69: {  	_ =	shalt  }
0x6a: {  	_ =	shalt  }
0x6b: {  	_ =	shalt  }
0x6c: {  	_ =	shalt  }
0x6d: {  	_ =	shalt  }
0x6e: {  	_ =	shalt  }
0x6f: {  	_ =	shalt  }
0x70: {  	_ =	shalt  }
0x71: {  	_ =	shalt  }
0x72: {  	_ =	shalt  }
0x73: {  	_ =	shalt  }
0x74: {  	_ =	shalt  }
0x75: {  	_ =	shalt  }
0x76: {  	_ =	shalt  }
0x77: {  	_ =	shalt  }
0x78: {  	_ =	shalt  }
0x79: {  	_ =	shalt  }
0x7a: {  	_ =	shalt  }
0x7b: {  	_ =	shalt  }
0x7c: {  	_ =	shalt  }
0x7d: {  	_ =	shalt  }
0x7e: {  	_ =	shalt  }
0x7f: {  	_ =	shalt  }
0x80: {  	_ =	shalt  }
0x81: {  	_ =	shalt  }
0x82: {  	_ =	shalt  }
0x83: {  	_ =	shalt  }
0x84: {  	_ =	shalt  }
0x85: {  	_ =	shalt  }
0x86: {  	_ =	shalt  }
0x87: {  	_ =	shalt  }
.Lfunc_end0:
.L_simem_size_0:
called_computation_lowered:
.L_overlay_start_0:
0x88: {  	s2 =	sld [smem:$0x3FD9]  }
0x89: {  	s3 =	sld [smem:$0x3FFE];
	_ =	sdelay $0x1  }
0x8a: {  	s1 =	srdreg.scid  }
0x8b: {  	s0 =	sand.u32 $0x1, s1  }
0x8c: {  	s17 =	sshll.u32 s0, $0xA;
	s2 =	sadd.s32 s3, s2  }
0x8d: {  	s2 =	sadd.s32 s2, s17  }
0x8e: {  	[smem:$0x3FC6] =	sst s2  }
0x8f: {  	_ = 	snop  }
0x90: {  	s2 =	sld [smem:$0x3FC9]  }
0x91: {  	s18 =	sld [smem:$0x3FC8];
	(tm) =	ssettm $0x1  }
0x92: {  	s4 =	sld [smem:$0x3FFB];
	_ =	sdelay $0x3  }
0x93: {  	_ =	strace s4  }
0x94: {  	s4 =	sld [smem:$0x3FFC];
	_ =	sdelay $0x3  }
0x95: {  	_ =	strace s4  }
0x96: {  	s4 =	sld [smem:$0x3FFD];
	_ =	sdelay $0x3  }
0x97: {  	_ =	strace s4  }
0x98: {  	_ =	strace $0x8FFFFFFF  }
0x99: {  	s19 =	sld [smem:$0x3FDB];
	_ =	sdelay $0x1  }
0x9a: {  	s5 =	simm.s32 $_scs_section_size  }
0x9b: {  	s6 =	simm.s32 $_size__tile_overlayer_lowered;
	s7 =	simm.s32 $_tile_overlayer_lowered  }
0x9c: {  	s22 =	simm.s32 $0x1BFF;
	s21 =	sshll.u32 s7, $0x1;
	s4 =	sadd.s32 s5, s19  }
0x9d: {  	s8 =	simm.s32 $0x0;
	s20 =	sshll.u32 s6, $0x1;
	s6 =	sadd.s32 s21, s4  }
0x9e: {  	[timem:s8], [sflag:s22] =	dma.local [hbm:s6], s20  }
0x9f: {  	_ =	swait.ge [sflag:s22], s20  }
0xa0: {  	s5 =	ssub.s32 $0x0, s20;
	[sflag:s22] =	ssyncset.done $0x0  }
0xa1: {  	[sflag:s22] =	ssyncadd.s32 s5;
	_ =	sdelay $0x1  }
0xa2: {  	s23 =	simm.s32 $0x1B8B  }
0xa3: {  	_ =	swait.ge [sflag:s23], $0x1  }
0xa4: {  	[sflag:s23] =	ssyncset.done $0x0  }
0xa5: {  	s25 =	simm.s32 $0x1B8E;
	s24 =	sld [smem:$0x3FFE];
	[sflag:s23] =	ssyncadd.s32 $0xFFFFFFFF  }
0xa6: {  	s26 =	simm.s32 $execute0_lowered;
	[smem:$0x3FD2] =	sst s25  }
0xa7: {  	s6 =	sshll.u32 s26, $0x1;
	_ =	strace $0x80000046;
	[dreg:$0x1] =	wrdreg $0xFFFFFFFF  }
0xa8: {  	s28 =	simm.s32 $_size_execute0_lowered;
	s4 =	sadd.s32 s4, s6;
	[dreg:$0x0] =	wrdreg $0x0  }
0xa9: {  	s6 =	sshll.u32 s28, $0x1;
	[dreg:$0x2] =	wrdreg s4  }
0xaa: {  	[dreg:$0x3] =	wrdreg s6  }
0xab: {  	[dreg:$0x4] =	wrdreg $0xC0  }
0xac: {  	_ =	task [dreg:s8], $0x5FFFF  }
0xad: {  	[dreg:$0x1] =	wrdreg $0xFFFFFFFF  }
0xae: {  	[dreg:$0x0] =	wrdreg $0x60  }
0xaf: {  	[dreg:$0x2] =	wrdreg s2  }
0xb0: {  	[dreg:$0x3] =	wrdreg s18  }
0xb1: {  	[dreg:$0x4] =	wrdreg s24  }
0xb2: {  	[dreg:$0x5] =	wrdreg $0x9  }
0xb3: {  	_ =	task.clear_ibuf [dreg:s8], $0x6FFFF;
	_ =	strace $0x90000046  }
0xb4: {  	s29 =	simm.s32 $0x9;
	_ =	strace $0x80000048  }
0xb5: {  	_ =	swait.ge [sflag:s29], $0x1  }
0xb6: {  	[sflag:s29] =	ssyncadd.s32 $0xFFFFFFFF  }
0xb7: {  	_ =	strace $0x90000048  }
0xb8: {  	_ =	sfence  }
0xb9: {  	s30 =	sld [smem:$0x0];
	_ =	sdelay $0x2  }
0xba: {  	s31 =	sshll.u32 s1, $0xD;
	s1 =	sshrl.u32 s1, $0x2  }
0xbb: {  	s3 =	sand.u32 $0x4000, s31;
	s1 =	sadd.s32 s1, s30  }
0xbc: {  	s0 =	sor.u32 s3, s0;
	s1 =	sshll.u32 s1, $0x11  }
0xbd: {  	s0 =	sor.u32 s1, s0  }
0xbe: {  	s0 =	sadd.s32 $0x8F2B, s0  }
0xbf: {  	[sflag:s0] =	ssyncadd.remote.s32 $0x1  }
0xc0: {  	_ =	sfence.sel $0xFFFF  }
0xc1: {  	[dreg:$0x0] =	wrdreg $0xFFFFFFFF;
	(pc) =	sbr.abs _section_cstart, $3  }
0xc2: {  	[dreg:$0x1] =	wrdreg $0xFFFFFFFF  }
0xc3: {  	_ =	task.clear_ibuf [dreg:s8], $0x2FFFF;
	_ =	strace $0x9FFFFFFF  }
0xc4: {  	(tm) =	ssettm $0x7FFFFFFF  }
0xc5: {  	_ =	shalt  }
tec
execute0_lowered:
.L_overlay_start_1:
0x0: {  	(tag) =	ssettag $0x1  }
0x1: {  	v2 =	vimm.s32 $0x0;
	v3 =	vlaneseq.u32;
	v4 =	vimm.s32 $0x1380  }
0x2: {  	vm14 =	vcmask $0x300;
	vm8 =	vcmask $0x704;
	v5 =	vimm.s32 $0x3380  }
0x3: {  	vm9 =	vcmask $0xB08;
	vm10 =	vcmask $0xF0C;
	vm11 =	vcmask $0x1310  }
0x4: {  	vm12 =	vcmask $0x1714;
	vm13 =	vcmask $0x1B18;
	vm7 =	vcmask $0x1F1C  }
0x5: {  	vm6 =	vcmask $0x2320;
	vm5 =	vcmask $0x2724;
	vm4 =	vcmask $0x2B28  }
0x6: {  	vm3 =	vcmask $0x2F2C;
	vm2 =	vcmask $0x3330;
	vm1 =	vcmask $0x3734  }
0x7: {  	vm0 =	vcmask $0x3B38;
	v6 =	vimm.s32 $0x5380;
	v8 =	vimm.s32 $0x7380  }
0x8: {  	v9 =	vimm.s32 $0x9380;
	v13 =	vimm.s32 $0xB380;
	v14 =	vimm.s32 $0xD380  }
0x9: {  	v15 =	vimm.s32 $0xF380;
	v4 =	vsel vm14, $0x0, v4;
	v5 =	vsel vm14, $0x2000, v5  }
0xa: {  	v7 =	vsel vm14, $0x4000, v6;
	v6 =	vor.u32 $0x10, v3;
	v8 =	vsel vm14, $0x6000, v8  }
0xb: {  	v9 =	vsel vm14, $0x8000, v9;
	v13 =	vsel vm14, $0xA000, v13;
	v14 =	vsel vm14, $0xC000, v14  }
0xc: {  	v15 =	vsel vm14, $0xE000, v15;
	v32 =	vmul.u32 $0x80, v3;
	v17 =	vor.u32 $0x4000, v3  }
0xd: {  	v19 =	vor.u32 $0x4010, v3;
	v21 =	vor.u32 $0x4020, v3;
	v23 =	vor.u32 $0x4030, v3  }
0xe: {  	v25 =	vor.u32 $0x4040, v3;
	v27 =	vor.u32 $0x50, v3;
	v28 =	vor.u32 $0x4050, v3  }
0xf: {  	v30 =	vor.u32 $0x60, v3;
	v31 =	vor.u32 $0x4060, v3;
	v33 =	vor.u32 $0x70, v3  }
0x10: {  	v34 =	vor.u32 $0x4070, v3;
	v4 =	vsel vm8, $0x80, v4;
	v5 =	vsel vm8, $0x2080, v5  }
0x11: {  	v7 =	vsel vm8, $0x4080, v7;
	v8 =	vsel vm8, $0x6080, v8;
	v9 =	vsel vm8, $0x8080, v9  }
0x12: {  	v13 =	vsel vm8, $0xA080, v13;
	v14 =	vsel vm8, $0xC080, v14;
	v15 =	vsel vm8, $0xE080, v15  }
0x13: {  	v4 =	vsel vm9, $0x100, v4;
	v5 =	vsel vm9, $0x2100, v5;
	v7 =	vsel vm9, $0x4100, v7  }
0x14: {  	v8 =	vsel vm9, $0x6100, v8;
	v9 =	vsel vm9, $0x8100, v9;
	v13 =	vsel vm9, $0xA100, v13  }
0x15: {  	v14 =	vsel vm9, $0xC100, v14;
	v15 =	vsel vm9, $0xE100, v15;
	v16 =	vor.u32 $0x40, v32  }
0x16: {  	s0 =	srdreg.scid;
	s1 =	stileid.u32;
	v18 =	vor.u32 $0x840, v32;
	v20 =	vor.u32 $0x1040, v32;
	v22 =	vor.u32 $0x1840, v32  }
0x17: {  	s0 =	sand.u32 $0x1, s0;
	s1 =	sshll.u32 s1, $0x1;
	v24 =	vor.u32 $0x2040, v32;
	v26 =	vor.u32 $0x2840, v32;
	v29 =	vor.u32 $0x3040, v32  }
0x18: {  	s1 =	sor.u32 s0, s1;
	v32 =	vor.u32 $0x3840, v32;
	v4 =	vsel vm10, $0x180, v4;
	v5 =	vsel vm10, $0x2180, v5  }
0x19: {  	s1 =	smul.u32 $0x7A80, s1;
	v7 =	vsel vm10, $0x4180, v7;
	v8 =	vsel vm10, $0x6180, v8;
	v9 =	vsel vm10, $0x8180, v9  }
0x1a: {  	v13 =	vsel vm10, $0xA180, v13;
	v14 =	vsel vm10, $0xC180, v14;
	v15 =	vsel vm10, $0xE180, v15  }
0x1b: {  	v0 =	vmov s1;
	v4 =	vsel vm11, $0x200, v4;
	v5 =	vsel vm11, $0x2200, v5  }
0x1c: {  	v7 =	vsel vm11, $0x4200, v7;
	v8 =	vsel vm11, $0x6200, v8;
	v9 =	vsel vm11, $0x8200, v9  }
0x1d: {  	v13 =	vsel vm11, $0xA200, v13;
	v14 =	vsel vm11, $0xC200, v14;
	v15 =	vsel vm11, $0xE200, v15  }
0x1e: {  	s2 =	smin.u32 s1, $0xEC7C1;
	v4 =	vsel vm12, $0x280, v4;
	v5 =	vsel vm12, $0x2280, v5;
	v7 =	vsel vm12, $0x4280, v7  }
0x1f: {  	s2 =	sadd.s32 $0x7A80, s2;
	v8 =	vsel vm12, $0x6280, v8;
	v9 =	vsel vm12, $0x8280, v9;
	v13 =	vsel vm12, $0xA280, v13  }
0x20: {  	v14 =	vsel vm12, $0xC280, v14;
	v15 =	vsel vm12, $0xE280, v15;
	v1 =	vmov s2  }
0x21: {  	v4 =	vsel vm13, $0x300, v4;
	v5 =	vsel vm13, $0x2300, v5;
	v7 =	vsel vm13, $0x4300, v7  }
0x22: {  	v8 =	vsel vm13, $0x6300, v8;
	v9 =	vsel vm13, $0x8300, v9;
	v13 =	vsel vm13, $0xA300, v13  }
0x23: {  	v14 =	vsel vm13, $0xC300, v14;
	v15 =	vsel vm13, $0xE300, v15;
	v4 =	vsel vm7, $0x380, v4  }
0x24: {  	v5 =	vsel vm7, $0x2380, v5;
	v7 =	vsel vm7, $0x4380, v7;
	v8 =	vsel vm7, $0x6380, v8  }
0x25: {  	v9 =	vsel vm7, $0x8380, v9;
	v13 =	vsel vm7, $0xA380, v13;
	v14 =	vsel vm7, $0xC380, v14  }
0x26: {  	v15 =	vsel vm7, $0xE380, v15;
	v4 =	vsel vm6, $0x1000, v4;
	v5 =	vsel vm6, $0x3000, v5  }
0x27: {  	v7 =	vsel vm6, $0x5000, v7;
	v8 =	vsel vm6, $0x7000, v8;
	v9 =	vsel vm6, $0x9000, v9  }
0x28: {  	v13 =	vsel vm6, $0xB000, v13;
	v14 =	vsel vm6, $0xD000, v14;
	v15 =	vsel vm6, $0xF000, v15  }
0x29: {  	v4 =	vsel vm5, $0x1080, v4;
	v5 =	vsel vm5, $0x3080, v5;
	v7 =	vsel vm5, $0x5080, v7  }
0x2a: {  	v8 =	vsel vm5, $0x7080, v8;
	v9 =	vsel vm5, $0x9080, v9;
	v13 =	vsel vm5, $0xB080, v13  }
0x2b: {  	v14 =	vsel vm5, $0xD080, v14;
	v15 =	vsel vm5, $0xF080, v15;
	v4 =	vsel vm4, $0x1100, v4  }
0x2c: {  	v5 =	vsel vm4, $0x3100, v5;
	v7 =	vsel vm4, $0x5100, v7;
	v8 =	vsel vm4, $0x7100, v8  }
0x2d: {  	v9 =	vsel vm4, $0x9100, v9;
	v13 =	vsel vm4, $0xB100, v13;
	v14 =	vsel vm4, $0xD100, v14  }
0x2e: {  	s5 =	rddreg [dreg:$0x0];
	v15 =	vsel vm4, $0xF100, v15;
	v4 =	vsel vm3, $0x1180, v4;
	v5 =	vsel vm3, $0x3180, v5  }
0x2f: {  	s4 =	rddreg [dreg:$0x1];
	v7 =	vsel vm3, $0x5180, v7;
	v8 =	vsel vm3, $0x7180, v8;
	v11 =	vsel vm3, $0x9180, v9  }
0x30: {  	s3 =	rddreg [dreg:$0x2];
	s6 =	simm.s32 $0x0;
	v13 =	vsel vm3, $0xB180, v13;
	v14 =	vsel vm3, $0xD180, v14;
	v15 =	vsel vm3, $0xF180, v15  }
0x31: {  	s12 =	simm.s32 $0x4;
	s18 =	simm.s32 $0x12000;
	s19 =	simm.s32 $0x16080;
	v4 =	vsel vm2, $0x1200, v4;
	v5 =	vsel vm2, $0x3200, v5;
	v7 =	vsel vm2, $0x5200, v7  }
0x32: {  	s20 =	simm.s32 $0x1;
	s21 =	simm.s32 $0x1A100;
	s22 =	simm.s32 $0x1A980;
	v8 =	vsel vm2, $0x7200, v8;
	v11 =	vsel vm2, $0x9200, v11;
	v13 =	vsel vm2, $0xB200, v13  }
0x33: {  	s23 =	simm.s32 $0x1B200;
	s24 =	simm.s32 $0x2;
	s15 =	simm.s32 $0x7A1400;
	v14 =	vsel vm2, $0xD200, v14;
	v15 =	vsel vm2, $0xF200, v15;
	v4 =	vsel vm1, $0x1280, v4  }
0x34: {  	[smem:$0x7FF] =	sst s6;
	s31 =	sadd.s32 $0x400, s5;
	s0 =	ssub.s32 $0x2, s0;
	v5 =	vsel vm1, $0x3280, v5;
	v7 =	vsel vm1, $0x5280, v7;
	v10 =	vsel vm1, $0x7280, v8  }
.Ltmp0:
0x35: {  	_ =	strace $0x80000047;
	s29 =	sshrl.u32 s0, $0x1;
	v8 =	vor.u32 $0x20, v3;
	v12 =	vsel vm1, $0x9280, v11;
	v11 =	vor.u32 $0x40, v3;
	(pc) =	sbr.rel .LBB2_1-.Ltmp0, $4  }
0x36: {  	[dreg:$0x6] =	wrdreg s31;
	s0 =	ssub.s32 s0, s29;
	s8 =	sadd.s32 s4, s1;
	v13 =	vsel vm1, $0xB280, v13;
	v14 =	vsel vm1, $0xD280, v14;
	v15 =	vsel vm1, $0xF280, v15  }
0x37: {  	s7 =	sadd.s32 $0x400, s3;
	s0 =	smax.u32 s0, $0x1;
	[dreg:$0x4] =	wrdreg s8;
	v4 =	vsel vm0, $0x1300, v4;
	v5 =	vsel vm0, $0x3300, v5;
	v7 =	vsel vm0, $0x5300, v7  }
0x38: {  	s5 =	simm.s32 $0x0;
	s30 =	sadd.s32 $0x200, s8;
	[dreg:$0x7] =	wrdreg s0;
	v9 =	vsel vm0, $0x7300, v10;
	v10 =	vor.u32 $0x30, v3;
	v12 =	vsel vm0, $0x9300, v12  }
0x39: {  	s10 =	sadd.s32 $0x400, s1;
	s11 =	sadd.s32 $0x600, s1;
	[dreg:$0x5] =	wrdreg s30;
	v13 =	vsel vm0, $0xB300, v13;
	v14 =	vsel vm0, $0xD300, v14;
	v15 =	vsel vm0, $0xF300, v15  }
.LBB2_36:
0x3a: {  	s0 =	sshra.s32 s31, $0x1F  }
0x3b: {  	s0 =	sshrl.u32 s0, $0x19  }
0x3c: {  	s0 =	sadd.s32 s0, s31  }
0x3d: {  	s0 =	sand.u32 $0xFFFFFF80, s0  }
0x3e: {  	s0 =	ssub.s32 s31, s0  }
0x3f: {  	p0 =	seq.s32 s0, $0x0  }
0x40: {  	v35 =	vld.idx.msk @!p0 [tilespmem:v16+s23+$0x0], $0xffff;
	_ =	sdelay $0x2  }
0x41: {  	v36 =	vmov @!p0 s0  }
0x42: {  	vm0 =	vgt.s32 @!p0 v36, v3  }
0x43: {  	s0 =	simm.s32 @!p0 $0x1F200;
	v35 =	vsel @!p0 vm0, v35, v17  }
0x44: {  	[tilespmem:v3+s0+$0x0] =	vst.idx.msk @!p0 $0xffff, v35  }
0x45: {  	v35 =	vld.idx.msk @!p0 [tilespmem:v18+s23+$0x0], $0xffff;
	_ =	sdelay $0x3  }
0x46: {  	vm0 =	vgt.s32 @!p0 v36, v6  }
0x47: {  	v35 =	vsel @!p0 vm0, v35, v19  }
0x48: {  	[tilespmem:v6+s0+$0x0] =	vst.idx.msk @!p0 $0xffff, v35  }
0x49: {  	v35 =	vld.idx.msk @!p0 [tilespmem:v20+s23+$0x0], $0xffff;
	_ =	sdelay $0x3  }
0x4a: {  	vm0 =	vgt.s32 @!p0 v36, v8  }
0x4b: {  	v35 =	vsel @!p0 vm0, v35, v21  }
0x4c: {  	[tilespmem:v8+s0+$0x0] =	vst.idx.msk @!p0 $0xffff, v35  }
0x4d: {  	v35 =	vld.idx.msk @!p0 [tilespmem:v22+s23+$0x0], $0xffff;
	_ =	sdelay $0x3  }
0x4e: {  	vm0 =	vgt.s32 @!p0 v36, v10  }
0x4f: {  	v35 =	vsel @!p0 vm0, v35, v23  }
0x50: {  	[tilespmem:v10+s0+$0x0] =	vst.idx.msk @!p0 $0xffff, v35  }
0x51: {  	v35 =	vld.idx.msk @!p0 [tilespmem:v24+s23+$0x0], $0xffff;
	_ =	sdelay $0x3  }
0x52: {  	vm0 =	vgt.s32 @!p0 v36, v11  }
0x53: {  	v35 =	vsel @!p0 vm0, v35, v25  }
0x54: {  	[tilespmem:v11+s0+$0x0] =	vst.idx.msk @!p0 $0xffff, v35  }
0x55: {  	v35 =	vld.idx.msk @!p0 [tilespmem:v26+s23+$0x0], $0xffff;
	_ =	sdelay $0x3  }
0x56: {  	vm0 =	vgt.s32 @!p0 v36, v27  }
0x57: {  	v35 =	vsel @!p0 vm0, v35, v28  }
0x58: {  	[tilespmem:v27+s0+$0x0] =	vst.idx.msk @!p0 $0xffff, v35  }
0x59: {  	v35 =	vld.idx.msk @!p0 [tilespmem:v29+s23+$0x0], $0xffff;
	_ =	sdelay $0x3  }
0x5a: {  	vm0 =	vgt.s32 @!p0 v36, v30  }
0x5b: {  	v35 =	vsel @!p0 vm0, v35, v31  }
0x5c: {  	[tilespmem:v30+s0+$0x0] =	vst.idx.msk @!p0 $0xffff, v35  }
0x5d: {  	v35 =	vld.idx.msk @!p0 [tilespmem:v32+s23+$0x0], $0xffff;
	_ =	sdelay $0x3  }
0x5e: {  	vm0 =	vgt.s32 @!p0 v36, v33  }
0x5f: {  	v35 =	vsel @!p0 vm0, v35, v34  }
0x60: {  	s3 =	simm.s32 @!p0 $0x80;
	[tilespmem:v33+s0+$0x0] =	vst.idx.msk @!p0 $0xffff, v35  }
0x61: {  	[hbm4b:s7+s3] =	stream.indirect.scatter @!p0 [tilespmem:s23], [sflag:$0x3], $0x80, s0, s3, $0xb8;
	[tilespmem:$0x1F280] =	vst v63  }
0x62: {  	s0 =	simm.s32 @!p0 $0x3  }
0x63: {  	s5 =	rddreg [dreg:$0x8];
	_ =	swait.ge @!p0 [sflag:s0], $0x4000  }
0x64: {  	s5 =	sadd.s32 $0x1, s5;
	[sflag:s0] =	ssyncset.done @!p0 $0x0;
	s31 =	rddreg [dreg:$0x7]  }
0x65: {  	[sflag:s0] =	ssyncadd.s32 @!p0 $0xFFFFC000;
	p0 =	sne.s32 s5, s31  }
.Ltmp1:
0x66: {  	_ = 	snop;
	(pc) =	sbr.rel @!p0 .LBB2_37-.Ltmp1, $2  }
0x67: {  	_ =	sdelay $0x2  }
0x68: {  	s12 =	simm.s32 $0x4  }
.LBB2_1:
0x69: {  	[dreg:$0x8] =	wrdreg s5  }
0x6a: {  	s0 =	rddreg [dreg:$0x4];
	s3 =	simm.s32 $0x1000;
	s28 =	simm.s32 $0x7A1400  }
0x6b: {  	[tilespmem:s6], [sflag:$0x1] =	stream.strided.gather [hbm4b:s0+s3], $0x8000, s28, s3, $0x38;
	[tilespmem:$0x1F280] =	vst v63  }
0x6c: {  	s29 =	rddreg [dreg:$0x5];
	s8 =	simm.s32 $0x8000  }
0x6d: {  	[tilespmem:s8], [sflag:$0x2] =	stream.strided.gather [hbm4b:s29+s3], $0x8000, s28, s3, $0x38;
	[tilespmem:$0x1F280] =	vst v63  }
0x6e: {  	s30 =	simm.s32 $0x10000;
	s31 =	rddreg [dreg:$0x0]  }
0x6f: {  	[tilespmem:s30], [sflag:$0x4] =	stream.linear.gather [hbm4b:s31+s6], $0x2000, $0x38;
	[tilespmem:$0x1F280] =	vst v63  }
0x70: {  	_ =	swait.ge [sflag:s12], $0x2000  }
0x71: {  	[sflag:s12] =	ssyncset.done $0x0  }
0x72: {  	[sflag:s12] =	ssyncadd.s32 $0xFFFFE000  }
0x73: {  	v35 =	vld [tilespmem:s30+$0x0];
	_ =	sdelay $0x4  }
0x74: {  	vm0 =	vge.s32 v35, v0;
	vm1 =	vlt.s32 v35, v1  }
0x75: {  	vm0 =	vmand vm0, vm1  }
0x76: {  	v36 =	vmpcnt.ones.xlane vm0  }
0x77: {  	v37 =	vsel vm0, $0x1, v2  }
0x78: {  	(xrf0) =	vadd.scan.msk.s32 $0xffff, v37;
	(v2sf) =	vpush v36, $0x0;
	_ =	sdelay $0x4  }
0x79: {  	v62 =	vsel vm0, $0xFFFFFFFF, v2  }
0x7a: {  	v36 =	vadd.s32 s6, v62;
	v37, _, _ =	vpop (xrf0)  }
0x7b: {  	v36 =	vadd.s32 v37, v36;
	_ =	sdelay $0x4  }
0x7c: {  	v63 =	vor.u32 s6, v3;
	[tilespmem:v36+s18+$0x0] =	vst.idx.msk vm0, v35  }
0x7d: {  	s5 =	simm.s32 $0x10010;
	[tilespmem:v36+s19+$0x0] =	vst.idx.msk vm0, v63  }
0x7e: {  	s0 =	simm.s32 $0x10;
	v35 =	vld [tilespmem:s5+$0x0]  }
0x7f: {  	s8 =	simm.s32 $0x20;
	s3 =	simm.s32 $0x0;
	s9 =	spop (v2sf)  }
.LBB2_2:
0x80: {  	p0 =	sne.s32 s8, $0x1FF0  }
0x81: {  	s3 =	sadd.s32 s3, s9;
	s9 =	smov.u32 s8;
	s8 =	sadd.s32 $0x10, s8  }
0x82: {  	_ = 	snop  }
0x83: {  	vm0 =	vge.s32 v35, v0;
	vm1 =	vlt.s32 v35, v1  }
0x84: {  	vm0 =	vmand vm0, vm1  }
0x85: {  	v36 =	vsel vm0, $0xFFFFFFFF, v2;
	v37 =	vsel vm0, $0x1, v2;
	v38 =	vmpcnt.ones.xlane vm0  }
0x86: {  	(xrf0) =	vadd.scan.msk.s32 $0xffff, v37  }
0x87: {  	(v2sf) =	vpush v38, $0x0;
	_ =	sdelay $0x4  }
0x88: {  	v36 =	vadd.s32 s3, v36;
	v37, _, _ =	vpop (xrf0)  }
0x89: {  	v36 =	vadd.s32 v37, v36;
	_ =	sdelay $0x4  }
.Ltmp2:
0x8a: {  	[tilespmem:v36+s18+$0x0] =	vst.idx.msk vm0, v35;
	v35 =	vor.u32 s0, v3;
	s0 =	smov.u32 s9;
	(pc) =	sbr.rel @p0 .LBB2_2-.Ltmp2, $3  }
0x8b: {  	s5 =	sadd.s32 $0x10, s5;
	[tilespmem:v36+s19+$0x0] =	vst.idx.msk vm0, v35  }
0x8c: {  	v35 =	vld [tilespmem:s5+$0x0];
	_ =	sdelay $0x1  }
0x8d: {  	s9 =	spop (v2sf)  }
0x8e: {  	_ =	sdelay $0x1  }
0x8f: {  	vm0 =	vge.s32 v35, v0;
	vm1 =	vlt.s32 v35, v1  }
0x90: {  	vm0 =	vmand vm0, vm1  }
0x91: {  	v36 =	vmpcnt.ones.xlane vm0  }
0x92: {  	v56 =	vsel vm0, $0x1, v2  }
0x93: {  	(xrf0) =	vadd.scan.msk.s32 $0xffff, v56;
	(v2sf) =	vpush v36, $0x0;
	_ =	sdelay $0x4  }
0x94: {  	s3 =	sadd.s32 s3, s9;
	v57 =	vsel vm0, $0xFFFFFFFF, v2  }
0x95: {  	v36 =	vadd.s32 s3, v57;
	v37, _, _ =	vpop (xrf0)  }
0x96: {  	v36 =	vadd.s32 v37, v36;
	_ =	sdelay $0x4  }
0x97: {  	v58 =	vor.u32 s0, v3;
	[tilespmem:v36+s18+$0x0] =	vst.idx.msk vm0, v35  }
0x98: {  	s5 =	simm.s32 $0x10000;
	s8 =	rddreg [dreg:$0x6];
	[tilespmem:v36+s19+$0x0] =	vst.idx.msk vm0, v58  }
0x99: {  	[tilespmem:s5], [sflag:$0x4] =	stream.linear.gather [hbm4b:s8+s6], $0x2000, $0x38;
	[tilespmem:$0x1F280] =	vst v63  }
0x9a: {  	s30 =	spop (v2sf)  }
0x9b: {  	_ =	swait.ge [sflag:s12], $0x2000  }
0x9c: {  	[sflag:s12] =	ssyncset.done $0x0  }
0x9d: {  	[sflag:s12] =	ssyncadd.s32 $0xFFFFE000  }
0x9e: {  	v59 =	vld [tilespmem:s5+$0x0];
	_ =	sdelay $0x4  }
0x9f: {  	vm14 =	vge.s32 v59, v0;
	vm15 =	vlt.s32 v59, v1  }
0xa0: {  	vm0 =	vmand vm14, vm15  }
0xa1: {  	v60 =	vmpcnt.ones.xlane vm0  }
0xa2: {  	v61 =	vsel vm0, $0x1, v2  }
0xa3: {  	(xrf0) =	vadd.scan.msk.s32 $0xffff, v61;
	(v2sf) =	vpush v60, $0x0;
	_ =	sdelay $0x4  }
0xa4: {  	s3 =	sadd.s32 s3, s30;
	v62 =	vsel vm0, $0xFFFFFFFF, v2  }
0xa5: {  	v36 =	vadd.s32 s3, v62;
	v37, _, _ =	vpop (xrf0)  }
0xa6: {  	v36 =	vadd.s32 v37, v36;
	_ =	sdelay $0x3  }
0xa7: {  	s31 =	simm.s32 $0x2000  }
0xa8: {  	v63 =	vor.u32 s31, v3;
	[tilespmem:v36+s18+$0x0] =	vst.idx.msk vm0, v59  }
0xa9: {  	s5 =	simm.s32 $0x10010;
	[tilespmem:v36+s19+$0x0] =	vst.idx.msk vm0, v63  }
0xaa: {  	v35 =	vld [tilespmem:s5+$0x0]  }
0xab: {  	s0 =	simm.s32 $0x2010;
	s8 =	simm.s32 $0x2020;
	s9 =	spop (v2sf)  }
.LBB2_4:
0xac: {  	p0 =	sne.s32 s8, $0x3FF0  }
0xad: {  	s3 =	sadd.s32 s3, s9;
	s9 =	smov.u32 s8;
	s8 =	sadd.s32 $0x10, s8  }
0xae: {  	_ = 	snop  }
0xaf: {  	vm0 =	vge.s32 v35, v0;
	vm1 =	vlt.s32 v35, v1  }
0xb0: {  	vm0 =	vmand vm0, vm1  }
0xb1: {  	v36 =	vsel vm0, $0xFFFFFFFF, v2;
	v37 =	vsel vm0, $0x1, v2;
	v38 =	vmpcnt.ones.xlane vm0  }
0xb2: {  	(xrf0) =	vadd.scan.msk.s32 $0xffff, v37  }
0xb3: {  	(v2sf) =	vpush v38, $0x0;
	_ =	sdelay $0x4  }
0xb4: {  	v36 =	vadd.s32 s3, v36;
	v37, _, _ =	vpop (xrf0)  }
0xb5: {  	v36 =	vadd.s32 v37, v36;
	_ =	sdelay $0x4  }
.Ltmp3:
0xb6: {  	[tilespmem:v36+s18+$0x0] =	vst.idx.msk vm0, v35;
	v35 =	vor.u32 s0, v3;
	s0 =	smov.u32 s9;
	(pc) =	sbr.rel @p0 .LBB2_4-.Ltmp3, $3  }
0xb7: {  	s5 =	sadd.s32 $0x10, s5;
	[tilespmem:v36+s19+$0x0] =	vst.idx.msk vm0, v35  }
0xb8: {  	v35 =	vld [tilespmem:s5+$0x0];
	_ =	sdelay $0x1  }
0xb9: {  	s9 =	spop (v2sf)  }
0xba: {  	_ =	sdelay $0x1  }
0xbb: {  	vm0 =	vge.s32 v35, v0;
	vm1 =	vlt.s32 v35, v1  }
0xbc: {  	vm0 =	vmand vm0, vm1  }
0xbd: {  	v36 =	vmpcnt.ones.xlane vm0;
	_ =	sdelay $0x1  }
0xbe: {  	(v2sf) =	vpush v36, $0x0;
	_ =	sdelay $0x9  }
0xbf: {  	v61 =	vsel vm0, $0x1, v2  }
0xc0: {  	(xrf0) =	vadd.scan.msk.s32 $0xffff, v61;
	_ =	sdelay $0x3  }
0xc1: {  	s3 =	sadd.s32 s3, s9;
	s5 =	spop (v2sf)  }
0xc2: {  	v62 =	vsel vm0, $0xFFFFFFFF, v2;
	s30 =	sadd.s32 s3, s5  }
0xc3: {  	v36 =	vadd.s32 s3, v62;
	v37, _, _ =	vpop (xrf0);
	s26 =	sadd.s32 $0x7FF, s30  }
0xc4: {  	v36 =	vadd.s32 v37, v36;
	s28 =	sand.u32 $0x7FF, s26  }
0xc5: {  	s29 =	sshra.s32 s26, $0x1F;
	p1 =	slt.s32 s26, $0x1;
	p0 =	sne.s32 s28, $0x0  }
0xc6: {  	s5 =	sshrl.u32 s29, $0x15;
	p0 =	por !p1, !p0  }
0xc7: {  	s3 =	sadd.s32 s5, s26;
	s5 =	simm.s32 $0x1;
	p0 =	por !p0, !p0  }
0xc8: {  	s3 =	sshra.s32 s3, $0xB;
	s5 =	simm.s32 @!p0 $0x0  }
0xc9: {  	v63 =	vor.u32 s0, v3;
	[tilespmem:v36+s18+$0x0] =	vst.idx.msk vm0, v35;
	s5 =	ssub.s32 s3, s5  }
0xca: {  	s31 =	simm.s32 $0x0;
	s0 =	simm.s32 $0x0;
	[tilespmem:v36+s19+$0x0] =	vst.idx.msk vm0, v63;
	v35 =	vmov s30;
	p0 =	slt.s32 s5, $0x1  }
.LBB2_6:
.Ltmp4:
0xcb: {  	(pc) =	sbr.rel @p0 .LBB2_16-.Ltmp4, $4  }
0xcc: {  	_ = 	snop  }
0xcd: {  	_ =	swait.ge [sflag:s20], $0x8000  }
0xce: {  	[sflag:s20] =	ssyncset.done $0x0  }
0xcf: {  	s26 =	sshll.u32 s0, $0xA;
	[sflag:s20] =	ssyncadd.s32 $0xFFFF8000  }
.Ltmp5:
0xd0: {  	(pc) =	sbr.rel .LBB2_8-.Ltmp5, $4  }
0xd1: {  	s8 =	sadd.s32 s1, s26  }
0xd2: {  	s9 =	sadd.s32 $0x200, s8  }
0xd3: {  	s28 =	simm.s32 $0x0;
	s9 =	smin.u32 s9, s2  }
0xd4: {  	s12 =	simm.s32 $0x0;
	s3 =	smin.u32 s8, $0xF4080;
	v36 =	vmov s8;
	v37 =	vmov s9;
	s9 =	simm.s32 $0x0  }
.LBB2_14:
0xd5: {  	[sflag:s16] =	ssyncadd.s32 @!p2 $0xFFFFC000;
	s31 =	sadd.s32 $0x1, s31  }
.LBB2_15:
0xd6: {  	s12 =	sadd.s32 $0x1, s12  }
0xd7: {  	p1 =	sne.s32 s12, s5  }
.Ltmp6:
0xd8: {  	_ = 	snop;
	(pc) =	sbr.rel @!p1 .LBB2_16-.Ltmp6, $2  }
0xd9: {  	_ =	sdelay $0x2  }
0xda: {  	s9 =	sadd.s32 $0x800, s9  }
.LBB2_8:
0xdb: {  	s8 =	sshll.u32 s12, $0xB  }
0xdc: {  	s8 =	ssub.s32 s30, s8  }
0xdd: {  	p1 =	slt.s32 s8, $0x800  }
0xde: {  	p2 =	slt.s32 s8, $0xFFFFFFF2;
	s8 =	simm.s32 @!p1 $0x800  }
0xdf: {  	s8 =	sadd.s32 $0xF, s8  }
0xe0: {  	s14 =	sand.u32 $0xF, s8  }
0xe1: {  	s29 =	sshra.s32 s8, $0x1F;
	p6 =	sne.s32 s14, $0x0  }
0xe2: {  	s14 =	sshrl.u32 s29, $0x1C;
	p1 =	por !p2, !p6  }
0xe3: {  	s8 =	sadd.s32 s14, s8;
	s14 =	simm.s32 $0x1;
	p1 =	por !p1, !p1  }
0xe4: {  	s8 =	sshra.s32 s8, $0x4;
	s14 =	simm.s32 @!p1 $0x0  }
0xe5: {  	s14 =	ssub.s32 s8, s14  }
0xe6: {  	p1 =	sgt.s32 s14, $0x0  }
.Ltmp7:
0xe7: {  	_ = 	snop;
	(pc) =	sbr.rel @!p1 .LBB2_15-.Ltmp7, $1  }
0xe8: {  	_ =	sdelay $0x3  }
0xe9: {  	p2 =	seq.s32 s14, $0x1  }
.Ltmp8:
0xea: {  	_ = 	snop;
	(pc) =	sbr.rel @p2 .LBB2_10-.Ltmp8, $4  }
0xeb: {  	s16 =	sadd.s32 s28, s9  }
0xec: {  	s17 =	sand.u32 $0x70, s28;
	s8 =	sand.u32 $0xFFFFFF80, s16  }
0xed: {  	s8 =	sor.u32 s17, s8  }
0xee: {  	s14 =	sadd.s32 $0xFFFFFFFF, s14;
	p1 =	por $0x0, $0x0;
	v39 =	vor.u32 s16, v3;
	v38 =	vld [tilespmem:s8+$0x12000]  }
0xef: {  	_ =	sdelay $0x3  }
0xf0: {  	vm0 =	vlt.s32 v39, v35;
	vm1 =	vlt.s32 v38, v37  }
0xf1: {  	vm2 =	vge.s32 v38, v36;
	vm0 =	vmand vm1, vm0  }
0xf2: {  	vm0 =	vmand vm0, vm2  }
0xf3: {  	v61 =	vmpcnt.ones.xlane vm0;
	v40 =	vsel vm0, $0x1, v2  }
0xf4: {  	(xrf0) =	vadd.scan.msk.s32 $0xffff, v40  }
0xf5: {  	(v2sf) =	vpush v61, $0x0;
	_ =	sdelay $0x3  }
0xf6: {  	v62 =	vsel vm0, $0xFFFFFFFF, v2  }
0xf7: {  	v39 =	vadd.s32 s28, v62;
	v40, _, _ =	vpop (xrf0)  }
0xf8: {  	v39 =	vadd.s32 v40, v39  }
0xf9: {  	v63 =	vld [tilespmem:s8+$0x16080];
	_ =	sdelay $0x1  }
0xfa: {  	s17 =	sadd.s32 $0x10, s28  }
0xfb: {  	p2 =	seq.s32 s14, $0x1;
	s16 =	sadd.s32 s17, s9  }
.Ltmp9:
0xfc: {  	s29 =	sand.u32 $0x70, s17;
	s13 =	sand.u32 $0xFFFFFF80, s16;
	[tilespmem:v39+s21+$0x0] =	vst.idx.msk vm0, v38;
	(pc) =	sbr.rel @p2 .LBB2_22-.Ltmp9, $4  }
0xfd: {  	s8 =	sor.u32 s29, s13;
	[tilespmem:v39+s22+$0x0] =	vst.idx.msk vm0, v63  }
0xfe: {  	v38 =	vld [tilespmem:s8+$0x12000]  }
0xff: {  	s25 =	sadd.s32 $0xFFFFFFFF, s14  }
0x100: {  	p1 =	por $0x1, $0x1;
	s14 =	simm.s32 $0x0;
	v39 =	vor.u32 s16, v3;
	s29 =	spop (v2sf)  }
.LBB2_23:
0x101: {  	p2 =	seq.s32 s25, $0x1;
	s25 =	sadd.s32 $0xFFFFFFFF, s25;
	s14 =	sadd.s32 s14, s29  }
0x102: {  	_ = 	snop  }
0x103: {  	vm0 =	vlt.s32 v39, v35;
	vm1 =	vlt.s32 v38, v37  }
0x104: {  	vm2 =	vge.s32 v38, v36;
	vm0 =	vmand vm1, vm0  }
0x105: {  	vm0 =	vmand vm0, vm2  }
0x106: {  	v39 =	vsel vm0, $0xFFFFFFFF, v2;
	v40 =	vsel vm0, $0x1, v2;
	v41 =	vmpcnt.ones.xlane vm0  }
0x107: {  	(xrf0) =	vadd.scan.msk.s32 $0xffff, v40  }
0x108: {  	(v2sf) =	vpush v41, $0x0;
	_ =	sdelay $0x4  }
0x109: {  	v39 =	vadd.s32 s14, v39;
	v40, _, _ =	vpop (xrf0)  }
0x10a: {  	v40 =	vadd.s32 v40, v39  }
0x10b: {  	v41 =	vld [tilespmem:s8+$0x16080];
	_ =	sdelay $0x1  }
0x10c: {  	s17 =	sadd.s32 $0x10, s17  }
0x10d: {  	s8 =	sadd.s32 s17, s9  }
.Ltmp10:
0x10e: {  	s29 =	sand.u32 $0x70, s17;
	s16 =	sand.u32 $0xFFFFFF80, s8;
	v39 =	vor.u32 s8, v3;
	[tilespmem:v40+s21+$0x0] =	vst.idx.msk vm0, v38;
	(pc) =	sbr.rel @!p2 .LBB2_23-.Ltmp10, $3  }
0x10f: {  	s8 =	sor.u32 s29, s16;
	[tilespmem:v40+s22+$0x0] =	vst.idx.msk vm0, v41  }
0x110: {  	v38 =	vld [tilespmem:s8+$0x12000];
	_ =	sdelay $0x1  }
0x111: {  	s29 =	spop (v2sf)  }
.LBB2_24:
0x112: {  	_ =	sdelay $0x1  }
0x113: {  	vm0 =	vlt.s32 v39, v35;
	vm1 =	vlt.s32 v38, v37  }
0x114: {  	vm2 =	vge.s32 v38, v36;
	vm0 =	vmand vm1, vm0  }
0x115: {  	vm0 =	vmand vm0, vm2  }
0x116: {  	v60 =	vmpcnt.ones.xlane vm0;
	_ =	sdelay $0x1  }
0x117: {  	(v2sf) =	vpush v60, $0x0;
	_ =	sdelay $0x1  }
0x118: {  	v61 =	vsel vm0, $0x1, v2  }
0x119: {  	(xrf0) =	vadd.scan.msk.s32 $0xffff, v61;
	_ =	sdelay $0x3  }
0x11a: {  	s14 =	sadd.s32 @p1 s14, s29;
	s16 =	simm.s32 $0x0  }
0x11b: {  	s16 =	smov.u32 @p1 s14;
	v62 =	vsel vm0, $0xFFFFFFFF, v2  }
0x11c: {  	v39 =	vadd.s32 s16, v62;
	v40, _, _ =	vpop (xrf0)  }
0x11d: {  	v39 =	vadd.s32 v40, v39  }
0x11e: {  	v63 =	vld [tilespmem:s8+$0x16080];
	_ =	sdelay $0x3  }
0x11f: {  	[tilespmem:v39+s21+$0x0] =	vst.idx.msk vm0, v38;
	s29 =	spop (v2sf)  }
0x120: {  	[tilespmem:v39+s22+$0x0] =	vst.idx.msk vm0, v63;
	s8 =	sadd.s32 s16, s29  }
0x121: {  	p1 =	slt.s32 s8, $0x1  }
.Ltmp11:
0x122: {  	_ = 	snop;
	(pc) =	sbr.rel @p1 .LBB2_15-.Ltmp11, $1  }
0x123: {  	_ =	sdelay $0x3  }
0x124: {  	s16 =	simm.s32 $0x1A100  }
0x125: {  	v38 =	vld [tilespmem:s16+$0x0];
	_ =	sdelay $0x4  }
0x126: {  	(v2sf) =	vpush v38, $0x0;
	_ =	sdelay $0xe  }
0x127: {  	s25 =	spop (v2sf)  }
0x128: {  	s16 =	ssub.s32 s25, s3  }
0x129: {  	v59 =	vmov s16  }
0x12a: {  	v39 =	vshll.u32 v59, $0x3  }
0x12b: {  	v38 =	vand.u32 $0x7F, v59;
	v39 =	vand.u32 $0xFFFFFC00, v39  }
0x12c: {  	s29 =	sshra.s32 s31, $0x1F;
	v38 =	vor.u32 v38, v39  }
0x12d: {  	s16 =	sshrl.u32 s29, $0x19;
	v39 =	vadd.s32 v4, v38  }
0x12e: {  	s16 =	sadd.s32 s16, s31  }
0x12f: {  	s16 =	sand.u32 $0xFFFFFF80, s16  }
0x130: {  	s16 =	ssub.s32 s31, s16  }
0x131: {  	s17 =	sshll.u32 s16, $0x7  }
0x132: {  	v40 =	vor.u32 s17, v3;
	v39 =	vld.idx.msk [tilespmem:v39+s6+$0x0], $0xffff  }
0x133: {  	v41 =	vadd.s32 v5, v38;
	_ =	sdelay $0x2  }
0x134: {  	s14 =	simm.s32 $0x1A980  }
0x135: {  	v42 =	vld.msk [tilespmem:s14+$0x0 ss:$0x0], $0xffff;
	[tilespmem:v40+s23+$0x0] =	vst.idx.msk $0xffff, v39  }
0x136: {  	v60 =	vor.u32 s17, v6;
	v39 =	vld.idx.msk [tilespmem:v41+s6+$0x0], $0xffff  }
0x137: {  	v61 =	vadd.s32 v7, v38;
	_ =	sdelay $0x3  }
0x138: {  	[tilespmem:v60+s23+$0x0] =	vst.idx.msk $0xffff, v39  }
0x139: {  	v62 =	vor.u32 s17, v8;
	v39 =	vld.idx.msk [tilespmem:v61+s6+$0x0], $0xffff  }
0x13a: {  	v38 =	vadd.s32 v9, v38;
	_ =	sdelay $0x2  }
0x13b: {  	p2 =	sne.s32 s16, $0x7F  }
0x13c: {  	[tilespmem:v62+s23+$0x0] =	vst.idx.msk $0xffff, v39;
	v39 =	vlaneseq.u32 @!p2  }
0x13d: {  	v63 =	vor.u32 s17, v10;
	v38 =	vld.idx.msk [tilespmem:v38+s6+$0x0], $0xffff;
	v41 =	vmul.u32 @!p2 $0x80, v39  }
0x13e: {  	v43 =	vor.u32 s17, v11  }
0x13f: {  	v44 =	vor.u32 @!p2 $0x40, v41;
	_ =	sdelay $0x2  }
0x140: {  	[tilespmem:v63+s23+$0x0] =	vst.idx.msk $0xffff, v38  }
0x141: {  	s17 =	simm.s32 @!p2 $0x1B200;
	[tilespmem:v43+s23+$0x0] =	vst.idx.msk $0xffff, v42  }
0x142: {  	v38 =	vld.idx.msk @!p2 [tilespmem:v44+s17+$0x0], $0xffff  }
0x143: {  	v40 =	vor.u32 @!p2 $0x840, v41;
	_ =	sdelay $0x2  }
0x144: {  	s25 =	simm.s32 @!p2 $0x1F200  }
0x145: {  	[tilespmem:v39+s25+$0x0] =	vst.idx.msk @!p2 $0xffff, v38  }
0x146: {  	v38 =	vor.u32 @!p2 $0x10, v39;
	v40 =	vld.idx.msk @!p2 [tilespmem:v40+s17+$0x0], $0xffff  }
0x147: {  	v42 =	vor.u32 @!p2 $0x1040, v41;
	_ =	sdelay $0x3  }
0x148: {  	[tilespmem:v38+s25+$0x0] =	vst.idx.msk @!p2 $0xffff, v40  }
0x149: {  	v38 =	vor.u32 @!p2 $0x20, v39;
	v40 =	vld.idx.msk @!p2 [tilespmem:v42+s17+$0x0], $0xffff  }
0x14a: {  	v42 =	vor.u32 @!p2 $0x1840, v41;
	_ =	sdelay $0x3  }
0x14b: {  	[tilespmem:v38+s25+$0x0] =	vst.idx.msk @!p2 $0xffff, v40  }
0x14c: {  	v38 =	vor.u32 @!p2 $0x30, v39;
	v40 =	vld.idx.msk @!p2 [tilespmem:v42+s17+$0x0], $0xffff  }
0x14d: {  	v42 =	vor.u32 @!p2 $0x2040, v41;
	_ =	sdelay $0x3  }
0x14e: {  	[tilespmem:v38+s25+$0x0] =	vst.idx.msk @!p2 $0xffff, v40  }
0x14f: {  	v38 =	vor.u32 @!p2 $0x40, v39;
	v40 =	vld.idx.msk @!p2 [tilespmem:v42+s17+$0x0], $0xffff  }
0x150: {  	v42 =	vor.u32 @!p2 $0x2840, v41;
	_ =	sdelay $0x3  }
0x151: {  	[tilespmem:v38+s25+$0x0] =	vst.idx.msk @!p2 $0xffff, v40  }
0x152: {  	v38 =	vor.u32 @!p2 $0x50, v39;
	v40 =	vld.idx.msk @!p2 [tilespmem:v42+s17+$0x0], $0xffff  }
0x153: {  	v42 =	vor.u32 @!p2 $0x3040, v41;
	_ =	sdelay $0x3  }
0x154: {  	[tilespmem:v38+s25+$0x0] =	vst.idx.msk @!p2 $0xffff, v40  }
0x155: {  	v38 =	vor.u32 @!p2 $0x60, v39;
	v40 =	vld.idx.msk @!p2 [tilespmem:v42+s17+$0x0], $0xffff  }
0x156: {  	v41 =	vor.u32 @!p2 $0x3840, v41;
	_ =	sdelay $0x3  }
0x157: {  	[tilespmem:v38+s25+$0x0] =	vst.idx.msk @!p2 $0xffff, v40  }
0x158: {  	v38 =	vor.u32 @!p2 $0x70, v39;
	v39 =	vld.idx.msk @!p2 [tilespmem:v41+s17+$0x0], $0xffff;
	_ =	sdelay $0x1  }
0x159: {  	s14 =	sadd.s32 $0xFFFFFFFF, s8  }
0x15a: {  	p1 =	sne.s32 s14, $0x0  }
.Ltmp12:
0x15b: {  	_ = 	snop;
	(pc) =	sbr.rel @!p1 .LBB2_14-.Ltmp12, $4  }
0x15c: {  	s8 =	simm.s32 @!p2 $0x80;
	s16 =	simm.s32 @!p2 $0x3;
	[tilespmem:v38+s25+$0x0] =	vst.idx.msk @!p2 $0xffff, v39  }
0x15d: {  	[hbm4b:s7+s8] =	stream.indirect.scatter @!p2 [tilespmem:s17], [sflag:$0x3], $0x80, s25, s8, $0xb8;
	[tilespmem:$0x1F280] =	vst v63  }
0x15e: {  	_ =	swait.ge @!p2 [sflag:s16], $0x4000  }
0x15f: {  	s8 =	simm.s32 $0x1A981;
	s25 =	simm.s32 $0x1A101;
	[sflag:s16] =	ssyncset.done @!p2 $0x0  }
.LBB2_13:
0x160: {  	s14 =	sadd.s32 $0xFFFFFFFF, s14;
	[sflag:s16] =	ssyncadd.s32 @!p2 $0xFFFFC000;
	s31 =	sadd.s32 $0x1, s31  }
0x161: {  	v38 =	vld [tilespmem:s25+$0x0];
	p1 =	sne.s32 s14, $0x0;
	_ =	sdelay $0x4  }
0x162: {  	(v2sf) =	vpush v38, $0x0;
	_ =	sdelay $0xe  }
0x163: {  	s16 =	spop (v2sf)  }
0x164: {  	s16 =	ssub.s32 s16, s3  }
0x165: {  	v38 =	vmov s16  }
0x166: {  	v39 =	vshll.u32 v38, $0x3  }
0x167: {  	v38 =	vand.u32 $0x7F, v38;
	v39 =	vand.u32 $0xFFFFFC00, v39  }
0x168: {  	v38 =	vor.u32 v38, v39  }
0x169: {  	s16 =	sshra.s32 s31, $0x1F;
	v39 =	vadd.s32 v4, v38  }
0x16a: {  	s16 =	sshrl.u32 s16, $0x19  }
0x16b: {  	s16 =	sadd.s32 s16, s31  }
0x16c: {  	s16 =	sand.u32 $0xFFFFFF80, s16  }
0x16d: {  	s16 =	ssub.s32 s31, s16  }
0x16e: {  	s17 =	sshll.u32 s16, $0x7;
	v39 =	vld.idx.msk [tilespmem:v39+s6+$0x0], $0xffff  }
0x16f: {  	v40 =	vor.u32 s17, v3  }
0x170: {  	v41 =	vadd.s32 v5, v38;
	_ =	sdelay $0x2  }
0x171: {  	v42 =	vld.msk [tilespmem:s8+$0x0 ss:$0x0], $0xffff  }
0x172: {  	[tilespmem:v40+s23+$0x0] =	vst.idx.msk $0xffff, v39  }
0x173: {  	v39 =	vld.idx.msk [tilespmem:v41+s6+$0x0], $0xffff  }
0x174: {  	v40 =	vor.u32 s17, v6  }
0x175: {  	v41 =	vadd.s32 v7, v38;
	_ =	sdelay $0x3  }
0x176: {  	[tilespmem:v40+s23+$0x0] =	vst.idx.msk $0xffff, v39  }
0x177: {  	v39 =	vld.idx.msk [tilespmem:v41+s6+$0x0], $0xffff  }
0x178: {  	v40 =	vor.u32 s17, v8  }
0x179: {  	v38 =	vadd.s32 v9, v38;
	_ =	sdelay $0x3  }
0x17a: {  	p2 =	sne.s32 s16, $0x7F;
	[tilespmem:v40+s23+$0x0] =	vst.idx.msk $0xffff, v39  }
0x17b: {  	v39 =	vlaneseq.u32 @!p2;
	v38 =	vld.idx.msk [tilespmem:v38+s6+$0x0], $0xffff  }
0x17c: {  	v40 =	vor.u32 s17, v10;
	v41 =	vmul.u32 @!p2 $0x80, v39;
	v43 =	vor.u32 @!p2 $0x20, v39  }
0x17d: {  	v44 =	vor.u32 s17, v11;
	v45 =	vor.u32 @!p2 $0x10, v39;
	v46 =	vor.u32 @!p2 $0x30, v39  }
0x17e: {  	v47 =	vor.u32 @!p2 $0x40, v41;
	v48 =	vor.u32 @!p2 $0x840, v41;
	v49 =	vor.u32 @!p2 $0x1040, v41  }
0x17f: {  	v50 =	vor.u32 @!p2 $0x1840, v41;
	v51 =	vor.u32 @!p2 $0x2040, v41;
	v52 =	vor.u32 @!p2 $0x2840, v41  }
0x180: {  	v53 =	vor.u32 @!p2 $0x40, v39;
	v54 =	vor.u32 @!p2 $0x50, v39;
	v55 =	vor.u32 @!p2 $0x3040, v41  }
0x181: {  	[tilespmem:v40+s23+$0x0] =	vst.idx.msk $0xffff, v38;
	v38 =	vor.u32 @!p2 $0x60, v39;
	v40 =	vor.u32 @!p2 $0x3840, v41;
	v41 =	vor.u32 @!p2 $0x70, v39  }
0x182: {  	s17 =	simm.s32 @!p2 $0x1B200;
	[tilespmem:v44+s23+$0x0] =	vst.idx.msk $0xffff, v42  }
0x183: {  	v42 =	vld.idx.msk @!p2 [tilespmem:v47+s17+$0x0], $0xffff;
	_ =	sdelay $0x4  }
0x184: {  	s29 =	simm.s32 @!p2 $0x1F200  }
0x185: {  	[tilespmem:v39+s29+$0x0] =	vst.idx.msk @!p2 $0xffff, v42  }
0x186: {  	v39 =	vld.idx.msk @!p2 [tilespmem:v48+s17+$0x0], $0xffff;
	_ =	sdelay $0x5  }
0x187: {  	[tilespmem:v45+s29+$0x0] =	vst.idx.msk @!p2 $0xffff, v39  }
0x188: {  	v39 =	vld.idx.msk @!p2 [tilespmem:v49+s17+$0x0], $0xffff;
	_ =	sdelay $0x5  }
0x189: {  	[tilespmem:v43+s29+$0x0] =	vst.idx.msk @!p2 $0xffff, v39  }
0x18a: {  	v39 =	vld.idx.msk @!p2 [tilespmem:v50+s17+$0x0], $0xffff;
	_ =	sdelay $0x5  }
0x18b: {  	[tilespmem:v46+s29+$0x0] =	vst.idx.msk @!p2 $0xffff, v39  }
0x18c: {  	v39 =	vld.idx.msk @!p2 [tilespmem:v51+s17+$0x0], $0xffff;
	_ =	sdelay $0x5  }
0x18d: {  	[tilespmem:v53+s29+$0x0] =	vst.idx.msk @!p2 $0xffff, v39  }
0x18e: {  	v39 =	vld.idx.msk @!p2 [tilespmem:v52+s17+$0x0], $0xffff;
	_ =	sdelay $0x5  }
0x18f: {  	[tilespmem:v54+s29+$0x0] =	vst.idx.msk @!p2 $0xffff, v39  }
0x190: {  	v39 =	vld.idx.msk @!p2 [tilespmem:v55+s17+$0x0], $0xffff;
	_ =	sdelay $0x5  }
0x191: {  	[tilespmem:v38+s29+$0x0] =	vst.idx.msk @!p2 $0xffff, v39  }
0x192: {  	v38 =	vld.idx.msk @!p2 [tilespmem:v40+s17+$0x0], $0xffff;
	_ =	sdelay $0x4  }
.Ltmp13:
0x193: {  	(pc) =	sbr.rel @p1 .LBB2_13-.Ltmp13, $4  }
0x194: {  	s13 =	simm.s32 @!p2 $0x80;
	s16 =	simm.s32 @!p2 $0x3;
	[tilespmem:v41+s29+$0x0] =	vst.idx.msk @!p2 $0xffff, v38  }
0x195: {  	[hbm4b:s7+s13] =	stream.indirect.scatter @!p2 [tilespmem:s17], [sflag:$0x3], $0x80, s29, s13, $0xb8;
	[tilespmem:$0x1F280] =	vst v63  }
0x196: {  	_ =	swait.ge @!p2 [sflag:s16], $0x4000  }
0x197: {  	s25 =	sadd.s32 $0x1, s25;
	s8 =	sadd.s32 $0x1, s8;
	[sflag:s16] =	ssyncset.done @!p2 $0x0  }
.Ltmp14:
0x198: {  	_ = 	snop;
	(pc) =	sbr.rel .LBB2_14-.Ltmp14, $1  }
0x199: {  	_ =	sdelay $0x3  }
.LBB2_10:
.Ltmp15:
0x19a: {  	(pc) =	sbr.rel .LBB2_24-.Ltmp15, $2  }
0x19b: {  	_ =	sdelay $0x2  }
0x19c: {  	s14 =	simm.s32 $0x0  }
.LBB2_22:
.Ltmp16:
0x19d: {  	(pc) =	sbr.rel .LBB2_24-.Ltmp16, $2  }
0x19e: {  	_ =	sdelay $0x2  }
0x19f: {  	s14 =	simm.s32 $0x0  }
.LBB2_16:
0x1a0: {  	p1 =	seq.s32 s0, $0x1E  }
0x1a1: {  	s3 =	sadd.s32 @!p1 s26, s10  }
0x1a2: {  	s8 =	simm.s32 @!p1 $0x1000;
	s9 =	simm.s32 @!p1 $0x7A1400;
	s3 =	smin.u32 @!p1 s3, $0xF4080  }
.Ltmp17:
0x1a3: {  	s12 =	simm.s32 @!p1 $0x0;
	s3 =	sadd.s32 @!p1 s4, s3;
	(pc) =	sbr.rel @p0 .LBB2_30-.Ltmp17, $4  }
0x1a4: {  	[tilespmem:s12], [sflag:$0x1] =	stream.strided.gather @!p1 [hbm4b:s3+s8], $0x8000, s9, s8, $0x38;
	[tilespmem:$0x1F280] =	vst v63  }
0x1a5: {  	_ =	swait.ge [sflag:s24], $0x8000  }
0x1a6: {  	[sflag:s24] =	ssyncset.done $0x0  }
0x1a7: {  	[sflag:s24] =	ssyncadd.s32 $0xFFFF8000  }
0x1a8: {  	s3 =	sadd.s32 s26, s1  }
.Ltmp18:
0x1a9: {  	s8 =	sadd.s32 $0x200, s3;
	(pc) =	sbr.rel .LBB2_18-.Ltmp18, $4  }
0x1aa: {  	s9 =	sadd.s32 $0x200, s8  }
0x1ab: {  	s12 =	smov.u32 s2;
	p2 =	slt.s32 s9, s2  }
0x1ac: {  	s28 =	simm.s32 $0x0;
	s12 =	smov.u32 @p2 s9  }
0x1ad: {  	s3 =	smin.u32 s8, $0xF4080;
	v36 =	vmov s8;
	s9 =	simm.s32 $0x0;
	v37 =	vmov s12;
	s12 =	simm.s32 $0x0  }
.LBB2_28:
0x1ae: {  	[sflag:s16] =	ssyncadd.s32 @!p3 $0xFFFFC000;
	s31 =	sadd.s32 $0x1, s31  }
.LBB2_29:
0x1af: {  	s12 =	sadd.s32 $0x1, s12  }
0x1b0: {  	p2 =	sne.s32 s12, s5  }
.Ltmp19:
0x1b1: {  	_ = 	snop;
	(pc) =	sbr.rel @!p2 .LBB2_30-.Ltmp19, $2  }
0x1b2: {  	_ =	sdelay $0x2  }
0x1b3: {  	s9 =	sadd.s32 $0x800, s9  }
.LBB2_18:
0x1b4: {  	s8 =	sshll.u32 s12, $0xB  }
0x1b5: {  	s8 =	ssub.s32 s30, s8  }
0x1b6: {  	p2 =	slt.s32 s8, $0x800  }
0x1b7: {  	p3 =	slt.s32 s8, $0xFFFFFFF2;
	s8 =	simm.s32 @!p2 $0x800  }
0x1b8: {  	s8 =	sadd.s32 $0xF, s8  }
0x1b9: {  	s13 =	sand.u32 $0xF, s8  }
0x1ba: {  	s29 =	sshra.s32 s8, $0x1F;
	p6 =	sne.s32 s13, $0x0  }
0x1bb: {  	s13 =	sshrl.u32 s29, $0x1C;
	p2 =	por !p3, !p6  }
0x1bc: {  	s8 =	sadd.s32 s13, s8;
	s13 =	simm.s32 $0x1;
	p2 =	por !p2, !p2  }
0x1bd: {  	s8 =	sshra.s32 s8, $0x4;
	s13 =	simm.s32 @!p2 $0x0  }
0x1be: {  	s14 =	ssub.s32 s8, s13  }
0x1bf: {  	p2 =	sgt.s32 s14, $0x0  }
.Ltmp20:
0x1c0: {  	_ = 	snop;
	(pc) =	sbr.rel @!p2 .LBB2_29-.Ltmp20, $1  }
0x1c1: {  	_ =	sdelay $0x3  }
0x1c2: {  	p3 =	seq.s32 s14, $0x1  }
.Ltmp21:
0x1c3: {  	_ = 	snop;
	(pc) =	sbr.rel @p3 .LBB2_20-.Ltmp21, $4  }
0x1c4: {  	s13 =	sadd.s32 s28, s9  }
0x1c5: {  	s16 =	sand.u32 $0x70, s28;
	s8 =	sand.u32 $0xFFFFFF80, s13  }
0x1c6: {  	s8 =	sor.u32 s16, s8  }
0x1c7: {  	s14 =	sadd.s32 $0xFFFFFFFF, s14;
	p2 =	por $0x0, $0x0;
	v39 =	vor.u32 s13, v3;
	v38 =	vld [tilespmem:s8+$0x12000]  }
0x1c8: {  	_ =	sdelay $0x3  }
0x1c9: {  	vm0 =	vlt.s32 v39, v35;
	vm1 =	vlt.s32 v38, v37  }
0x1ca: {  	vm2 =	vge.s32 v38, v36;
	vm0 =	vmand vm1, vm0  }
0x1cb: {  	vm0 =	vmand vm0, vm2  }
0x1cc: {  	v61 =	vmpcnt.ones.xlane vm0;
	v40 =	vsel vm0, $0x1, v2  }
0x1cd: {  	(xrf0) =	vadd.scan.msk.s32 $0xffff, v40  }
0x1ce: {  	(v2sf) =	vpush v61, $0x0;
	_ =	sdelay $0x3  }
0x1cf: {  	v62 =	vsel vm0, $0xFFFFFFFF, v2  }
0x1d0: {  	v39 =	vadd.s32 s28, v62;
	v40, _, _ =	vpop (xrf0)  }
0x1d1: {  	v39 =	vadd.s32 v40, v39  }
0x1d2: {  	v63 =	vld [tilespmem:s8+$0x16080];
	_ =	sdelay $0x1  }
0x1d3: {  	s17 =	sadd.s32 $0x10, s28  }
0x1d4: {  	p3 =	seq.s32 s14, $0x1;
	s13 =	sadd.s32 s17, s9  }
.Ltmp22:
0x1d5: {  	s16 =	sand.u32 $0x70, s17;
	s8 =	sand.u32 $0xFFFFFF80, s13;
	[tilespmem:v39+s21+$0x0] =	vst.idx.msk vm0, v38;
	(pc) =	sbr.rel @p3 .LBB2_33-.Ltmp22, $4  }
0x1d6: {  	s8 =	sor.u32 s16, s8;
	[tilespmem:v39+s22+$0x0] =	vst.idx.msk vm0, v63  }
0x1d7: {  	v38 =	vld [tilespmem:s8+$0x12000]  }
0x1d8: {  	s25 =	sadd.s32 $0xFFFFFFFF, s14  }
0x1d9: {  	p2 =	por $0x1, $0x1;
	s14 =	simm.s32 $0x0;
	v39 =	vor.u32 s13, v3;
	s29 =	spop (v2sf)  }
.LBB2_34:
0x1da: {  	p3 =	seq.s32 s25, $0x1;
	s25 =	sadd.s32 $0xFFFFFFFF, s25;
	s14 =	sadd.s32 s14, s29  }
0x1db: {  	_ = 	snop  }
0x1dc: {  	vm0 =	vlt.s32 v39, v35;
	vm1 =	vlt.s32 v38, v37  }
0x1dd: {  	vm2 =	vge.s32 v38, v36;
	vm0 =	vmand vm1, vm0  }
0x1de: {  	vm0 =	vmand vm0, vm2  }
0x1df: {  	v39 =	vsel vm0, $0xFFFFFFFF, v2;
	v40 =	vsel vm0, $0x1, v2;
	v41 =	vmpcnt.ones.xlane vm0  }
0x1e0: {  	(xrf0) =	vadd.scan.msk.s32 $0xffff, v40  }
0x1e1: {  	(v2sf) =	vpush v41, $0x0;
	_ =	sdelay $0x4  }
0x1e2: {  	v39 =	vadd.s32 s14, v39;
	v40, _, _ =	vpop (xrf0)  }
0x1e3: {  	v40 =	vadd.s32 v40, v39  }
0x1e4: {  	v41 =	vld [tilespmem:s8+$0x16080];
	_ =	sdelay $0x1  }
0x1e5: {  	s17 =	sadd.s32 $0x10, s17  }
0x1e6: {  	s8 =	sadd.s32 s17, s9  }
.Ltmp23:
0x1e7: {  	s16 =	sand.u32 $0x70, s17;
	s13 =	sand.u32 $0xFFFFFF80, s8;
	v39 =	vor.u32 s8, v3;
	[tilespmem:v40+s21+$0x0] =	vst.idx.msk vm0, v38;
	(pc) =	sbr.rel @!p3 .LBB2_34-.Ltmp23, $3  }
0x1e8: {  	s8 =	sor.u32 s16, s13;
	[tilespmem:v40+s22+$0x0] =	vst.idx.msk vm0, v41  }
0x1e9: {  	v38 =	vld [tilespmem:s8+$0x12000];
	_ =	sdelay $0x1  }
0x1ea: {  	s29 =	spop (v2sf)  }
.LBB2_35:
0x1eb: {  	_ =	sdelay $0x1  }
0x1ec: {  	vm0 =	vlt.s32 v39, v35;
	vm1 =	vlt.s32 v38, v37  }
0x1ed: {  	vm2 =	vge.s32 v38, v36;
	vm0 =	vmand vm1, vm0  }
0x1ee: {  	vm0 =	vmand vm0, vm2  }
0x1ef: {  	v60 =	vmpcnt.ones.xlane vm0;
	_ =	sdelay $0x1  }
0x1f0: {  	(v2sf) =	vpush v60, $0x0;
	_ =	sdelay $0x1  }
0x1f1: {  	v61 =	vsel vm0, $0x1, v2  }
0x1f2: {  	(xrf0) =	vadd.scan.msk.s32 $0xffff, v61;
	_ =	sdelay $0x3  }
0x1f3: {  	s13 =	sadd.s32 @p2 s14, s29;
	s14 =	simm.s32 $0x0  }
0x1f4: {  	s14 =	smov.u32 @p2 s13;
	v62 =	vsel vm0, $0xFFFFFFFF, v2  }
0x1f5: {  	v39 =	vadd.s32 s14, v62;
	v40, _, _ =	vpop (xrf0)  }
0x1f6: {  	v39 =	vadd.s32 v40, v39  }
0x1f7: {  	v63 =	vld [tilespmem:s8+$0x16080];
	_ =	sdelay $0x3  }
0x1f8: {  	[tilespmem:v39+s21+$0x0] =	vst.idx.msk vm0, v38;
	s29 =	spop (v2sf)  }
0x1f9: {  	[tilespmem:v39+s22+$0x0] =	vst.idx.msk vm0, v63;
	s8 =	sadd.s32 s14, s29  }
0x1fa: {  	p2 =	slt.s32 s8, $0x1  }
.Ltmp24:
0x1fb: {  	_ = 	snop;
	(pc) =	sbr.rel @p2 .LBB2_29-.Ltmp24, $1  }
0x1fc: {  	_ =	sdelay $0x3  }
0x1fd: {  	s16 =	simm.s32 $0x1A100  }
0x1fe: {  	v38 =	vld [tilespmem:s16+$0x0];
	_ =	sdelay $0x4  }
0x1ff: {  	(v2sf) =	vpush v38, $0x0;
	_ =	sdelay $0xe  }
0x200: {  	s13 =	spop (v2sf)  }
0x201: {  	s13 =	ssub.s32 s13, s3  }
0x202: {  	v59 =	vmov s13  }
0x203: {  	v39 =	vshll.u32 v59, $0x3  }
0x204: {  	v38 =	vand.u32 $0x7F, v59;
	v39 =	vand.u32 $0xFFFFFC00, v39  }
0x205: {  	s25 =	sshra.s32 s31, $0x1F;
	v38 =	vor.u32 v38, v39  }
0x206: {  	s13 =	sshrl.u32 s25, $0x19;
	v39 =	vadd.s32 v12, v38  }
0x207: {  	s13 =	sadd.s32 s13, s31  }
0x208: {  	s13 =	sand.u32 $0xFFFFFF80, s13  }
0x209: {  	s13 =	ssub.s32 s31, s13  }
0x20a: {  	s29 =	sshll.u32 s13, $0x7  }
0x20b: {  	v40 =	vor.u32 s29, v3;
	v39 =	vld.idx.msk [tilespmem:v39+s6+$0x0], $0xffff  }
0x20c: {  	v41 =	vadd.s32 v13, v38;
	_ =	sdelay $0x2  }
0x20d: {  	s14 =	simm.s32 $0x1A980  }
0x20e: {  	v42 =	vld.msk [tilespmem:s14+$0x0 ss:$0x0], $0xffff;
	[tilespmem:v40+s23+$0x0] =	vst.idx.msk $0xffff, v39  }
0x20f: {  	v60 =	vor.u32 s29, v6;
	v39 =	vld.idx.msk [tilespmem:v41+s6+$0x0], $0xffff  }
0x210: {  	v61 =	vadd.s32 v14, v38;
	_ =	sdelay $0x3  }
0x211: {  	[tilespmem:v60+s23+$0x0] =	vst.idx.msk $0xffff, v39  }
0x212: {  	v62 =	vor.u32 s29, v8;
	v39 =	vld.idx.msk [tilespmem:v61+s6+$0x0], $0xffff  }
0x213: {  	v38 =	vadd.s32 v15, v38;
	_ =	sdelay $0x2  }
0x214: {  	p3 =	sne.s32 s13, $0x7F  }
0x215: {  	[tilespmem:v62+s23+$0x0] =	vst.idx.msk $0xffff, v39;
	v39 =	vlaneseq.u32 @!p3  }
0x216: {  	v63 =	vor.u32 s29, v10;
	v38 =	vld.idx.msk [tilespmem:v38+s6+$0x0], $0xffff;
	v41 =	vmul.u32 @!p3 $0x80, v39  }
0x217: {  	v43 =	vor.u32 s29, v11  }
0x218: {  	v44 =	vor.u32 @!p3 $0x40, v41;
	_ =	sdelay $0x2  }
0x219: {  	[tilespmem:v63+s23+$0x0] =	vst.idx.msk $0xffff, v38  }
0x21a: {  	s13 =	simm.s32 @!p3 $0x1B200;
	[tilespmem:v43+s23+$0x0] =	vst.idx.msk $0xffff, v42  }
0x21b: {  	v38 =	vld.idx.msk @!p3 [tilespmem:v44+s13+$0x0], $0xffff  }
0x21c: {  	v40 =	vor.u32 @!p3 $0x840, v41;
	_ =	sdelay $0x2  }
0x21d: {  	s17 =	simm.s32 @!p3 $0x1F200  }
0x21e: {  	[tilespmem:v39+s17+$0x0] =	vst.idx.msk @!p3 $0xffff, v38  }
0x21f: {  	v38 =	vor.u32 @!p3 $0x10, v39;
	v40 =	vld.idx.msk @!p3 [tilespmem:v40+s13+$0x0], $0xffff  }
0x220: {  	v42 =	vor.u32 @!p3 $0x1040, v41;
	_ =	sdelay $0x3  }
0x221: {  	[tilespmem:v38+s17+$0x0] =	vst.idx.msk @!p3 $0xffff, v40  }
0x222: {  	v38 =	vor.u32 @!p3 $0x20, v39;
	v40 =	vld.idx.msk @!p3 [tilespmem:v42+s13+$0x0], $0xffff  }
0x223: {  	v42 =	vor.u32 @!p3 $0x1840, v41;
	_ =	sdelay $0x3  }
0x224: {  	[tilespmem:v38+s17+$0x0] =	vst.idx.msk @!p3 $0xffff, v40  }
0x225: {  	v38 =	vor.u32 @!p3 $0x30, v39;
	v40 =	vld.idx.msk @!p3 [tilespmem:v42+s13+$0x0], $0xffff  }
0x226: {  	v42 =	vor.u32 @!p3 $0x2040, v41;
	_ =	sdelay $0x3  }
0x227: {  	[tilespmem:v38+s17+$0x0] =	vst.idx.msk @!p3 $0xffff, v40  }
0x228: {  	v38 =	vor.u32 @!p3 $0x40, v39;
	v40 =	vld.idx.msk @!p3 [tilespmem:v42+s13+$0x0], $0xffff  }
0x229: {  	v42 =	vor.u32 @!p3 $0x2840, v41;
	_ =	sdelay $0x3  }
0x22a: {  	[tilespmem:v38+s17+$0x0] =	vst.idx.msk @!p3 $0xffff, v40  }
0x22b: {  	v38 =	vor.u32 @!p3 $0x50, v39;
	v40 =	vld.idx.msk @!p3 [tilespmem:v42+s13+$0x0], $0xffff  }
0x22c: {  	v42 =	vor.u32 @!p3 $0x3040, v41;
	_ =	sdelay $0x3  }
0x22d: {  	[tilespmem:v38+s17+$0x0] =	vst.idx.msk @!p3 $0xffff, v40  }
0x22e: {  	v38 =	vor.u32 @!p3 $0x60, v39;
	v40 =	vld.idx.msk @!p3 [tilespmem:v42+s13+$0x0], $0xffff  }
0x22f: {  	v41 =	vor.u32 @!p3 $0x3840, v41;
	_ =	sdelay $0x3  }
0x230: {  	[tilespmem:v38+s17+$0x0] =	vst.idx.msk @!p3 $0xffff, v40  }
0x231: {  	v38 =	vor.u32 @!p3 $0x70, v39;
	v39 =	vld.idx.msk @!p3 [tilespmem:v41+s13+$0x0], $0xffff;
	_ =	sdelay $0x1  }
0x232: {  	s14 =	sadd.s32 $0xFFFFFFFF, s8  }
0x233: {  	p2 =	sne.s32 s14, $0x0  }
.Ltmp25:
0x234: {  	_ = 	snop;
	(pc) =	sbr.rel @!p2 .LBB2_28-.Ltmp25, $4  }
0x235: {  	s8 =	simm.s32 @!p3 $0x80;
	s16 =	simm.s32 @!p3 $0x3;
	[tilespmem:v38+s17+$0x0] =	vst.idx.msk @!p3 $0xffff, v39  }
0x236: {  	[hbm4b:s7+s8] =	stream.indirect.scatter @!p3 [tilespmem:s13], [sflag:$0x3], $0x80, s17, s8, $0xb8;
	[tilespmem:$0x1F280] =	vst v63  }
0x237: {  	_ =	swait.ge @!p3 [sflag:s16], $0x4000  }
0x238: {  	s25 =	simm.s32 $0x1A101;
	s8 =	simm.s32 $0x1A981;
	[sflag:s16] =	ssyncset.done @!p3 $0x0  }
.LBB2_27:
0x239: {  	s14 =	sadd.s32 $0xFFFFFFFF, s14;
	[sflag:s16] =	ssyncadd.s32 @!p3 $0xFFFFC000;
	s31 =	sadd.s32 $0x1, s31  }
0x23a: {  	v38 =	vld [tilespmem:s25+$0x0];
	p2 =	sne.s32 s14, $0x0;
	_ =	sdelay $0x4  }
0x23b: {  	(v2sf) =	vpush v38, $0x0;
	_ =	sdelay $0xe  }
0x23c: {  	s13 =	spop (v2sf)  }
0x23d: {  	s13 =	ssub.s32 s13, s3  }
0x23e: {  	v38 =	vmov s13  }
0x23f: {  	v39 =	vshll.u32 v38, $0x3  }
0x240: {  	v38 =	vand.u32 $0x7F, v38;
	v39 =	vand.u32 $0xFFFFFC00, v39  }
0x241: {  	v38 =	vor.u32 v38, v39  }
0x242: {  	s13 =	sshra.s32 s31, $0x1F;
	v39 =	vadd.s32 v12, v38  }
0x243: {  	s13 =	sshrl.u32 s13, $0x19  }
0x244: {  	s13 =	sadd.s32 s13, s31  }
0x245: {  	s13 =	sand.u32 $0xFFFFFF80, s13  }
0x246: {  	s13 =	ssub.s32 s31, s13  }
0x247: {  	s16 =	sshll.u32 s13, $0x7;
	v39 =	vld.idx.msk [tilespmem:v39+s6+$0x0], $0xffff  }
0x248: {  	v40 =	vor.u32 s16, v3  }
0x249: {  	v41 =	vadd.s32 v13, v38;
	_ =	sdelay $0x2  }
0x24a: {  	v42 =	vld.msk [tilespmem:s8+$0x0 ss:$0x0], $0xffff  }
0x24b: {  	[tilespmem:v40+s23+$0x0] =	vst.idx.msk $0xffff, v39  }
0x24c: {  	v39 =	vld.idx.msk [tilespmem:v41+s6+$0x0], $0xffff  }
0x24d: {  	v40 =	vor.u32 s16, v6  }
0x24e: {  	v41 =	vadd.s32 v14, v38;
	_ =	sdelay $0x3  }
0x24f: {  	[tilespmem:v40+s23+$0x0] =	vst.idx.msk $0xffff, v39  }
0x250: {  	v39 =	vld.idx.msk [tilespmem:v41+s6+$0x0], $0xffff  }
0x251: {  	v40 =	vor.u32 s16, v8  }
0x252: {  	v38 =	vadd.s32 v15, v38;
	_ =	sdelay $0x3  }
0x253: {  	p3 =	sne.s32 s13, $0x7F;
	[tilespmem:v40+s23+$0x0] =	vst.idx.msk $0xffff, v39  }
0x254: {  	v39 =	vlaneseq.u32 @!p3;
	v38 =	vld.idx.msk [tilespmem:v38+s6+$0x0], $0xffff  }
0x255: {  	v40 =	vor.u32 s16, v10;
	v41 =	vmul.u32 @!p3 $0x80, v39;
	v43 =	vor.u32 @!p3 $0x20, v39  }
0x256: {  	v44 =	vor.u32 s16, v11;
	v45 =	vor.u32 @!p3 $0x10, v39;
	v46 =	vor.u32 @!p3 $0x30, v39  }
0x257: {  	v47 =	vor.u32 @!p3 $0x40, v41;
	v48 =	vor.u32 @!p3 $0x840, v41;
	v49 =	vor.u32 @!p3 $0x1040, v41  }
0x258: {  	v50 =	vor.u32 @!p3 $0x1840, v41;
	v51 =	vor.u32 @!p3 $0x2040, v41;
	v52 =	vor.u32 @!p3 $0x2840, v41  }
0x259: {  	v53 =	vor.u32 @!p3 $0x40, v39;
	v54 =	vor.u32 @!p3 $0x50, v39;
	v55 =	vor.u32 @!p3 $0x3040, v41  }
0x25a: {  	[tilespmem:v40+s23+$0x0] =	vst.idx.msk $0xffff, v38;
	v38 =	vor.u32 @!p3 $0x60, v39;
	v40 =	vor.u32 @!p3 $0x3840, v41;
	v41 =	vor.u32 @!p3 $0x70, v39  }
0x25b: {  	s17 =	simm.s32 @!p3 $0x1B200;
	[tilespmem:v44+s23+$0x0] =	vst.idx.msk $0xffff, v42  }
0x25c: {  	v42 =	vld.idx.msk @!p3 [tilespmem:v47+s17+$0x0], $0xffff;
	_ =	sdelay $0x4  }
0x25d: {  	s29 =	simm.s32 @!p3 $0x1F200  }
0x25e: {  	[tilespmem:v39+s29+$0x0] =	vst.idx.msk @!p3 $0xffff, v42  }
0x25f: {  	v39 =	vld.idx.msk @!p3 [tilespmem:v48+s17+$0x0], $0xffff;
	_ =	sdelay $0x5  }
0x260: {  	[tilespmem:v45+s29+$0x0] =	vst.idx.msk @!p3 $0xffff, v39  }
0x261: {  	v39 =	vld.idx.msk @!p3 [tilespmem:v49+s17+$0x0], $0xffff;
	_ =	sdelay $0x5  }
0x262: {  	[tilespmem:v43+s29+$0x0] =	vst.idx.msk @!p3 $0xffff, v39  }
0x263: {  	v39 =	vld.idx.msk @!p3 [tilespmem:v50+s17+$0x0], $0xffff;
	_ =	sdelay $0x5  }
0x264: {  	[tilespmem:v46+s29+$0x0] =	vst.idx.msk @!p3 $0xffff, v39  }
0x265: {  	v39 =	vld.idx.msk @!p3 [tilespmem:v51+s17+$0x0], $0xffff;
	_ =	sdelay $0x5  }
0x266: {  	[tilespmem:v53+s29+$0x0] =	vst.idx.msk @!p3 $0xffff, v39  }
0x267: {  	v39 =	vld.idx.msk @!p3 [tilespmem:v52+s17+$0x0], $0xffff;
	_ =	sdelay $0x5  }
0x268: {  	[tilespmem:v54+s29+$0x0] =	vst.idx.msk @!p3 $0xffff, v39  }
0x269: {  	v39 =	vld.idx.msk @!p3 [tilespmem:v55+s17+$0x0], $0xffff;
	_ =	sdelay $0x5  }
0x26a: {  	[tilespmem:v38+s29+$0x0] =	vst.idx.msk @!p3 $0xffff, v39  }
0x26b: {  	v38 =	vld.idx.msk @!p3 [tilespmem:v40+s17+$0x0], $0xffff;
	_ =	sdelay $0x4  }
.Ltmp26:
0x26c: {  	(pc) =	sbr.rel @p2 .LBB2_27-.Ltmp26, $4  }
0x26d: {  	s13 =	simm.s32 @!p3 $0x80;
	s16 =	simm.s32 @!p3 $0x3;
	[tilespmem:v41+s29+$0x0] =	vst.idx.msk @!p3 $0xffff, v38  }
0x26e: {  	[hbm4b:s7+s13] =	stream.indirect.scatter @!p3 [tilespmem:s17], [sflag:$0x3], $0x80, s29, s13, $0xb8;
	[tilespmem:$0x1F280] =	vst v63  }
0x26f: {  	_ =	swait.ge @!p3 [sflag:s16], $0x4000  }
0x270: {  	s25 =	sadd.s32 $0x1, s25;
	s8 =	sadd.s32 $0x1, s8;
	[sflag:s16] =	ssyncset.done @!p3 $0x0  }
.Ltmp27:
0x271: {  	_ = 	snop;
	(pc) =	sbr.rel .LBB2_28-.Ltmp27, $1  }
0x272: {  	_ =	sdelay $0x3  }
.LBB2_20:
.Ltmp28:
0x273: {  	(pc) =	sbr.rel .LBB2_35-.Ltmp28, $2  }
0x274: {  	_ =	sdelay $0x2  }
0x275: {  	s14 =	simm.s32 $0x0  }
.LBB2_33:
.Ltmp29:
0x276: {  	(pc) =	sbr.rel .LBB2_35-.Ltmp29, $2  }
0x277: {  	_ =	sdelay $0x2  }
0x278: {  	s14 =	simm.s32 $0x0  }
.LBB2_30:
.Ltmp30:
0x279: {  	(pc) =	sbr.rel @p1 .LBB2_36-.Ltmp30, $1  }
0x27a: {  	_ =	sdelay $0x3  }
.Ltmp31:
0x27b: {  	(pc) =	sbr.rel .LBB2_6-.Ltmp31, $4  }
0x27c: {  	s3 =	sadd.s32 s26, s11  }
0x27d: {  	s8 =	simm.s32 $0x1000;
	s3 =	smin.u32 s3, $0xF4080  }
0x27e: {  	s9 =	simm.s32 $0x8000;
	s0 =	sadd.s32 $0x1, s0;
	s3 =	sadd.s32 s4, s3  }
0x27f: {  	[tilespmem:s9], [sflag:$0x2] =	stream.strided.gather [hbm4b:s3+s8], $0x8000, s15, s8, $0x38;
	[tilespmem:$0x1F280] =	vst v63  }
.LBB2_37:
0x280: {  	_ =	sfence.sel $0x180000  }
0x281: {  	[bflag:$0x0] =	sbarrier.arrive $0xFFFF  }
0x282: {  	_ =	strace $0x90000047  }
0x283: {  	s0 =	stileid.u32;
	[bflag:$0x2] =	sbarrier.arrive $0xFFFF  }
0x284: {  	p0 =	sne.s32 s0, $0x0;
	s0 =	rddreg [dreg:$0x3]  }
0x285: {  	s0 =	sadd.s32 @!p0 $0x100000, s0  }
0x286: {  	[sflag:s0] =	ssyncadd.tile.s32 @!p0 $0x1;
	_ =	shalt  }
.Lfunc_end2:
_tile_overlayer_lowered:
.L_overlay_start_2:
0x287: {  	(tag) =	ssettag $0x2  }
0x288: {  	s0 =	rddreg [dreg:$0x0];
	s2 =	stileid.u32  }
0x289: {  	s1 =	rddreg [dreg:$0x1];
	p0 =	sne.s32 s2, $0x0  }
0x28a: {  	s3 =	rddreg [dreg:$0x2];
	[bflag:$0x3] =	sbarrier.arrive $0xFFFF;
	s2 =	simm.s32 @!p0 $0x1C04  }
0x28b: {  	[timem:s3], [sflag:s2] =	dma.local @!p0 [hbm:s0], s1  }
0x28c: {  	s0 =	simm.s32 @!p0 $0x4  }
0x28d: {  	_ =	swait.ge @!p0 [sflag:s0], s1  }
0x28e: {  	s1 =	ssub.s32 @!p0 $0x0, s1;
	[sflag:s0] =	ssyncset.done @!p0 $0x0  }
0x28f: {  	[sflag:s0] =	ssyncadd.s32 @!p0 s1  }
0x290: {  	[bflag:$0x3] =	sbarrier.arrive $0xFFFF  }
0x291: {  	_ =	shalt  }

</sc_bundles>
